<compile_context>
chip_gen: v7x
topology: tpu7x:2x2x1
jax: 0.10.2.dev20260603
libtpu: 0.0.44.dev20260713+nightly
codegen_flags: <defaults>
</compile_context>

<pallas_src>
import functools

import jax
import jax.numpy as jnp
from jax import lax
from jax.experimental import pallas as pl
from jax.experimental.pallas import tpu as pltpu
from jax.experimental.pallas import tpu_sc as plsc

N = 10000
NPAD = 10240
E = 160000
H = 256
HP = H // 2
G = 128

BN = 2048
NB = NPAD // BN

RPK = 4
NTILES = 32
CHUNK = 1600
NCH = E // CHUNK
GRP = CHUNK // 16

_DN_NT = (((1,), (1,)), ((), ()))
_DN_NN = (((1,), (0,)), ((), ()))


def _pack_rows(even_f32, odd_f32):
    pe = lax.bitcast_convert_type(even_f32.astype(jnp.bfloat16), jnp.uint16)
    po = lax.bitcast_convert_type(odd_f32.astype(jnp.bfloat16), jnp.uint16)
    word = pe.astype(jnp.uint32) | (po.astype(jnp.uint32) << 16)
    return lax.bitcast_convert_type(word, jnp.int32)



def _dense1_body(we_ref, wo_ref, wroot_ref, b_ref, x_ref, pk_ref, r_ref):
    x = x_ref[...].astype(jnp.bfloat16)
    ye = lax.dot_general(we_ref[...], x, _DN_NT,
                         preferred_element_type=jnp.float32)
    yo = lax.dot_general(wo_ref[...], x, _DN_NT,
                         preferred_element_type=jnp.float32)
    pk_ref[...] = _pack_rows(ye, yo)
    r_ref[...] = lax.dot_general(wroot_ref[...], x, _DN_NT,
                                 preferred_element_type=jnp.float32) + b_ref[...]


def _dense2_body(we_ref, wo_ref, wroot_ref, b_ref, agg_ref, r_ref,
                 pk_ref, r2_ref):
    h = jnp.maximum(agg_ref[...] + r_ref[...], 0.0).astype(jnp.bfloat16)
    ye = lax.dot_general(we_ref[...], h, _DN_NN,
                         preferred_element_type=jnp.float32)
    yo = lax.dot_general(wo_ref[...], h, _DN_NN,
                         preferred_element_type=jnp.float32)
    pk_ref[...] = _pack_rows(ye, yo)
    r2_ref[...] = lax.dot_general(wroot_ref[...], h, _DN_NN,
                                  preferred_element_type=jnp.float32) + b_ref[...]


def _pool_mlp_body(wp_ref, bp_ref, wf_ref, bf_ref, agg_ref, r_ref, batch_ref,
                   o_ref, sums_ref, cnt_ref):
    k = pl.program_id(0)

    @pl.when(k == 0)
    def _():
        sums_ref[...] = jnp.zeros_like(sums_ref)
        cnt_ref[...] = jnp.zeros_like(cnt_ref)

    h = jnp.maximum(agg_ref[...] + r_ref[...], 0.0)
    bm = batch_ref[0]
    h = jnp.where(bm >= 0, h, 0.0)
    b = bm.reshape(BN, 1)
    gids = lax.broadcasted_iota(jnp.int32, (BN, G), 1)
    oh = jnp.where(b == gids, 1.0, 0.0)
    sums_ref[...] += lax.dot_general(h, oh, _DN_NN,
                                     preferred_element_type=jnp.float32)
    cnt_ref[...] += jnp.sum(oh, axis=0, keepdims=True)

    @pl.when(k == NB - 1)
    def _():
        pooled = sums_ref[...] / jnp.maximum(cnt_ref[...], 1.0)
        z = lax.dot_general(wp_ref[...], pooled, _DN_NN,
                            preferred_element_type=jnp.float32) + bp_ref[...]
        z = jnp.maximum(z, 0.0)
        o = lax.dot_general(wf_ref[...], z, (((0,), (0,)), ((), ())),
                            preferred_element_type=jnp.float32) + bf_ref[...]
        o_ref[...] = jnp.broadcast_to(1.0 / (1.0 + jnp.exp(-o)), (8, G))


def _full(shape):
    return pl.BlockSpec(shape, lambda i: tuple(0 for _ in shape))


_dense1 = pl.pallas_call(
    _dense1_body,
    grid=(NB,),
    in_specs=[
        _full((HP, H)), _full((HP, H)), _full((H, H)), _full((H, 1)),
        pl.BlockSpec((BN, H), lambda i: (i, 0)),
    ],
    out_specs=[
        pl.BlockSpec((HP, BN), lambda i: (0, i)),
        pl.BlockSpec((H, BN), lambda i: (0, i)),
    ],
    out_shape=[
        jax.ShapeDtypeStruct((HP, NPAD), jnp.int32),
        jax.ShapeDtypeStruct((H, NPAD), jnp.float32),
    ],
)

_dense2 = pl.pallas_call(
    _dense2_body,
    grid=(NB,),
    in_specs=[
        _full((HP, H)), _full((HP, H)), _full((H, H)), _full((H, 1)),
        pl.BlockSpec((H, BN), lambda i: (0, i)),
        pl.BlockSpec((H, BN), lambda i: (0, i)),
    ],
    out_specs=[
        pl.BlockSpec((HP, BN), lambda i: (0, i)),
        pl.BlockSpec((H, BN), lambda i: (0, i)),
    ],
    out_shape=[
        jax.ShapeDtypeStruct((HP, NPAD), jnp.int32),
        jax.ShapeDtypeStruct((H, NPAD), jnp.float32),
    ],
)

_pool_mlp = pl.pallas_call(
    _pool_mlp_body,
    grid=(NB,),
    in_specs=[
        _full((H, H)), _full((H, 1)), _full((H, 1)), _full((1, 1)),
        pl.BlockSpec((H, BN), lambda i: (0, i)),
        pl.BlockSpec((H, BN), lambda i: (0, i)),
        pl.BlockSpec((1, 1, BN), lambda i: (i, 0, 0)),
    ],
    out_specs=pl.BlockSpec((8, G), lambda i: (0, 0)),
    out_shape=jax.ShapeDtypeStruct((8, G), jnp.float32),
    scratch_shapes=[
        pltpu.VMEM((H, G), jnp.float32),
        pltpu.VMEM((1, G), jnp.float32),
    ],
)



def _make_segsum():
    mesh = plsc.VectorSubcoreMesh(core_axis_name="c", subcore_axis_name="s")

    @functools.partial(
        pl.kernel,
        out_type=jax.ShapeDtypeStruct((H, NPAD), jnp.float32),
        mesh=mesh,
        compiler_params=pltpu.CompilerParams(
            use_tc_tiling_on_sc=False, needs_layout_passes=False),
        scratch_types=[
            pltpu.VMEM((RPK, NPAD), jnp.int32),
            pltpu.VMEM((2 * RPK, NPAD), jnp.float32),
            pltpu.VMEM((2, CHUNK), jnp.int32),
            pltpu.VMEM((2, CHUNK), jnp.int32),
            pltpu.SemaphoreType.DMA,
            pltpu.SemaphoreType.DMA,
            pltpu.SemaphoreType.DMA,
        ],
    )
    def seg(pk_hbm, e_hbm, out_hbm,
            table, acc, e_a, e_b, sem_a, sem_b, sem_tb):
        cid = lax.axis_index("c")
        sid = lax.axis_index("s")
        wid = sid * 2 + cid

        def start(g, ebuf, sem):
            pltpu.async_copy(e_hbm.at[g], ebuf, sem)

        def wait(ebuf, sem):
            pltpu.make_async_copy(e_hbm.at[0], ebuf, sem).wait()

        def process(ebuf):
            @plsc.parallel_loop(0, CHUNK, step=16, unroll=4)
            def gbody(base):
                sd = ebuf[0, pl.ds(base, 16)]
                sv = sd & 16383
                dv = (sd >> 14) & 16383
                wv = plsc.bitcast(ebuf[1, pl.ds(base, 16)], jnp.float32)
                for c in range(RPK):
                    cv = jnp.full((16,), c, jnp.int32)
                    gw = plsc.load_gather(table, [cv, sv])
                    bf = plsc.bitcast(gw, jnp.bfloat16)
                    lo, hi = plsc.unpack(bf, format=plsc.PackFormat.INTERLEAVED,
                                         preferred_element_type=jnp.float32)
                    plsc.addupdate_scatter(
                        acc, [jnp.full((16,), 2 * c, jnp.int32), dv], lo * wv)
                    plsc.addupdate_scatter(
                        acc, [jnp.full((16,), 2 * c + 1, jnp.int32), dv], hi * wv)

        r0 = wid * RPK
        tbl_cp = pltpu.async_copy(pk_hbm.at[pl.ds(r0, RPK), :], table, sem_tb)

        zeros16 = jnp.zeros((16,), jnp.float32)

        @plsc.parallel_loop(0, NPAD, step=32, unroll=4)
        def zbody(i):
            for r in range(2 * RPK):
                for u in range(2):
                    acc[r, pl.ds(i + u * 16, 16)] = zeros16

        tbl_cp.wait()

        start(0, e_a, sem_a)
        start(1, e_b, sem_b)

        def chunk_body(g2, carry):
            ga = g2 * 2
            wait(e_a, sem_a)
            process(e_a)

            @pl.when(ga + 2 < NCH)
            def _():
                start(ga + 2, e_a, sem_a)

            wait(e_b, sem_b)
            process(e_b)

            @pl.when(ga + 3 < NCH)
            def _():
                start(ga + 3, e_b, sem_b)
            return carry

        lax.fori_loop(0, NCH // 2, chunk_body, 0)

        pltpu.sync_copy(acc, out_hbm.at[pl.ds(wid * 2 * RPK, 2 * RPK), :])

    return seg


@functools.cache
def _get_segsum():
    return _make_segsum()


def kernel(x_static_graph, edge_index, edge_weight, batch, target_index,
           W1_rel, b1, W1_root, W2_rel, b2, W2_root, Wp, bp, Wf, bf):
    batch_pad = jnp.pad(batch, (0, NPAD - N), constant_values=-1)
    batch3d = batch_pad.reshape(NB, 1, BN)
    sd = edge_index[0] | (edge_index[1] << 14)
    wb = lax.bitcast_convert_type(edge_weight, jnp.int32)
    edges = jnp.stack([sd.reshape(NCH, CHUNK), wb.reshape(NCH, CHUNK)],
                      axis=1)

    segsum = _get_segsum()
    bft = jnp.bfloat16
    y1pk, r1 = _dense1(W1_rel[0::2].astype(bft), W1_rel[1::2].astype(bft),
                       W1_root.astype(bft), b1.reshape(H, 1), x_static_graph)
    agg1 = segsum(y1pk, edges)
    y2pk, r2 = _dense2(W2_rel[0::2].astype(bft), W2_rel[1::2].astype(bft),
                       W2_root.astype(bft), b2.reshape(H, 1), agg1, r1)
    agg2 = segsum(y2pk, edges)
    o = _pool_mlp(Wp, bp.reshape(H, 1), Wf.reshape(H, 1), bf.reshape(1, 1),
                  agg2, r2, batch3d)
    return o[0:1, :].reshape(G, 1)

# --- scband reference (transcript-rebuilt; emitter-appended) ---
"""Pipeline reference for scband-gnn-81131932221639 (READ-ONLY COPY).

The authoritative reference and input builder live on the scoring server;
editing this copy changes nothing except your own understanding.
"""

import jax, jax.numpy as jnp
import numpy as np

N = 10000
E = 160000
D = 256
H = 256
G = 128


def setup_inputs(seed: int = 0) -> dict:
    key = jax.random.key(seed)
    ks = jax.random.split(key, 16)
    x_static_graph = jax.random.normal(ks[0], (N, D), dtype=jnp.float32)
    edge_index = jax.random.randint(ks[1], (2, E), 0, N, dtype=jnp.int32)
    edge_weight = jax.random.uniform(ks[2], (E,), dtype=jnp.float32)
    batch = jnp.sort(jax.random.randint(ks[3], (N,), 0, G, dtype=jnp.int32))
    target_index = jax.random.randint(ks[4], (G,), 0, N, dtype=jnp.int32)
    s1 = 1.0 / np.sqrt(D)
    s2 = 1.0 / np.sqrt(H)
    W1_rel = jax.random.uniform(ks[5], (H, D), jnp.float32, -s1, s1)
    b1 = jax.random.uniform(ks[6], (H,), jnp.float32, -s1, s1)
    W1_root = jax.random.uniform(ks[7], (H, D), jnp.float32, -s1, s1)
    W2_rel = jax.random.uniform(ks[8], (H, H), jnp.float32, -s2, s2)
    b2 = jax.random.uniform(ks[9], (H,), jnp.float32, -s2, s2)
    W2_root = jax.random.uniform(ks[10], (H, H), jnp.float32, -s2, s2)
    Wp = jax.random.uniform(ks[11], (H, H), jnp.float32, -s2, s2)
    bp = jax.random.uniform(ks[12], (H,), jnp.float32, -s2, s2)
    Wf = jax.random.uniform(ks[13], (1, H), jnp.float32, -s2, s2)
    bf = jax.random.uniform(ks[14], (1,), jnp.float32, -s2, s2)
    return {
        "x_static_graph": x_static_graph,
        "edge_index": edge_index,
        "edge_weight": edge_weight,
        "batch": batch,
        "target_index": target_index,
        "W1_rel": W1_rel, "b1": b1, "W1_root": W1_root,
        "W2_rel": W2_rel, "b2": b2, "W2_root": W2_root,
        "Wp": Wp, "bp": bp, "Wf": Wf, "bf": bf,
    }


def _graph_conv(x, edge_index, edge_weight, W_rel, b, W_root):
    # PyG GraphConv: out_i = W_root x_i + W_rel * sum_{j->i} e_ji x_j + b
    src = edge_index[0]
    dst = edge_index[1]
    msg = jnp.take(x, src, axis=0) * edge_weight[:, None]
    agg = jax.ops.segment_sum(msg, dst, num_segments=x.shape[0])
    return agg @ W_rel.T + b + x @ W_root.T


def reference(x_static_graph, edge_index, edge_weight, batch, target_index,
              W1_rel, b1, W1_root, W2_rel, b2, W2_root, Wp, bp, Wf, bf):
    h = jax.nn.relu(_graph_conv(x_static_graph, edge_index, edge_weight, W1_rel, b1, W1_root))
    h = jax.nn.relu(_graph_conv(h, edge_index, edge_weight, W2_rel, b2, W2_root))
    # global_mean_pool over the batch vector
    sums = jax.ops.segment_sum(h, batch, num_segments=G)
    cnt = jax.ops.segment_sum(jnp.ones((h.shape[0],), jnp.float32), batch, num_segments=G)
    pooled = sums / jnp.clip(cnt, 1.0, None)[:, None]
    # dropout is identity in eval mode
    out = jax.nn.relu(pooled @ Wp.T + bp)
    out = jax.nn.sigmoid(out @ Wf.T + bf)
    return out

if __name__ == "__main__":
    import jax
    _d = setup_inputs()
    print(jax.jit(kernel)(*tuple(_d.values())))

</pallas_src>

<mosaic_0001>
#map = affine_map<(d0, d1) -> (0, 0)>
#map1 = affine_map<(d0, d1) -> (0, 0, 0)>
module attributes {stable_mosaic.version = 14 : i64} {
  func.func @seg(%arg0: i32, %arg1: i32, %arg2: memref<128x10240xi32, #tpu.memory_space<hbm>>, %arg3: memref<100x2x1600xi32, #tpu.memory_space<hbm>>, %arg4: memref<256x10240xf32, #tpu.memory_space<hbm>>, %arg5: memref<4x10240xi32, #tpu.memory_space<vmem>>, %arg6: memref<8x10240xf32, #tpu.memory_space<vmem>>, %arg7: memref<2x1600xi32, #tpu.memory_space<vmem>>, %arg8: memref<2x1600xi32, #tpu.memory_space<vmem>>, %arg9: memref<!tpu.dma_semaphore, #tpu.memory_space<semaphore_mem>>, %arg10: memref<!tpu.dma_semaphore, #tpu.memory_space<semaphore_mem>>, %arg11: memref<!tpu.dma_semaphore, #tpu.memory_space<semaphore_mem>>) attributes {dimension_semantics = [#tpu.dimension_semantics<core_parallel>, #tpu.dimension_semantics<subcore_parallel>], iteration_bounds = array<i64: 2, 16>, scalar_prefetch = 0 : i64, scratch_operands = 7 : i64, tpu.core_type = #tpu.core_type<sc_vector_subcore>, window_params = [{transform_indices = #map}, {transform_indices = #map1}, {transform_indices = #map}]} {
    %mul3A = arith.constant 2 : i32
    %mul3A_0 = arith.muli %arg1, %mul3A : i32
    %add3A = arith.addi %mul3A_0, %arg0 : i32
    %mul3A_1 = arith.constant 4 : i32
    %mul3A_2 = arith.muli %add3A, %mul3A_1 : i32
    %dma_start3A = arith.constant 0 : i32
    %dma_start3A_3 = tpu.memref_slice %arg2[%mul3A_2, %dma_start3A] : memref<128x10240xi32, #tpu.memory_space<hbm>> -> memref<4x10240xi32, #tpu.memory_space<hbm>>
    %dma_start3A_4 = arith.constant 0 : i32
    %dma_start3A_5 = tpu.memref_slice %arg2[%mul3A_2, %dma_start3A_4] : memref<128x10240xi32, #tpu.memory_space<hbm>> -> memref<4x10240xi32, #tpu.memory_space<hbm>>
    tpu.enqueue_dma source(%dma_start3A_5 : memref<4x10240xi32, #tpu.memory_space<hbm>>) target(%arg5 : memref<4x10240xi32, #tpu.memory_space<vmem>>) target_semaphore(%arg11 : memref<!tpu.dma_semaphore, #tpu.memory_space<semaphore_mem>>)
    %broadcast_in_dim3A = arith.constant 0.000000e+00 : f32
    %broadcast_in_dim3A_6 = vector.broadcast %broadcast_in_dim3A : f32 to vector<16xf32>
    %parallel_loop3A = arith.constant 0 : i32
    %parallel_loop3A_7 = arith.constant 10240 : i32
    %parallel_loop3A_8 = arith.constant 32 : i32
    scf.for %parallel_loop3A_39 = %parallel_loop3A to %parallel_loop3A_7 step %parallel_loop3A_8  : i32 {
      %parallel_loop3A_40 = arith.constant 0 : i32
      %parallel_loop3A_41 = arith.addi %parallel_loop3A_39, %parallel_loop3A_40 : i32
      %parallel_loop3A_42 = arith.constant 0 : i32
      %parallel_loop3A_43 = arith.index_cast %parallel_loop3A_42 : i32 to index
      %parallel_loop3A_44 = arith.index_cast %parallel_loop3A_41 : i32 to index
      %parallel_loop3A_45 = tpu.vector_load %arg6[%parallel_loop3A_43, %parallel_loop3A_44] {strides = array<i32>} : memref<8x10240xf32, #tpu.memory_space<vmem>>, vector<16xf32>,
      tpu.vector_store %arg6[%parallel_loop3A_43, %parallel_loop3A_44], %broadcast_in_dim3A_6 {strides = array<i32>} : memref<8x10240xf32, #tpu.memory_space<vmem>>, vector<16xf32>,
      %parallel_loop3A_46 = arith.constant 16 : i32
      %parallel_loop3A_47 = arith.addi %parallel_loop3A_39, %parallel_loop3A_46 : i32
      %parallel_loop3A_48 = arith.constant 0 : i32
      %parallel_loop3A_49 = arith.index_cast %parallel_loop3A_48 : i32 to index
      %parallel_loop3A_50 = arith.index_cast %parallel_loop3A_47 : i32 to index
      %parallel_loop3A_51 = tpu.vector_load %arg6[%parallel_loop3A_49, %parallel_loop3A_50] {strides = array<i32>} : memref<8x10240xf32, #tpu.memory_space<vmem>>, vector<16xf32>,
      tpu.vector_store %arg6[%parallel_loop3A_49, %parallel_loop3A_50], %broadcast_in_dim3A_6 {strides = array<i32>} : memref<8x10240xf32, #tpu.memory_space<vmem>>, vector<16xf32>,
      %parallel_loop3A_52 = arith.constant 0 : i32
      %parallel_loop3A_53 = arith.addi %parallel_loop3A_39, %parallel_loop3A_52 : i32
      %parallel_loop3A_54 = arith.constant 1 : i32
      %parallel_loop3A_55 = arith.index_cast %parallel_loop3A_54 : i32 to index
      %parallel_loop3A_56 = arith.index_cast %parallel_loop3A_53 : i32 to index
      %parallel_loop3A_57 = tpu.vector_load %arg6[%parallel_loop3A_55, %parallel_loop3A_56] {strides = array<i32>} : memref<8x10240xf32, #tpu.memory_space<vmem>>, vector<16xf32>,
      tpu.vector_store %arg6[%parallel_loop3A_55, %parallel_loop3A_56], %broadcast_in_dim3A_6 {strides = array<i32>} : memref<8x10240xf32, #tpu.memory_space<vmem>>, vector<16xf32>,
      %parallel_loop3A_58 = arith.constant 16 : i32
      %parallel_loop3A_59 = arith.addi %parallel_loop3A_39, %parallel_loop3A_58 : i32
      %parallel_loop3A_60 = arith.constant 1 : i32
      %parallel_loop3A_61 = arith.index_cast %parallel_loop3A_60 : i32 to index
      %parallel_loop3A_62 = arith.index_cast %parallel_loop3A_59 : i32 to index
      %parallel_loop3A_63 = tpu.vector_load %arg6[%parallel_loop3A_61, %parallel_loop3A_62] {strides = array<i32>} : memref<8x10240xf32, #tpu.memory_space<vmem>>, vector<16xf32>,
      tpu.vector_store %arg6[%parallel_loop3A_61, %parallel_loop3A_62], %broadcast_in_dim3A_6 {strides = array<i32>} : memref<8x10240xf32, #tpu.memory_space<vmem>>, vector<16xf32>,
      %parallel_loop3A_64 = arith.constant 0 : i32
      %parallel_loop3A_65 = arith.addi %parallel_loop3A_39, %parallel_loop3A_64 : i32
      %parallel_loop3A_66 = arith.constant 2 : i32
      %parallel_loop3A_67 = arith.index_cast %parallel_loop3A_66 : i32 to index
      %parallel_loop3A_68 = arith.index_cast %parallel_loop3A_65 : i32 to index
      %parallel_loop3A_69 = tpu.vector_load %arg6[%parallel_loop3A_67, %parallel_loop3A_68] {strides = array<i32>} : memref<8x10240xf32, #tpu.memory_space<vmem>>, vector<16xf32>,
      tpu.vector_store %arg6[%parallel_loop3A_67, %parallel_loop3A_68], %broadcast_in_dim3A_6 {strides = array<i32>} : memref<8x10240xf32, #tpu.memory_space<vmem>>, vector<16xf32>,
      %parallel_loop3A_70 = arith.constant 16 : i32
      %parallel_loop3A_71 = arith.addi %parallel_loop3A_39, %parallel_loop3A_70 : i32
      %parallel_loop3A_72 = arith.constant 2 : i32
      %parallel_loop3A_73 = arith.index_cast %parallel_loop3A_72 : i32 to index
      %parallel_loop3A_74 = arith.index_cast %parallel_loop3A_71 : i32 to index
      %parallel_loop3A_75 = tpu.vector_load %arg6[%parallel_loop3A_73, %parallel_loop3A_74] {strides = array<i32>} : memref<8x10240xf32, #tpu.memory_space<vmem>>, vector<16xf32>,
      tpu.vector_store %arg6[%parallel_loop3A_73, %parallel_loop3A_74], %broadcast_in_dim3A_6 {strides = array<i32>} : memref<8x10240xf32, #tpu.memory_space<vmem>>, vector<16xf32>,
      %parallel_loop3A_76 = arith.constant 0 : i32
      %parallel_loop3A_77 = arith.addi %parallel_loop3A_39, %parallel_loop3A_76 : i32
      %parallel_loop3A_78 = arith.constant 3 : i32
      %parallel_loop3A_79 = arith.index_cast %parallel_loop3A_78 : i32 to index
      %parallel_loop3A_80 = arith.index_cast %parallel_loop3A_77 : i32 to index
      %parallel_loop3A_81 = tpu.vector_load %arg6[%parallel_loop3A_79, %parallel_loop3A_80] {strides = array<i32>} : memref<8x10240xf32, #tpu.memory_space<vmem>>, vector<16xf32>,
      tpu.vector_store %arg6[%parallel_loop3A_79, %parallel_loop3A_80], %broadcast_in_dim3A_6 {strides = array<i32>} : memref<8x10240xf32, #tpu.memory_space<vmem>>, vector<16xf32>,
      %parallel_loop3A_82 = arith.constant 16 : i32
      %parallel_loop3A_83 = arith.addi %parallel_loop3A_39, %parallel_loop3A_82 : i32
      %parallel_loop3A_84 = arith.constant 3 : i32
      %parallel_loop3A_85 = arith.index_cast %parallel_loop3A_84 : i32 to index
      %parallel_loop3A_86 = arith.index_cast %parallel_loop3A_83 : i32 to index
      %parallel_loop3A_87 = tpu.vector_load %arg6[%parallel_loop3A_85, %parallel_loop3A_86] {strides = array<i32>} : memref<8x10240xf32, #tpu.memory_space<vmem>>, vector<16xf32>,
      tpu.vector_store %arg6[%parallel_loop3A_85, %parallel_loop3A_86], %broadcast_in_dim3A_6 {strides = array<i32>} : memref<8x10240xf32, #tpu.memory_space<vmem>>, vector<16xf32>,
      %parallel_loop3A_88 = arith.constant 0 : i32
      %parallel_loop3A_89 = arith.addi %parallel_loop3A_39, %parallel_loop3A_88 : i32
      %parallel_loop3A_90 = arith.constant 4 : i32
      %parallel_loop3A_91 = arith.index_cast %parallel_loop3A_90 : i32 to index
      %parallel_loop3A_92 = arith.index_cast %parallel_loop3A_89 : i32 to index
      %parallel_loop3A_93 = tpu.vector_load %arg6[%parallel_loop3A_91, %parallel_loop3A_92] {strides = array<i32>} : memref<8x10240xf32, #tpu.memory_space<vmem>>, vector<16xf32>,
      tpu.vector_store %arg6[%parallel_loop3A_91, %parallel_loop3A_92], %broadcast_in_dim3A_6 {strides = array<i32>} : memref<8x10240xf32, #tpu.memory_space<vmem>>, vector<16xf32>,
      %parallel_loop3A_94 = arith.constant 16 : i32
      %parallel_loop3A_95 = arith.addi %parallel_loop3A_39, %parallel_loop3A_94 : i32
      %parallel_loop3A_96 = arith.constant 4 : i32
      %parallel_loop3A_97 = arith.index_cast %parallel_loop3A_96 : i32 to index
      %parallel_loop3A_98 = arith.index_cast %parallel_loop3A_95 : i32 to index
      %parallel_loop3A_99 = tpu.vector_load %arg6[%parallel_loop3A_97, %parallel_loop3A_98] {strides = array<i32>} : memref<8x10240xf32, #tpu.memory_space<vmem>>, vector<16xf32>,
      tpu.vector_store %arg6[%parallel_loop3A_97, %parallel_loop3A_98], %broadcast_in_dim3A_6 {strides = array<i32>} : memref<8x10240xf32, #tpu.memory_space<vmem>>, vector<16xf32>,
      %parallel_loop3A_100 = arith.constant 0 : i32
      %parallel_loop3A_101 = arith.addi %parallel_loop3A_39, %parallel_loop3A_100 : i32
      %parallel_loop3A_102 = arith.constant 5 : i32
      %parallel_loop3A_103 = arith.index_cast %parallel_loop3A_102 : i32 to index
      %parallel_loop3A_104 = arith.index_cast %parallel_loop3A_101 : i32 to index
      %parallel_loop3A_105 = tpu.vector_load %arg6[%parallel_loop3A_103, %parallel_loop3A_104] {strides = array<i32>} : memref<8x10240xf32, #tpu.memory_space<vmem>>, vector<16xf32>,
      tpu.vector_store %arg6[%parallel_loop3A_103, %parallel_loop3A_104], %broadcast_in_dim3A_6 {strides = array<i32>} : memref<8x10240xf32, #tpu.memory_space<vmem>>, vector<16xf32>,
      %parallel_loop3A_106 = arith.constant 16 : i32
      %parallel_loop3A_107 = arith.addi %parallel_loop3A_39, %parallel_loop3A_106 : i32
      %parallel_loop3A_108 = arith.constant 5 : i32
      %parallel_loop3A_109 = arith.index_cast %parallel_loop3A_108 : i32 to index
      %parallel_loop3A_110 = arith.index_cast %parallel_loop3A_107 : i32 to index
      %parallel_loop3A_111 = tpu.vector_load %arg6[%parallel_loop3A_109, %parallel_loop3A_110] {strides = array<i32>} : memref<8x10240xf32, #tpu.memory_space<vmem>>, vector<16xf32>,
      tpu.vector_store %arg6[%parallel_loop3A_109, %parallel_loop3A_110], %broadcast_in_dim3A_6 {strides = array<i32>} : memref<8x10240xf32, #tpu.memory_space<vmem>>, vector<16xf32>,
      %parallel_loop3A_112 = arith.constant 0 : i32
      %parallel_loop3A_113 = arith.addi %parallel_loop3A_39, %parallel_loop3A_112 : i32
      %parallel_loop3A_114 = arith.constant 6 : i32
      %parallel_loop3A_115 = arith.index_cast %parallel_loop3A_114 : i32 to index
      %parallel_loop3A_116 = arith.index_cast %parallel_loop3A_113 : i32 to index
      %parallel_loop3A_117 = tpu.vector_load %arg6[%parallel_loop3A_115, %parallel_loop3A_116] {strides = array<i32>} : memref<8x10240xf32, #tpu.memory_space<vmem>>, vector<16xf32>,
      tpu.vector_store %arg6[%parallel_loop3A_115, %parallel_loop3A_116], %broadcast_in_dim3A_6 {strides = array<i32>} : memref<8x10240xf32, #tpu.memory_space<vmem>>, vector<16xf32>,
      %parallel_loop3A_118 = arith.constant 16 : i32
      %parallel_loop3A_119 = arith.addi %parallel_loop3A_39, %parallel_loop3A_118 : i32
      %parallel_loop3A_120 = arith.constant 6 : i32
      %parallel_loop3A_121 = arith.index_cast %parallel_loop3A_120 : i32 to index
      %parallel_loop3A_122 = arith.index_cast %parallel_loop3A_119 : i32 to index
      %parallel_loop3A_123 = tpu.vector_load %arg6[%parallel_loop3A_121, %parallel_loop3A_122] {strides = array<i32>} : memref<8x10240xf32, #tpu.memory_space<vmem>>, vector<16xf32>,
      tpu.vector_store %arg6[%parallel_loop3A_121, %parallel_loop3A_122], %broadcast_in_dim3A_6 {strides = array<i32>} : memref<8x10240xf32, #tpu.memory_space<vmem>>, vector<16xf32>,
      %parallel_loop3A_124 = arith.constant 0 : i32
      %parallel_loop3A_125 = arith.addi %parallel_loop3A_39, %parallel_loop3A_124 : i32
      %parallel_loop3A_126 = arith.constant 7 : i32
      %parallel_loop3A_127 = arith.index_cast %parallel_loop3A_126 : i32 to index
      %parallel_loop3A_128 = arith.index_cast %parallel_loop3A_125 : i32 to index
      %parallel_loop3A_129 = tpu.vector_load %arg6[%parallel_loop3A_127, %parallel_loop3A_128] {strides = array<i32>} : memref<8x10240xf32, #tpu.memory_space<vmem>>, vector<16xf32>,
      tpu.vector_store %arg6[%parallel_loop3A_127, %parallel_loop3A_128], %broadcast_in_dim3A_6 {strides = array<i32>} : memref<8x10240xf32, #tpu.memory_space<vmem>>, vector<16xf32>,
      %parallel_loop3A_130 = arith.constant 16 : i32
      %parallel_loop3A_131 = arith.addi %parallel_loop3A_39, %parallel_loop3A_130 : i32
      %parallel_loop3A_132 = arith.constant 7 : i32
      %parallel_loop3A_133 = arith.index_cast %parallel_loop3A_132 : i32 to index
      %parallel_loop3A_134 = arith.index_cast %parallel_loop3A_131 : i32 to index
      %parallel_loop3A_135 = tpu.vector_load %arg6[%parallel_loop3A_133, %parallel_loop3A_134] {strides = array<i32>} : memref<8x10240xf32, #tpu.memory_space<vmem>>, vector<16xf32>,
      tpu.vector_store %arg6[%parallel_loop3A_133, %parallel_loop3A_134], %broadcast_in_dim3A_6 {strides = array<i32>} : memref<8x10240xf32, #tpu.memory_space<vmem>>, vector<16xf32>,
    } {sc.loop_unroll_factor = 4 : i64, sc.parallel_access}
    %dma_wait3A = arith.constant 0 : i32
    %dma_wait3A_9 = tpu.memref_slice %arg2[%mul3A_2, %dma_wait3A] : memref<128x10240xi32, #tpu.memory_space<hbm>> -> memref<4x10240xi32, #tpu.memory_space<hbm>>
    %dma_wait3A_10 = arith.constant 0 : i32
    %dma_wait3A_11 = tpu.memref_slice %arg2[%mul3A_2, %dma_wait3A_10] : memref<128x10240xi32, #tpu.memory_space<hbm>> -> memref<4x10240xi32, #tpu.memory_space<hbm>>
    tpu.wait_dma2 semaphore(%arg11 : memref<!tpu.dma_semaphore, #tpu.memory_space<semaphore_mem>>) src(%dma_wait3A_11 : memref<4x10240xi32, #tpu.memory_space<hbm>>) dst(%arg5 : memref<4x10240xi32, #tpu.memory_space<vmem>>)
    %dma_start3A_12 = arith.constant 0 : i32
    %dma_start3A_13 = arith.constant 0 : i32
    %dma_start3A_14 = arith.constant 0 : i32
    %dma_start3A_15 = tpu.memref_slice %arg3[%dma_start3A_12, %dma_start3A_13, %dma_start3A_14] : memref<100x2x1600xi32, #tpu.memory_space<hbm>> -> memref<1x2x1600xi32, #tpu.memory_space<hbm>>
    %dma_start3A_16 = tpu.memref_squeeze %dma_start3A_15 : memref<1x2x1600xi32, #tpu.memory_space<hbm>> -> memref<2x1600xi32, #tpu.memory_space<hbm>>
    %dma_start3A_17 = arith.constant 0 : i32
    %dma_start3A_18 = arith.constant 0 : i32
    %dma_start3A_19 = tpu.memref_slice %arg3[%dma_start3A_12, %dma_start3A_17, %dma_start3A_18] : memref<100x2x1600xi32, #tpu.memory_space<hbm>> -> memref<1x2x1600xi32, #tpu.memory_space<hbm>>
    %dma_start3A_20 = tpu.memref_squeeze %dma_start3A_19 : memref<1x2x1600xi32, #tpu.memory_space<hbm>> -> memref<2x1600xi32, #tpu.memory_space<hbm>>
    tpu.enqueue_dma source(%dma_start3A_20 : memref<2x1600xi32, #tpu.memory_space<hbm>>) target(%arg7 : memref<2x1600xi32, #tpu.memory_space<vmem>>) target_semaphore(%arg9 : memref<!tpu.dma_semaphore, #tpu.memory_space<semaphore_mem>>)
    %dma_start3A_21 = arith.constant 1 : i32
    %dma_start3A_22 = arith.constant 0 : i32
    %dma_start3A_23 = arith.constant 0 : i32
    %dma_start3A_24 = tpu.memref_slice %arg3[%dma_start3A_21, %dma_start3A_22, %dma_start3A_23] : memref<100x2x1600xi32, #tpu.memory_space<hbm>> -> memref<1x2x1600xi32, #tpu.memory_space<hbm>>
    %dma_start3A_25 = tpu.memref_squeeze %dma_start3A_24 : memref<1x2x1600xi32, #tpu.memory_space<hbm>> -> memref<2x1600xi32, #tpu.memory_space<hbm>>
    %dma_start3A_26 = arith.constant 0 : i32
    %dma_start3A_27 = arith.constant 0 : i32
    %dma_start3A_28 = tpu.memref_slice %arg3[%dma_start3A_21, %dma_start3A_26, %dma_start3A_27] : memref<100x2x1600xi32, #tpu.memory_space<hbm>> -> memref<1x2x1600xi32, #tpu.memory_space<hbm>>
    %dma_start3A_29 = tpu.memref_squeeze %dma_start3A_28 : memref<1x2x1600xi32, #tpu.memory_space<hbm>> -> memref<2x1600xi32, #tpu.memory_space<hbm>>
    tpu.enqueue_dma source(%dma_start3A_29 : memref<2x1600xi32, #tpu.memory_space<hbm>>) target(%arg8 : memref<2x1600xi32, #tpu.memory_space<vmem>>) target_semaphore(%arg10 : memref<!tpu.dma_semaphore, #tpu.memory_space<semaphore_mem>>)
    %scan3A = arith.constant 0 : i32
    %scan3A_30 = arith.constant 0 : i32
    %scan3A_31 = arith.constant 50 : i32
    %scan3A_32 = arith.addi %scan3A_30, %scan3A_31 : i32
    %scan3A_33 = arith.constant 1 : i32
    scf.for %scan3A_39 = %scan3A_30 to %scan3A_32 step %scan3A_33  : i32 {
      %mul3A_40 = arith.constant 2 : i32
      %mul3A_41 = arith.muli %scan3A_39, %mul3A_40 : i32
      %dma_wait3A_42 = arith.constant 0 : i32
      %dma_wait3A_43 = arith.constant 0 : i32
      %dma_wait3A_44 = arith.constant 0 : i32
      %dma_wait3A_45 = tpu.memref_slice %arg3[%dma_wait3A_42, %dma_wait3A_43, %dma_wait3A_44] : memref<100x2x1600xi32, #tpu.memory_space<hbm>> -> memref<1x2x1600xi32, #tpu.memory_space<hbm>>
      %dma_wait3A_46 = tpu.memref_squeeze %dma_wait3A_45 : memref<1x2x1600xi32, #tpu.memory_space<hbm>> -> memref<2x1600xi32, #tpu.memory_space<hbm>>
      %dma_wait3A_47 = arith.constant 0 : i32
      %dma_wait3A_48 = arith.constant 0 : i32
      %dma_wait3A_49 = tpu.memref_slice %arg3[%dma_wait3A_42, %dma_wait3A_47, %dma_wait3A_48] : memref<100x2x1600xi32, #tpu.memory_space<hbm>> -> memref<1x2x1600xi32, #tpu.memory_space<hbm>>
      %dma_wait3A_50 = tpu.memref_squeeze %dma_wait3A_49 : memref<1x2x1600xi32, #tpu.memory_space<hbm>> -> memref<2x1600xi32, #tpu.memory_space<hbm>>
      tpu.wait_dma2 semaphore(%arg9 : memref<!tpu.dma_semaphore, #tpu.memory_space<semaphore_mem>>) src(%dma_wait3A_50 : memref<2x1600xi32, #tpu.memory_space<hbm>>) dst(%arg7 : memref<2x1600xi32, #tpu.memory_space<vmem>>)
      %parallel_loop3A_51 = arith.constant 0 : i32
      %parallel_loop3A_52 = arith.constant 1600 : i32
      %parallel_loop3A_53 = arith.constant 16 : i32
      scf.for %parallel_loop3A_77 = %parallel_loop3A_51 to %parallel_loop3A_52 step %parallel_loop3A_53  : i32 {
        %parallel_loop3A_78 = arith.constant 0 : i32
        %parallel_loop3A_79 = arith.index_cast %parallel_loop3A_78 : i32 to index
        %parallel_loop3A_80 = arith.index_cast %parallel_loop3A_77 : i32 to index
        %parallel_loop3A_81 = tpu.vector_load %arg7[%parallel_loop3A_79, %parallel_loop3A_80] {strides = array<i32>} : memref<2x1600xi32, #tpu.memory_space<vmem>>, vector<16xi32>,
        %parallel_loop3A_82 = arith.constant 16383 : i32
        %parallel_loop3A_83 = vector.broadcast %parallel_loop3A_82 : i32 to vector<16xi32>
        %parallel_loop3A_84 = arith.andi %parallel_loop3A_81, %parallel_loop3A_83 : vector<16xi32>
        %parallel_loop3A_85 = arith.constant 14 : i32
        %parallel_loop3A_86 = vector.broadcast %parallel_loop3A_85 : i32 to vector<16xi32>
        %parallel_loop3A_87 = arith.shrsi %parallel_loop3A_81, %parallel_loop3A_86 : vector<16xi32>
        %parallel_loop3A_88 = arith.constant 16383 : i32
        %parallel_loop3A_89 = vector.broadcast %parallel_loop3A_88 : i32 to vector<16xi32>
        %parallel_loop3A_90 = arith.andi %parallel_loop3A_87, %parallel_loop3A_89 : vector<16xi32>
        %parallel_loop3A_91 = arith.constant 1 : i32
        %parallel_loop3A_92 = arith.index_cast %parallel_loop3A_91 : i32 to index
        %parallel_loop3A_93 = arith.index_cast %parallel_loop3A_77 : i32 to index
        %parallel_loop3A_94 = tpu.vector_load %arg7[%parallel_loop3A_92, %parallel_loop3A_93] {strides = array<i32>} : memref<2x1600xi32, #tpu.memory_space<vmem>>, vector<16xi32>,
        %parallel_loop3A_95 = vector.bitcast %parallel_loop3A_94 : vector<16xi32> to vector<16xf32>
        %parallel_loop3A_96 = arith.constant 0 : i32
        %parallel_loop3A_97 = vector.broadcast %parallel_loop3A_96 : i32 to vector<16xi32>
        %parallel_loop3A_98 = tpu.vector_load_idx %arg5[%parallel_loop3A_97, %parallel_loop3A_84] : memref<4x10240xi32, #tpu.memory_space<vmem>>[vector<16xi32>, vector<16xi32>], vector<16xi32>,
        %parallel_loop3A_99 = vector.bitcast %parallel_loop3A_98 : vector<16xi32> to vector<32xbf16>
        %parallel_loop3A_100 = tpu.unpack_subelements %parallel_loop3A_99, 0 {pack_format = #tpu.pack_format<interleaved>} : vector<32xbf16> -> vector<16xf32>
        %parallel_loop3A_101 = tpu.unpack_subelements %parallel_loop3A_99, 1 {pack_format = #tpu.pack_format<interleaved>} : vector<32xbf16> -> vector<16xf32>
        %parallel_loop3A_102 = arith.constant 0 : i32
        %parallel_loop3A_103 = vector.broadcast %parallel_loop3A_102 : i32 to vector<16xi32>
        %parallel_loop3A_104 = arith.mulf %parallel_loop3A_100, %parallel_loop3A_95 : vector<16xf32>
        tpu.vector_store_idx %arg6[%parallel_loop3A_103, %parallel_loop3A_90], %parallel_loop3A_104 {add = true} : memref<8x10240xf32, #tpu.memory_space<vmem>>[vector<16xi32>, vector<16xi32>], vector<16xf32>,
        %parallel_loop3A_105 = arith.constant 1 : i32
        %parallel_loop3A_106 = vector.broadcast %parallel_loop3A_105 : i32 to vector<16xi32>
        %parallel_loop3A_107 = arith.mulf %parallel_loop3A_101, %parallel_loop3A_95 : vector<16xf32>
        tpu.vector_store_idx %arg6[%parallel_loop3A_106, %parallel_loop3A_90], %parallel_loop3A_107 {add = true} : memref<8x10240xf32, #tpu.memory_space<vmem>>[vector<16xi32>, vector<16xi32>], vector<16xf32>,
        %parallel_loop3A_108 = arith.constant 1 : i32
        %parallel_loop3A_109 = vector.broadcast %parallel_loop3A_108 : i32 to vector<16xi32>
        %parallel_loop3A_110 = tpu.vector_load_idx %arg5[%parallel_loop3A_109, %parallel_loop3A_84] : memref<4x10240xi32, #tpu.memory_space<vmem>>[vector<16xi32>, vector<16xi32>], vector<16xi32>,
        %parallel_loop3A_111 = vector.bitcast %parallel_loop3A_110 : vector<16xi32> to vector<32xbf16>
        %parallel_loop3A_112 = tpu.unpack_subelements %parallel_loop3A_111, 0 {pack_format = #tpu.pack_format<interleaved>} : vector<32xbf16> -> vector<16xf32>
        %parallel_loop3A_113 = tpu.unpack_subelements %parallel_loop3A_111, 1 {pack_format = #tpu.pack_format<interleaved>} : vector<32xbf16> -> vector<16xf32>
        %parallel_loop3A_114 = arith.constant 2 : i32
        %parallel_loop3A_115 = vector.broadcast %parallel_loop3A_114 : i32 to vector<16xi32>
        %parallel_loop3A_116 = arith.mulf %parallel_loop3A_112, %parallel_loop3A_95 : vector<16xf32>
        tpu.vector_store_idx %arg6[%parallel_loop3A_115, %parallel_loop3A_90], %parallel_loop3A_116 {add = true} : memref<8x10240xf32, #tpu.memory_space<vmem>>[vector<16xi32>, vector<16xi32>], vector<16xf32>,
        %parallel_loop3A_117 = arith.constant 3 : i32
        %parallel_loop3A_118 = vector.broadcast %parallel_loop3A_117 : i32 to vector<16xi32>
        %parallel_loop3A_119 = arith.mulf %parallel_loop3A_113, %parallel_loop3A_95 : vector<16xf32>
        tpu.vector_store_idx %arg6[%parallel_loop3A_118, %parallel_loop3A_90], %parallel_loop3A_119 {add = true} : memref<8x10240xf32, #tpu.memory_space<vmem>>[vector<16xi32>, vector<16xi32>], vector<16xf32>,
        %parallel_loop3A_120 = arith.constant 2 : i32
        %parallel_loop3A_121 = vector.broadcast %parallel_loop3A_120 : i32 to vector<16xi32>
        %parallel_loop3A_122 = tpu.vector_load_idx %arg5[%parallel_loop3A_121, %parallel_loop3A_84] : memref<4x10240xi32, #tpu.memory_space<vmem>>[vector<16xi32>, vector<16xi32>], vector<16xi32>,
        %parallel_loop3A_123 = vector.bitcast %parallel_loop3A_122 : vector<16xi32> to vector<32xbf16>
        %parallel_loop3A_124 = tpu.unpack_subelements %parallel_loop3A_123, 0 {pack_format = #tpu.pack_format<interleaved>} : vector<32xbf16> -> vector<16xf32>
        %parallel_loop3A_125 = tpu.unpack_subelements %parallel_loop3A_123, 1 {pack_format = #tpu.pack_format<interleaved>} : vector<32xbf16> -> vector<16xf32>
        %parallel_loop3A_126 = arith.constant 4 : i32
        %parallel_loop3A_127 = vector.broadcast %parallel_loop3A_126 : i32 to vector<16xi32>
        %parallel_loop3A_128 = arith.mulf %parallel_loop3A_124, %parallel_loop3A_95 : vector<16xf32>
        tpu.vector_store_idx %arg6[%parallel_loop3A_127, %parallel_loop3A_90], %parallel_loop3A_128 {add = true} : memref<8x10240xf32, #tpu.memory_space<vmem>>[vector<16xi32>, vector<16xi32>], vector<16xf32>,
        %parallel_loop3A_129 = arith.constant 5 : i32
        %parallel_loop3A_130 = vector.broadcast %parallel_loop3A_129 : i32 to vector<16xi32>
        %parallel_loop3A_131 = arith.mulf %parallel_loop3A_125, %parallel_loop3A_95 : vector<16xf32>
        tpu.vector_store_idx %arg6[%parallel_loop3A_130, %parallel_loop3A_90], %parallel_loop3A_131 {add = true} : memref<8x10240xf32, #tpu.memory_space<vmem>>[vector<16xi32>, vector<16xi32>], vector<16xf32>,
        %parallel_loop3A_132 = arith.constant 3 : i32
        %parallel_loop3A_133 = vector.broadcast %parallel_loop3A_132 : i32 to vector<16xi32>
        %parallel_loop3A_134 = tpu.vector_load_idx %arg5[%parallel_loop3A_133, %parallel_loop3A_84] : memref<4x10240xi32, #tpu.memory_space<vmem>>[vector<16xi32>, vector<16xi32>], vector<16xi32>,
        %parallel_loop3A_135 = vector.bitcast %parallel_loop3A_134 : vector<16xi32> to vector<32xbf16>
        %parallel_loop3A_136 = tpu.unpack_subelements %parallel_loop3A_135, 0 {pack_format = #tpu.pack_format<interleaved>} : vector<32xbf16> -> vector<16xf32>
        %parallel_loop3A_137 = tpu.unpack_subelements %parallel_loop3A_135, 1 {pack_format = #tpu.pack_format<interleaved>} : vector<32xbf16> -> vector<16xf32>
        %parallel_loop3A_138 = arith.constant 6 : i32
        %parallel_loop3A_139 = vector.broadcast %parallel_loop3A_138 : i32 to vector<16xi32>
        %parallel_loop3A_140 = arith.mulf %parallel_loop3A_136, %parallel_loop3A_95 : vector<16xf32>
        tpu.vector_store_idx %arg6[%parallel_loop3A_139, %parallel_loop3A_90], %parallel_loop3A_140 {add = true} : memref<8x10240xf32, #tpu.memory_space<vmem>>[vector<16xi32>, vector<16xi32>], vector<16xf32>,
        %parallel_loop3A_141 = arith.constant 7 : i32
        %parallel_loop3A_142 = vector.broadcast %parallel_loop3A_141 : i32 to vector<16xi32>
        %parallel_loop3A_143 = arith.mulf %parallel_loop3A_137, %parallel_loop3A_95 : vector<16xf32>
        tpu.vector_store_idx %arg6[%parallel_loop3A_142, %parallel_loop3A_90], %parallel_loop3A_143 {add = true} : memref<8x10240xf32, #tpu.memory_space<vmem>>[vector<16xi32>, vector<16xi32>], vector<16xf32>,
      } {sc.loop_unroll_factor = 4 : i64, sc.parallel_access}
      %add3A_54 = arith.constant 2 : i32
      %add3A_55 = arith.addi %mul3A_41, %add3A_54 : i32
      %lt3A = arith.constant 100 : i32
      %lt3A_56 = arith.cmpi slt, %add3A_55, %lt3A : i32
      %convert_element_type3A = arith.extui %lt3A_56 : i1 to i32
      %cond3A = arith.constant 0 : i32
      %cond3A_57 = arith.cmpi ne, %convert_element_type3A, %cond3A : i32
      scf.if %cond3A_57 {
        %add3A_77 = arith.constant 2 : i32
        %add3A_78 = arith.addi %mul3A_41, %add3A_77 : i32
        %dma_start3A_79 = arith.constant 0 : i32
        %dma_start3A_80 = arith.constant 0 : i32
        %dma_start3A_81 = tpu.memref_slice %arg3[%add3A_78, %dma_start3A_79, %dma_start3A_80] : memref<100x2x1600xi32, #tpu.memory_space<hbm>> -> memref<1x2x1600xi32, #tpu.memory_space<hbm>>
        %dma_start3A_82 = tpu.memref_squeeze %dma_start3A_81 : memref<1x2x1600xi32, #tpu.memory_space<hbm>> -> memref<2x1600xi32, #tpu.memory_space<hbm>>
        %dma_start3A_83 = arith.constant 0 : i32
        %dma_start3A_84 = arith.constant 0 : i32
        %dma_start3A_85 = tpu.memref_slice %arg3[%add3A_78, %dma_start3A_83, %dma_start3A_84] : memref<100x2x1600xi32, #tpu.memory_space<hbm>> -> memref<1x2x1600xi32, #tpu.memory_space<hbm>>
        %dma_start3A_86 = tpu.memref_squeeze %dma_start3A_85 : memref<1x2x1600xi32, #tpu.memory_space<hbm>> -> memref<2x1600xi32, #tpu.memory_space<hbm>>
        tpu.enqueue_dma source(%dma_start3A_86 : memref<2x1600xi32, #tpu.memory_space<hbm>>) target(%arg7 : memref<2x1600xi32, #tpu.memory_space<vmem>>) target_semaphore(%arg9 : memref<!tpu.dma_semaphore, #tpu.memory_space<semaphore_mem>>)
      } else {
      }
      %dma_wait3A_58 = arith.constant 0 : i32
      %dma_wait3A_59 = arith.constant 0 : i32
      %dma_wait3A_60 = arith.constant 0 : i32
      %dma_wait3A_61 = tpu.memref_slice %arg3[%dma_wait3A_58, %dma_wait3A_59, %dma_wait3A_60] : memref<100x2x1600xi32, #tpu.memory_space<hbm>> -> memref<1x2x1600xi32, #tpu.memory_space<hbm>>
      %dma_wait3A_62 = tpu.memref_squeeze %dma_wait3A_61 : memref<1x2x1600xi32, #tpu.memory_space<hbm>> -> memref<2x1600xi32, #tpu.memory_space<hbm>>
      %dma_wait3A_63 = arith.constant 0 : i32
      %dma_wait3A_64 = arith.constant 0 : i32
      %dma_wait3A_65 = tpu.memref_slice %arg3[%dma_wait3A_58, %dma_wait3A_63, %dma_wait3A_64] : memref<100x2x1600xi32, #tpu.memory_space<hbm>> -> memref<1x2x1600xi32, #tpu.memory_space<hbm>>
      %dma_wait3A_66 = tpu.memref_squeeze %dma_wait3A_65 : memref<1x2x1600xi32, #tpu.memory_space<hbm>> -> memref<2x1600xi32, #tpu.memory_space<hbm>>
      tpu.wait_dma2 semaphore(%arg10 : memref<!tpu.dma_semaphore, #tpu.memory_space<semaphore_mem>>) src(%dma_wait3A_66 : memref<2x1600xi32, #tpu.memory_space<hbm>>) dst(%arg8 : memref<2x1600xi32, #tpu.memory_space<vmem>>)
      %parallel_loop3A_67 = arith.constant 0 : i32
      %parallel_loop3A_68 = arith.constant 1600 : i32
      %parallel_loop3A_69 = arith.constant 16 : i32
      scf.for %parallel_loop3A_77 = %parallel_loop3A_67 to %parallel_loop3A_68 step %parallel_loop3A_69  : i32 {
        %parallel_loop3A_78 = arith.constant 0 : i32
        %parallel_loop3A_79 = arith.index_cast %parallel_loop3A_78 : i32 to index
        %parallel_loop3A_80 = arith.index_cast %parallel_loop3A_77 : i32 to index
        %parallel_loop3A_81 = tpu.vector_load %arg8[%parallel_loop3A_79, %parallel_loop3A_80] {strides = array<i32>} : memref<2x1600xi32, #tpu.memory_space<vmem>>, vector<16xi32>,
        %parallel_loop3A_82 = arith.constant 16383 : i32
        %parallel_loop3A_83 = vector.broadcast %parallel_loop3A_82 : i32 to vector<16xi32>
        %parallel_loop3A_84 = arith.andi %parallel_loop3A_81, %parallel_loop3A_83 : vector<16xi32>
        %parallel_loop3A_85 = arith.constant 14 : i32
        %parallel_loop3A_86 = vector.broadcast %parallel_loop3A_85 : i32 to vector<16xi32>
        %parallel_loop3A_87 = arith.shrsi %parallel_loop3A_81, %parallel_loop3A_86 : vector<16xi32>
        %parallel_loop3A_88 = arith.constant 16383 : i32
        %parallel_loop3A_89 = vector.broadcast %parallel_loop3A_88 : i32 to vector<16xi32>
        %parallel_loop3A_90 = arith.andi %parallel_loop3A_87, %parallel_loop3A_89 : vector<16xi32>
        %parallel_loop3A_91 = arith.constant 1 : i32
        %parallel_loop3A_92 = arith.index_cast %parallel_loop3A_91 : i32 to index
        %parallel_loop3A_93 = arith.index_cast %parallel_loop3A_77 : i32 to index
        %parallel_loop3A_94 = tpu.vector_load %arg8[%parallel_loop3A_92, %parallel_loop3A_93] {strides = array<i32>} : memref<2x1600xi32, #tpu.memory_space<vmem>>, vector<16xi32>,
        %parallel_loop3A_95 = vector.bitcast %parallel_loop3A_94 : vector<16xi32> to vector<16xf32>
        %parallel_loop3A_96 = arith.constant 0 : i32
        %parallel_loop3A_97 = vector.broadcast %parallel_loop3A_96 : i32 to vector<16xi32>
        %parallel_loop3A_98 = tpu.vector_load_idx %arg5[%parallel_loop3A_97, %parallel_loop3A_84] : memref<4x10240xi32, #tpu.memory_space<vmem>>[vector<16xi32>, vector<16xi32>], vector<16xi32>,
        %parallel_loop3A_99 = vector.bitcast %parallel_loop3A_98 : vector<16xi32> to vector<32xbf16>
        %parallel_loop3A_100 = tpu.unpack_subelements %parallel_loop3A_99, 0 {pack_format = #tpu.pack_format<interleaved>} : vector<32xbf16> -> vector<16xf32>
        %parallel_loop3A_101 = tpu.unpack_subelements %parallel_loop3A_99, 1 {pack_format = #tpu.pack_format<interleaved>} : vector<32xbf16> -> vector<16xf32>
        %parallel_loop3A_102 = arith.constant 0 : i32
        %parallel_loop3A_103 = vector.broadcast %parallel_loop3A_102 : i32 to vector<16xi32>
        %parallel_loop3A_104 = arith.mulf %parallel_loop3A_100, %parallel_loop3A_95 : vector<16xf32>
        tpu.vector_store_idx %arg6[%parallel_loop3A_103, %parallel_loop3A_90], %parallel_loop3A_104 {add = true} : memref<8x10240xf32, #tpu.memory_space<vmem>>[vector<16xi32>, vector<16xi32>], vector<16xf32>,
        %parallel_loop3A_105 = arith.constant 1 : i32
        %parallel_loop3A_106 = vector.broadcast %parallel_loop3A_105 : i32 to vector<16xi32>
        %parallel_loop3A_107 = arith.mulf %parallel_loop3A_101, %parallel_loop3A_95 : vector<16xf32>
        tpu.vector_store_idx %arg6[%parallel_loop3A_106, %parallel_loop3A_90], %parallel_loop3A_107 {add = true} : memref<8x10240xf32, #tpu.memory_space<vmem>>[vector<16xi32>, vector<16xi32>], vector<16xf32>,
        %parallel_loop3A_108 = arith.constant 1 : i32
        %parallel_loop3A_109 = vector.broadcast %parallel_loop3A_108 : i32 to vector<16xi32>
        %parallel_loop3A_110 = tpu.vector_load_idx %arg5[%parallel_loop3A_109, %parallel_loop3A_84] : memref<4x10240xi32, #tpu.memory_space<vmem>>[vector<16xi32>, vector<16xi32>], vector<16xi32>,
        %parallel_loop3A_111 = vector.bitcast %parallel_loop3A_110 : vector<16xi32> to vector<32xbf16>
        %parallel_loop3A_112 = tpu.unpack_subelements %parallel_loop3A_111, 0 {pack_format = #tpu.pack_format<interleaved>} : vector<32xbf16> -> vector<16xf32>
        %parallel_loop3A_113 = tpu.unpack_subelements %parallel_loop3A_111, 1 {pack_format = #tpu.pack_format<interleaved>} : vector<32xbf16> -> vector<16xf32>
        %parallel_loop3A_114 = arith.constant 2 : i32
        %parallel_loop3A_115 = vector.broadcast %parallel_loop3A_114 : i32 to vector<16xi32>
        %parallel_loop3A_116 = arith.mulf %parallel_loop3A_112, %parallel_loop3A_95 : vector<16xf32>
        tpu.vector_store_idx %arg6[%parallel_loop3A_115, %parallel_loop3A_90], %parallel_loop3A_116 {add = true} : memref<8x10240xf32, #tpu.memory_space<vmem>>[vector<16xi32>, vector<16xi32>], vector<16xf32>,
        %parallel_loop3A_117 = arith.constant 3 : i32
        %parallel_loop3A_118 = vector.broadcast %parallel_loop3A_117 : i32 to vector<16xi32>
        %parallel_loop3A_119 = arith.mulf %parallel_loop3A_113, %parallel_loop3A_95 : vector<16xf32>
        tpu.vector_store_idx %arg6[%parallel_loop3A_118, %parallel_loop3A_90], %parallel_loop3A_119 {add = true} : memref<8x10240xf32, #tpu.memory_space<vmem>>[vector<16xi32>, vector<16xi32>], vector<16xf32>,
        %parallel_loop3A_120 = arith.constant 2 : i32
        %parallel_loop3A_121 = vector.broadcast %parallel_loop3A_120 : i32 to vector<16xi32>
        %parallel_loop3A_122 = tpu.vector_load_idx %arg5[%parallel_loop3A_121, %parallel_loop3A_84] : memref<4x10240xi32, #tpu.memory_space<vmem>>[vector<16xi32>, vector<16xi32>], vector<16xi32>,
        %parallel_loop3A_123 = vector.bitcast %parallel_loop3A_122 : vector<16xi32> to vector<32xbf16>
        %parallel_loop3A_124 = tpu.unpack_subelements %parallel_loop3A_123, 0 {pack_format = #tpu.pack_format<interleaved>} : vector<32xbf16> -> vector<16xf32>
        %parallel_loop3A_125 = tpu.unpack_subelements %parallel_loop3A_123, 1 {pack_format = #tpu.pack_format<interleaved>} : vector<32xbf16> -> vector<16xf32>
        %parallel_loop3A_126 = arith.constant 4 : i32
        %parallel_loop3A_127 = vector.broadcast %parallel_loop3A_126 : i32 to vector<16xi32>
        %parallel_loop3A_128 = arith.mulf %parallel_loop3A_124, %parallel_loop3A_95 : vector<16xf32>
        tpu.vector_store_idx %arg6[%parallel_loop3A_127, %parallel_loop3A_90], %parallel_loop3A_128 {add = true} : memref<8x10240xf32, #tpu.memory_space<vmem>>[vector<16xi32>, vector<16xi32>], vector<16xf32>,
        %parallel_loop3A_129 = arith.constant 5 : i32
        %parallel_loop3A_130 = vector.broadcast %parallel_loop3A_129 : i32 to vector<16xi32>
        %parallel_loop3A_131 = arith.mulf %parallel_loop3A_125, %parallel_loop3A_95 : vector<16xf32>
        tpu.vector_store_idx %arg6[%parallel_loop3A_130, %parallel_loop3A_90], %parallel_loop3A_131 {add = true} : memref<8x10240xf32, #tpu.memory_space<vmem>>[vector<16xi32>, vector<16xi32>], vector<16xf32>,
        %parallel_loop3A_132 = arith.constant 3 : i32
        %parallel_loop3A_133 = vector.broadcast %parallel_loop3A_132 : i32 to vector<16xi32>
        %parallel_loop3A_134 = tpu.vector_load_idx %arg5[%parallel_loop3A_133, %parallel_loop3A_84] : memref<4x10240xi32, #tpu.memory_space<vmem>>[vector<16xi32>, vector<16xi32>], vector<16xi32>,
        %parallel_loop3A_135 = vector.bitcast %parallel_loop3A_134 : vector<16xi32> to vector<32xbf16>
        %parallel_loop3A_136 = tpu.unpack_subelements %parallel_loop3A_135, 0 {pack_format = #tpu.pack_format<interleaved>} : vector<32xbf16> -> vector<16xf32>
        %parallel_loop3A_137 = tpu.unpack_subelements %parallel_loop3A_135, 1 {pack_format = #tpu.pack_format<interleaved>} : vector<32xbf16> -> vector<16xf32>
        %parallel_loop3A_138 = arith.constant 6 : i32
        %parallel_loop3A_139 = vector.broadcast %parallel_loop3A_138 : i32 to vector<16xi32>
        %parallel_loop3A_140 = arith.mulf %parallel_loop3A_136, %parallel_loop3A_95 : vector<16xf32>
        tpu.vector_store_idx %arg6[%parallel_loop3A_139, %parallel_loop3A_90], %parallel_loop3A_140 {add = true} : memref<8x10240xf32, #tpu.memory_space<vmem>>[vector<16xi32>, vector<16xi32>], vector<16xf32>,
        %parallel_loop3A_141 = arith.constant 7 : i32
        %parallel_loop3A_142 = vector.broadcast %parallel_loop3A_141 : i32 to vector<16xi32>
        %parallel_loop3A_143 = arith.mulf %parallel_loop3A_137, %parallel_loop3A_95 : vector<16xf32>
        tpu.vector_store_idx %arg6[%parallel_loop3A_142, %parallel_loop3A_90], %parallel_loop3A_143 {add = true} : memref<8x10240xf32, #tpu.memory_space<vmem>>[vector<16xi32>, vector<16xi32>], vector<16xf32>,
      } {sc.loop_unroll_factor = 4 : i64, sc.parallel_access}
      %add3A_70 = arith.constant 3 : i32
      %add3A_71 = arith.addi %mul3A_41, %add3A_70 : i32
      %lt3A_72 = arith.constant 100 : i32
      %lt3A_73 = arith.cmpi slt, %add3A_71, %lt3A_72 : i32
      %convert_element_type3A_74 = arith.extui %lt3A_73 : i1 to i32
      %cond3A_75 = arith.constant 0 : i32
      %cond3A_76 = arith.cmpi ne, %convert_element_type3A_74, %cond3A_75 : i32
      scf.if %cond3A_76 {
        %add3A_77 = arith.constant 3 : i32
        %add3A_78 = arith.addi %mul3A_41, %add3A_77 : i32
        %dma_start3A_79 = arith.constant 0 : i32
        %dma_start3A_80 = arith.constant 0 : i32
        %dma_start3A_81 = tpu.memref_slice %arg3[%add3A_78, %dma_start3A_79, %dma_start3A_80] : memref<100x2x1600xi32, #tpu.memory_space<hbm>> -> memref<1x2x1600xi32, #tpu.memory_space<hbm>>
        %dma_start3A_82 = tpu.memref_squeeze %dma_start3A_81 : memref<1x2x1600xi32, #tpu.memory_space<hbm>> -> memref<2x1600xi32, #tpu.memory_space<hbm>>
        %dma_start3A_83 = arith.constant 0 : i32
        %dma_start3A_84 = arith.constant 0 : i32
        %dma_start3A_85 = tpu.memref_slice %arg3[%add3A_78, %dma_start3A_83, %dma_start3A_84] : memref<100x2x1600xi32, #tpu.memory_space<hbm>> -> memref<1x2x1600xi32, #tpu.memory_space<hbm>>
        %dma_start3A_86 = tpu.memref_squeeze %dma_start3A_85 : memref<1x2x1600xi32, #tpu.memory_space<hbm>> -> memref<2x1600xi32, #tpu.memory_space<hbm>>
        tpu.enqueue_dma source(%dma_start3A_86 : memref<2x1600xi32, #tpu.memory_space<hbm>>) target(%arg8 : memref<2x1600xi32, #tpu.memory_space<vmem>>) target_semaphore(%arg10 : memref<!tpu.dma_semaphore, #tpu.memory_space<semaphore_mem>>)
      } else {
      }
    }
    %scan3A_34 = arith.constant 50 : i32
    %mul3A_35 = arith.constant 2 : i32
    %mul3A_36 = arith.muli %add3A, %mul3A_35 : i32
    %mul3A_37 = arith.constant 4 : i32
    %mul3A_38 = arith.muli %mul3A_36, %mul3A_37 : i32
    "tpu.region"() ({
      %run_scoped3A = tpu.sem_alloc : memref<!tpu.dma_semaphore, #tpu.memory_space<semaphore_mem>>
      %dma_start3A_39 = arith.constant 0 : i32
      %dma_start3A_40 = tpu.memref_slice %arg4[%mul3A_38, %dma_start3A_39] : memref<256x10240xf32, #tpu.memory_space<hbm>> -> memref<8x10240xf32, #tpu.memory_space<hbm>>
      %dma_start3A_41 = arith.constant 0 : i32
      %dma_start3A_42 = tpu.memref_slice %arg4[%mul3A_38, %dma_start3A_41] : memref<256x10240xf32, #tpu.memory_space<hbm>> -> memref<8x10240xf32, #tpu.memory_space<hbm>>
      tpu.enqueue_dma source(%arg6 : memref<8x10240xf32, #tpu.memory_space<vmem>>) target(%dma_start3A_42 : memref<8x10240xf32, #tpu.memory_space<hbm>>) target_semaphore(%run_scoped3A : memref<!tpu.dma_semaphore, #tpu.memory_space<semaphore_mem>>)
      %dma_wait3A_43 = arith.constant 0 : i32
      %dma_wait3A_44 = tpu.memref_slice %arg4[%mul3A_38, %dma_wait3A_43] : memref<256x10240xf32, #tpu.memory_space<hbm>> -> memref<8x10240xf32, #tpu.memory_space<hbm>>
      %dma_wait3A_45 = arith.constant 0 : i32
      %dma_wait3A_46 = tpu.memref_slice %arg4[%mul3A_38, %dma_wait3A_45] : memref<256x10240xf32, #tpu.memory_space<hbm>> -> memref<8x10240xf32, #tpu.memory_space<hbm>>
      tpu.wait_dma2 semaphore(%run_scoped3A : memref<!tpu.dma_semaphore, #tpu.memory_space<semaphore_mem>>) src(%arg6 : memref<8x10240xf32, #tpu.memory_space<vmem>>) dst(%dma_wait3A_46 : memref<8x10240xf32, #tpu.memory_space<hbm>>)
      tpu.yield
    }) : () -> ()
    return
  }
}

#map = affine_map<(d0, d1) -> (0, 0)>
#map1 = affine_map<(d0, d1) -> (0, 0, 0)>
module attributes {stable_mosaic.version = 14 : i64} {
  func.func @seg(%arg0: i32, %arg1: i32, %arg2: memref<128x10240xi32, #tpu.memory_space<hbm>>, %arg3: memref<100x2x1600xi32, #tpu.memory_space<hbm>>, %arg4: memref<256x10240xf32, #tpu.memory_space<hbm>>, %arg5: memref<4x10240xi32, #tpu.memory_space<vmem>>, %arg6: memref<8x10240xf32, #tpu.memory_space<vmem>>, %arg7: memref<2x1600xi32, #tpu.memory_space<vmem>>, %arg8: memref<2x1600xi32, #tpu.memory_space<vmem>>, %arg9: memref<!tpu.dma_semaphore, #tpu.memory_space<semaphore_mem>>, %arg10: memref<!tpu.dma_semaphore, #tpu.memory_space<semaphore_mem>>, %arg11: memref<!tpu.dma_semaphore, #tpu.memory_space<semaphore_mem>>) attributes {dimension_semantics = [#tpu.dimension_semantics<core_parallel>, #tpu.dimension_semantics<subcore_parallel>], iteration_bounds = array<i64: 2, 16>, scalar_prefetch = 0 : i64, scratch_operands = 7 : i64, tpu.core_type = #tpu.core_type<sc_vector_subcore>, window_params = [{transform_indices = #map}, {transform_indices = #map1}, {transform_indices = #map}]} {
    %mul3A = arith.constant 2 : i32
    %mul3A_0 = arith.muli %arg1, %mul3A : i32
    %add3A = arith.addi %mul3A_0, %arg0 : i32
    %mul3A_1 = arith.constant 4 : i32
    %mul3A_2 = arith.muli %add3A, %mul3A_1 : i32
    %dma_start3A = arith.constant 0 : i32
    %dma_start3A_3 = tpu.memref_slice %arg2[%mul3A_2, %dma_start3A] : memref<128x10240xi32, #tpu.memory_space<hbm>> -> memref<4x10240xi32, #tpu.memory_space<hbm>>
    %dma_start3A_4 = arith.constant 0 : i32
    %dma_start3A_5 = tpu.memref_slice %arg2[%mul3A_2, %dma_start3A_4] : memref<128x10240xi32, #tpu.memory_space<hbm>> -> memref<4x10240xi32, #tpu.memory_space<hbm>>
    tpu.enqueue_dma source(%dma_start3A_5 : memref<4x10240xi32, #tpu.memory_space<hbm>>) target(%arg5 : memref<4x10240xi32, #tpu.memory_space<vmem>>) target_semaphore(%arg11 : memref<!tpu.dma_semaphore, #tpu.memory_space<semaphore_mem>>)
    %broadcast_in_dim3A = arith.constant 0.000000e+00 : f32
    %broadcast_in_dim3A_6 = vector.broadcast %broadcast_in_dim3A : f32 to vector<16xf32>
    %parallel_loop3A = arith.constant 0 : i32
    %parallel_loop3A_7 = arith.constant 10240 : i32
    %parallel_loop3A_8 = arith.constant 32 : i32
    scf.for %parallel_loop3A_39 = %parallel_loop3A to %parallel_loop3A_7 step %parallel_loop3A_8  : i32 {
      %parallel_loop3A_40 = arith.constant 0 : i32
      %parallel_loop3A_41 = arith.addi %parallel_loop3A_39, %parallel_loop3A_40 : i32
      %parallel_loop3A_42 = arith.constant 0 : i32
      %parallel_loop3A_43 = arith.index_cast %parallel_loop3A_42 : i32 to index
      %parallel_loop3A_44 = arith.index_cast %parallel_loop3A_41 : i32 to index
      %parallel_loop3A_45 = tpu.vector_load %arg6[%parallel_loop3A_43, %parallel_loop3A_44] {strides = array<i32>} : memref<8x10240xf32, #tpu.memory_space<vmem>>, vector<16xf32>,
      tpu.vector_store %arg6[%parallel_loop3A_43, %parallel_loop3A_44], %broadcast_in_dim3A_6 {strides = array<i32>} : memref<8x10240xf32, #tpu.memory_space<vmem>>, vector<16xf32>,
      %parallel_loop3A_46 = arith.constant 16 : i32
      %parallel_loop3A_47 = arith.addi %parallel_loop3A_39, %parallel_loop3A_46 : i32
      %parallel_loop3A_48 = arith.constant 0 : i32
      %parallel_loop3A_49 = arith.index_cast %parallel_loop3A_48 : i32 to index
      %parallel_loop3A_50 = arith.index_cast %parallel_loop3A_47 : i32 to index
      %parallel_loop3A_51 = tpu.vector_load %arg6[%parallel_loop3A_49, %parallel_loop3A_50] {strides = array<i32>} : memref<8x10240xf32, #tpu.memory_space<vmem>>, vector<16xf32>,
      tpu.vector_store %arg6[%parallel_loop3A_49, %parallel_loop3A_50], %broadcast_in_dim3A_6 {strides = array<i32>} : memref<8x10240xf32, #tpu.memory_space<vmem>>, vector<16xf32>,
      %parallel_loop3A_52 = arith.constant 0 : i32
      %parallel_loop3A_53 = arith.addi %parallel_loop3A_39, %parallel_loop3A_52 : i32
      %parallel_loop3A_54 = arith.constant 1 : i32
      %parallel_loop3A_55 = arith.index_cast %parallel_loop3A_54 : i32 to index
      %parallel_loop3A_56 = arith.index_cast %parallel_loop3A_53 : i32 to index
      %parallel_loop3A_57 = tpu.vector_load %arg6[%parallel_loop3A_55, %parallel_loop3A_56] {strides = array<i32>} : memref<8x10240xf32, #tpu.memory_space<vmem>>, vector<16xf32>,
      tpu.vector_store %arg6[%parallel_loop3A_55, %parallel_loop3A_56], %broadcast_in_dim3A_6 {strides = array<i32>} : memref<8x10240xf32, #tpu.memory_space<vmem>>, vector<16xf32>,
      %parallel_loop3A_58 = arith.constant 16 : i32
      %parallel_loop3A_59 = arith.addi %parallel_loop3A_39, %parallel_loop3A_58 : i32
      %parallel_loop3A_60 = arith.constant 1 : i32
      %parallel_loop3A_61 = arith.index_cast %parallel_loop3A_60 : i32 to index
      %parallel_loop3A_62 = arith.index_cast %parallel_loop3A_59 : i32 to index
      %parallel_loop3A_63 = tpu.vector_load %arg6[%parallel_loop3A_61, %parallel_loop3A_62] {strides = array<i32>} : memref<8x10240xf32, #tpu.memory_space<vmem>>, vector<16xf32>,
      tpu.vector_store %arg6[%parallel_loop3A_61, %parallel_loop3A_62], %broadcast_in_dim3A_6 {strides = array<i32>} : memref<8x10240xf32, #tpu.memory_space<vmem>>, vector<16xf32>,
      %parallel_loop3A_64 = arith.constant 0 : i32
      %parallel_loop3A_65 = arith.addi %parallel_loop3A_39, %parallel_loop3A_64 : i32
      %parallel_loop3A_66 = arith.constant 2 : i32
      %parallel_loop3A_67 = arith.index_cast %parallel_loop3A_66 : i32 to index
      %parallel_loop3A_68 = arith.index_cast %parallel_loop3A_65 : i32 to index
      %parallel_loop3A_69 = tpu.vector_load %arg6[%parallel_loop3A_67, %parallel_loop3A_68] {strides = array<i32>} : memref<8x10240xf32, #tpu.memory_space<vmem>>, vector<16xf32>,
      tpu.vector_store %arg6[%parallel_loop3A_67, %parallel_loop3A_68], %broadcast_in_dim3A_6 {strides = array<i32>} : memref<8x10240xf32, #tpu.memory_space<vmem>>, vector<16xf32>,
      %parallel_loop3A_70 = arith.constant 16 : i32
      %parallel_loop3A_71 = arith.addi %parallel_loop3A_39, %parallel_loop3A_70 : i32
      %parallel_loop3A_72 = arith.constant 2 : i32
      %parallel_loop3A_73 = arith.index_cast %parallel_loop3A_72 : i32 to index
      %parallel_loop3A_74 = arith.index_cast %parallel_loop3A_71 : i32 to index
      %parallel_loop3A_75 = tpu.vector_load %arg6[%parallel_loop3A_73, %parallel_loop3A_74] {strides = array<i32>} : memref<8x10240xf32, #tpu.memory_space<vmem>>, vector<16xf32>,
      tpu.vector_store %arg6[%parallel_loop3A_73, %parallel_loop3A_74], %broadcast_in_dim3A_6 {strides = array<i32>} : memref<8x10240xf32, #tpu.memory_space<vmem>>, vector<16xf32>,
      %parallel_loop3A_76 = arith.constant 0 : i32
      %parallel_loop3A_77 = arith.addi %parallel_loop3A_39, %parallel_loop3A_76 : i32
      %parallel_loop3A_78 = arith.constant 3 : i32
      %parallel_loop3A_79 = arith.index_cast %parallel_loop3A_78 : i32 to index
      %parallel_loop3A_80 = arith.index_cast %parallel_loop3A_77 : i32 to index
      %parallel_loop3A_81 = tpu.vector_load %arg6[%parallel_loop3A_79, %parallel_loop3A_80] {strides = array<i32>} : memref<8x10240xf32, #tpu.memory_space<vmem>>, vector<16xf32>,
      tpu.vector_store %arg6[%parallel_loop3A_79, %parallel_loop3A_80], %broadcast_in_dim3A_6 {strides = array<i32>} : memref<8x10240xf32, #tpu.memory_space<vmem>>, vector<16xf32>,
      %parallel_loop3A_82 = arith.constant 16 : i32
      %parallel_loop3A_83 = arith.addi %parallel_loop3A_39, %parallel_loop3A_82 : i32
      %parallel_loop3A_84 = arith.constant 3 : i32
      %parallel_loop3A_85 = arith.index_cast %parallel_loop3A_84 : i32 to index
      %parallel_loop3A_86 = arith.index_cast %parallel_loop3A_83 : i32 to index
      %parallel_loop3A_87 = tpu.vector_load %arg6[%parallel_loop3A_85, %parallel_loop3A_86] {strides = array<i32>} : memref<8x10240xf32, #tpu.memory_space<vmem>>, vector<16xf32>,
      tpu.vector_store %arg6[%parallel_loop3A_85, %parallel_loop3A_86], %broadcast_in_dim3A_6 {strides = array<i32>} : memref<8x10240xf32, #tpu.memory_space<vmem>>, vector<16xf32>,
      %parallel_loop3A_88 = arith.constant 0 : i32
      %parallel_loop3A_89 = arith.addi %parallel_loop3A_39, %parallel_loop3A_88 : i32
      %parallel_loop3A_90 = arith.constant 4 : i32
      %parallel_loop3A_91 = arith.index_cast %parallel_loop3A_90 : i32 to index
      %parallel_loop3A_92 = arith.index_cast %parallel_loop3A_89 : i32 to index
      %parallel_loop3A_93 = tpu.vector_load %arg6[%parallel_loop3A_91, %parallel_loop3A_92] {strides = array<i32>} : memref<8x10240xf32, #tpu.memory_space<vmem>>, vector<16xf32>,
      tpu.vector_store %arg6[%parallel_loop3A_91, %parallel_loop3A_92], %broadcast_in_dim3A_6 {strides = array<i32>} : memref<8x10240xf32, #tpu.memory_space<vmem>>, vector<16xf32>,
      %parallel_loop3A_94 = arith.constant 16 : i32
      %parallel_loop3A_95 = arith.addi %parallel_loop3A_39, %parallel_loop3A_94 : i32
      %parallel_loop3A_96 = arith.constant 4 : i32
      %parallel_loop3A_97 = arith.index_cast %parallel_loop3A_96 : i32 to index
      %parallel_loop3A_98 = arith.index_cast %parallel_loop3A_95 : i32 to index
      %parallel_loop3A_99 = tpu.vector_load %arg6[%parallel_loop3A_97, %parallel_loop3A_98] {strides = array<i32>} : memref<8x10240xf32, #tpu.memory_space<vmem>>, vector<16xf32>,
      tpu.vector_store %arg6[%parallel_loop3A_97, %parallel_loop3A_98], %broadcast_in_dim3A_6 {strides = array<i32>} : memref<8x10240xf32, #tpu.memory_space<vmem>>, vector<16xf32>,
      %parallel_loop3A_100 = arith.constant 0 : i32
      %parallel_loop3A_101 = arith.addi %parallel_loop3A_39, %parallel_loop3A_100 : i32
      %parallel_loop3A_102 = arith.constant 5 : i32
      %parallel_loop3A_103 = arith.index_cast %parallel_loop3A_102 : i32 to index
      %parallel_loop3A_104 = arith.index_cast %parallel_loop3A_101 : i32 to index
      %parallel_loop3A_105 = tpu.vector_load %arg6[%parallel_loop3A_103, %parallel_loop3A_104] {strides = array<i32>} : memref<8x10240xf32, #tpu.memory_space<vmem>>, vector<16xf32>,
      tpu.vector_store %arg6[%parallel_loop3A_103, %parallel_loop3A_104], %broadcast_in_dim3A_6 {strides = array<i32>} : memref<8x10240xf32, #tpu.memory_space<vmem>>, vector<16xf32>,
      %parallel_loop3A_106 = arith.constant 16 : i32
      %parallel_loop3A_107 = arith.addi %parallel_loop3A_39, %parallel_loop3A_106 : i32
      %parallel_loop3A_108 = arith.constant 5 : i32
      %parallel_loop3A_109 = arith.index_cast %parallel_loop3A_108 : i32 to index
      %parallel_loop3A_110 = arith.index_cast %parallel_loop3A_107 : i32 to index
      %parallel_loop3A_111 = tpu.vector_load %arg6[%parallel_loop3A_109, %parallel_loop3A_110] {strides = array<i32>} : memref<8x10240xf32, #tpu.memory_space<vmem>>, vector<16xf32>,
      tpu.vector_store %arg6[%parallel_loop3A_109, %parallel_loop3A_110], %broadcast_in_dim3A_6 {strides = array<i32>} : memref<8x10240xf32, #tpu.memory_space<vmem>>, vector<16xf32>,
      %parallel_loop3A_112 = arith.constant 0 : i32
      %parallel_loop3A_113 = arith.addi %parallel_loop3A_39, %parallel_loop3A_112 : i32
      %parallel_loop3A_114 = arith.constant 6 : i32
      %parallel_loop3A_115 = arith.index_cast %parallel_loop3A_114 : i32 to index
      %parallel_loop3A_116 = arith.index_cast %parallel_loop3A_113 : i32 to index
      %parallel_loop3A_117 = tpu.vector_load %arg6[%parallel_loop3A_115, %parallel_loop3A_116] {strides = array<i32>} : memref<8x10240xf32, #tpu.memory_space<vmem>>, vector<16xf32>,
      tpu.vector_store %arg6[%parallel_loop3A_115, %parallel_loop3A_116], %broadcast_in_dim3A_6 {strides = array<i32>} : memref<8x10240xf32, #tpu.memory_space<vmem>>, vector<16xf32>,
      %parallel_loop3A_118 = arith.constant 16 : i32
      %parallel_loop3A_119 = arith.addi %parallel_loop3A_39, %parallel_loop3A_118 : i32
      %parallel_loop3A_120 = arith.constant 6 : i32
      %parallel_loop3A_121 = arith.index_cast %parallel_loop3A_120 : i32 to index
      %parallel_loop3A_122 = arith.index_cast %parallel_loop3A_119 : i32 to index
      %parallel_loop3A_123 = tpu.vector_load %arg6[%parallel_loop3A_121, %parallel_loop3A_122] {strides = array<i32>} : memref<8x10240xf32, #tpu.memory_space<vmem>>, vector<16xf32>,
      tpu.vector_store %arg6[%parallel_loop3A_121, %parallel_loop3A_122], %broadcast_in_dim3A_6 {strides = array<i32>} : memref<8x10240xf32, #tpu.memory_space<vmem>>, vector<16xf32>,
      %parallel_loop3A_124 = arith.constant 0 : i32
      %parallel_loop3A_125 = arith.addi %parallel_loop3A_39, %parallel_loop3A_124 : i32
      %parallel_loop3A_126 = arith.constant 7 : i32
      %parallel_loop3A_127 = arith.index_cast %parallel_loop3A_126 : i32 to index
      %parallel_loop3A_128 = arith.index_cast %parallel_loop3A_125 : i32 to index
      %parallel_loop3A_129 = tpu.vector_load %arg6[%parallel_loop3A_127, %parallel_loop3A_128] {strides = array<i32>} : memref<8x10240xf32, #tpu.memory_space<vmem>>, vector<16xf32>,
      tpu.vector_store %arg6[%parallel_loop3A_127, %parallel_loop3A_128], %broadcast_in_dim3A_6 {strides = array<i32>} : memref<8x10240xf32, #tpu.memory_space<vmem>>, vector<16xf32>,
      %parallel_loop3A_130 = arith.constant 16 : i32
      %parallel_loop3A_131 = arith.addi %parallel_loop3A_39, %parallel_loop3A_130 : i32
      %parallel_loop3A_132 = arith.constant 7 : i32
      %parallel_loop3A_133 = arith.index_cast %parallel_loop3A_132 : i32 to index
      %parallel_loop3A_134 = arith.index_cast %parallel_loop3A_131 : i32 to index
      %parallel_loop3A_135 = tpu.vector_load %arg6[%parallel_loop3A_133, %parallel_loop3A_134] {strides = array<i32>} : memref<8x10240xf32, #tpu.memory_space<vmem>>, vector<16xf32>,
      tpu.vector_store %arg6[%parallel_loop3A_133, %parallel_loop3A_134], %broadcast_in_dim3A_6 {strides = array<i32>} : memref<8x10240xf32, #tpu.memory_space<vmem>>, vector<16xf32>,
    } {sc.loop_unroll_factor = 4 : i64, sc.parallel_access}
    %dma_wait3A = arith.constant 0 : i32
    %dma_wait3A_9 = tpu.memref_slice %arg2[%mul3A_2, %dma_wait3A] : memref<128x10240xi32, #tpu.memory_space<hbm>> -> memref<4x10240xi32, #tpu.memory_space<hbm>>
    %dma_wait3A_10 = arith.constant 0 : i32
    %dma_wait3A_11 = tpu.memref_slice %arg2[%mul3A_2, %dma_wait3A_10] : memref<128x10240xi32, #tpu.memory_space<hbm>> -> memref<4x10240xi32, #tpu.memory_space<hbm>>
    tpu.wait_dma2 semaphore(%arg11 : memref<!tpu.dma_semaphore, #tpu.memory_space<semaphore_mem>>) src(%dma_wait3A_11 : memref<4x10240xi32, #tpu.memory_space<hbm>>) dst(%arg5 : memref<4x10240xi32, #tpu.memory_space<vmem>>)
    %dma_start3A_12 = arith.constant 0 : i32
    %dma_start3A_13 = arith.constant 0 : i32
    %dma_start3A_14 = arith.constant 0 : i32
    %dma_start3A_15 = tpu.memref_slice %arg3[%dma_start3A_12, %dma_start3A_13, %dma_start3A_14] : memref<100x2x1600xi32, #tpu.memory_space<hbm>> -> memref<1x2x1600xi32, #tpu.memory_space<hbm>>
    %dma_start3A_16 = tpu.memref_squeeze %dma_start3A_15 : memref<1x2x1600xi32, #tpu.memory_space<hbm>> -> memref<2x1600xi32, #tpu.memory_space<hbm>>
    %dma_start3A_17 = arith.constant 0 : i32
    %dma_start3A_18 = arith.constant 0 : i32
    %dma_start3A_19 = tpu.memref_slice %arg3[%dma_start3A_12, %dma_start3A_17, %dma_start3A_18] : memref<100x2x1600xi32, #tpu.memory_space<hbm>> -> memref<1x2x1600xi32, #tpu.memory_space<hbm>>
    %dma_start3A_20 = tpu.memref_squeeze %dma_start3A_19 : memref<1x2x1600xi32, #tpu.memory_space<hbm>> -> memref<2x1600xi32, #tpu.memory_space<hbm>>
    tpu.enqueue_dma source(%dma_start3A_20 : memref<2x1600xi32, #tpu.memory_space<hbm>>) target(%arg7 : memref<2x1600xi32, #tpu.memory_space<vmem>>) target_semaphore(%arg9 : memref<!tpu.dma_semaphore, #tpu.memory_space<semaphore_mem>>)
    %dma_start3A_21 = arith.constant 1 : i32
    %dma_start3A_22 = arith.constant 0 : i32
    %dma_start3A_23 = arith.constant 0 : i32
    %dma_start3A_24 = tpu.memref_slice %arg3[%dma_start3A_21, %dma_start3A_22, %dma_start3A_23] : memref<100x2x1600xi32, #tpu.memory_space<hbm>> -> memref<1x2x1600xi32, #tpu.memory_space<hbm>>
    %dma_start3A_25 = tpu.memref_squeeze %dma_start3A_24 : memref<1x2x1600xi32, #tpu.memory_space<hbm>> -> memref<2x1600xi32, #tpu.memory_space<hbm>>
    %dma_start3A_26 = arith.constant 0 : i32
    %dma_start3A_27 = arith.constant 0 : i32
    %dma_start3A_28 = tpu.memref_slice %arg3[%dma_start3A_21, %dma_start3A_26, %dma_start3A_27] : memref<100x2x1600xi32, #tpu.memory_space<hbm>> -> memref<1x2x1600xi32, #tpu.memory_space<hbm>>
    %dma_start3A_29 = tpu.memref_squeeze %dma_start3A_28 : memref<1x2x1600xi32, #tpu.memory_space<hbm>> -> memref<2x1600xi32, #tpu.memory_space<hbm>>
    tpu.enqueue_dma source(%dma_start3A_29 : memref<2x1600xi32, #tpu.memory_space<hbm>>) target(%arg8 : memref<2x1600xi32, #tpu.memory_space<vmem>>) target_semaphore(%arg10 : memref<!tpu.dma_semaphore, #tpu.memory_space<semaphore_mem>>)
    %scan3A = arith.constant 0 : i32
    %scan3A_30 = arith.constant 0 : i32
    %scan3A_31 = arith.constant 50 : i32
    %scan3A_32 = arith.addi %scan3A_30, %scan3A_31 : i32
    %scan3A_33 = arith.constant 1 : i32
    scf.for %scan3A_39 = %scan3A_30 to %scan3A_32 step %scan3A_33  : i32 {
      %mul3A_40 = arith.constant 2 : i32
      %mul3A_41 = arith.muli %scan3A_39, %mul3A_40 : i32
      %dma_wait3A_42 = arith.constant 0 : i32
      %dma_wait3A_43 = arith.constant 0 : i32
      %dma_wait3A_44 = arith.constant 0 : i32
      %dma_wait3A_45 = tpu.memref_slice %arg3[%dma_wait3A_42, %dma_wait3A_43, %dma_wait3A_44] : memref<100x2x1600xi32, #tpu.memory_space<hbm>> -> memref<1x2x1600xi32, #tpu.memory_space<hbm>>
      %dma_wait3A_46 = tpu.memref_squeeze %dma_wait3A_45 : memref<1x2x1600xi32, #tpu.memory_space<hbm>> -> memref<2x1600xi32, #tpu.memory_space<hbm>>
      %dma_wait3A_47 = arith.constant 0 : i32
      %dma_wait3A_48 = arith.constant 0 : i32
      %dma_wait3A_49 = tpu.memref_slice %arg3[%dma_wait3A_42, %dma_wait3A_47, %dma_wait3A_48] : memref<100x2x1600xi32, #tpu.memory_space<hbm>> -> memref<1x2x1600xi32, #tpu.memory_space<hbm>>
      %dma_wait3A_50 = tpu.memref_squeeze %dma_wait3A_49 : memref<1x2x1600xi32, #tpu.memory_space<hbm>> -> memref<2x1600xi32, #tpu.memory_space<hbm>>
      tpu.wait_dma2 semaphore(%arg9 : memref<!tpu.dma_semaphore, #tpu.memory_space<semaphore_mem>>) src(%dma_wait3A_50 : memref<2x1600xi32, #tpu.memory_space<hbm>>) dst(%arg7 : memref<2x1600xi32, #tpu.memory_space<vmem>>)
      %parallel_loop3A_51 = arith.constant 0 : i32
      %parallel_loop3A_52 = arith.constant 1600 : i32
      %parallel_loop3A_53 = arith.constant 16 : i32
      scf.for %parallel_loop3A_77 = %parallel_loop3A_51 to %parallel_loop3A_52 step %parallel_loop3A_53  : i32 {
        %parallel_loop3A_78 = arith.constant 0 : i32
        %parallel_loop3A_79 = arith.index_cast %parallel_loop3A_78 : i32 to index
        %parallel_loop3A_80 = arith.index_cast %parallel_loop3A_77 : i32 to index
        %parallel_loop3A_81 = tpu.vector_load %arg7[%parallel_loop3A_79, %parallel_loop3A_80] {strides = array<i32>} : memref<2x1600xi32, #tpu.memory_space<vmem>>, vector<16xi32>,
        %parallel_loop3A_82 = arith.constant 16383 : i32
        %parallel_loop3A_83 = vector.broadcast %parallel_loop3A_82 : i32 to vector<16xi32>
        %parallel_loop3A_84 = arith.andi %parallel_loop3A_81, %parallel_loop3A_83 : vector<16xi32>
        %parallel_loop3A_85 = arith.constant 14 : i32
        %parallel_loop3A_86 = vector.broadcast %parallel_loop3A_85 : i32 to vector<16xi32>
        %parallel_loop3A_87 = arith.shrsi %parallel_loop3A_81, %parallel_loop3A_86 : vector<16xi32>
        %parallel_loop3A_88 = arith.constant 16383 : i32
        %parallel_loop3A_89 = vector.broadcast %parallel_loop3A_88 : i32 to vector<16xi32>
        %parallel_loop3A_90 = arith.andi %parallel_loop3A_87, %parallel_loop3A_89 : vector<16xi32>
        %parallel_loop3A_91 = arith.constant 1 : i32
        %parallel_loop3A_92 = arith.index_cast %parallel_loop3A_91 : i32 to index
        %parallel_loop3A_93 = arith.index_cast %parallel_loop3A_77 : i32 to index
        %parallel_loop3A_94 = tpu.vector_load %arg7[%parallel_loop3A_92, %parallel_loop3A_93] {strides = array<i32>} : memref<2x1600xi32, #tpu.memory_space<vmem>>, vector<16xi32>,
        %parallel_loop3A_95 = vector.bitcast %parallel_loop3A_94 : vector<16xi32> to vector<16xf32>
        %parallel_loop3A_96 = arith.constant 0 : i32
        %parallel_loop3A_97 = vector.broadcast %parallel_loop3A_96 : i32 to vector<16xi32>
        %parallel_loop3A_98 = tpu.vector_load_idx %arg5[%parallel_loop3A_97, %parallel_loop3A_84] : memref<4x10240xi32, #tpu.memory_space<vmem>>[vector<16xi32>, vector<16xi32>], vector<16xi32>,
        %parallel_loop3A_99 = vector.bitcast %parallel_loop3A_98 : vector<16xi32> to vector<32xbf16>
        %parallel_loop3A_100 = tpu.unpack_subelements %parallel_loop3A_99, 0 {pack_format = #tpu.pack_format<interleaved>} : vector<32xbf16> -> vector<16xf32>
        %parallel_loop3A_101 = tpu.unpack_subelements %parallel_loop3A_99, 1 {pack_format = #tpu.pack_format<interleaved>} : vector<32xbf16> -> vector<16xf32>
        %parallel_loop3A_102 = arith.constant 0 : i32
        %parallel_loop3A_103 = vector.broadcast %parallel_loop3A_102 : i32 to vector<16xi32>
        %parallel_loop3A_104 = arith.mulf %parallel_loop3A_100, %parallel_loop3A_95 : vector<16xf32>
        tpu.vector_store_idx %arg6[%parallel_loop3A_103, %parallel_loop3A_90], %parallel_loop3A_104 {add = true} : memref<8x10240xf32, #tpu.memory_space<vmem>>[vector<16xi32>, vector<16xi32>], vector<16xf32>,
        %parallel_loop3A_105 = arith.constant 1 : i32
        %parallel_loop3A_106 = vector.broadcast %parallel_loop3A_105 : i32 to vector<16xi32>
        %parallel_loop3A_107 = arith.mulf %parallel_loop3A_101, %parallel_loop3A_95 : vector<16xf32>
        tpu.vector_store_idx %arg6[%parallel_loop3A_106, %parallel_loop3A_90], %parallel_loop3A_107 {add = true} : memref<8x10240xf32, #tpu.memory_space<vmem>>[vector<16xi32>, vector<16xi32>], vector<16xf32>,
        %parallel_loop3A_108 = arith.constant 1 : i32
        %parallel_loop3A_109 = vector.broadcast %parallel_loop3A_108 : i32 to vector<16xi32>
        %parallel_loop3A_110 = tpu.vector_load_idx %arg5[%parallel_loop3A_109, %parallel_loop3A_84] : memref<4x10240xi32, #tpu.memory_space<vmem>>[vector<16xi32>, vector<16xi32>], vector<16xi32>,
        %parallel_loop3A_111 = vector.bitcast %parallel_loop3A_110 : vector<16xi32> to vector<32xbf16>
        %parallel_loop3A_112 = tpu.unpack_subelements %parallel_loop3A_111, 0 {pack_format = #tpu.pack_format<interleaved>} : vector<32xbf16> -> vector<16xf32>
        %parallel_loop3A_113 = tpu.unpack_subelements %parallel_loop3A_111, 1 {pack_format = #tpu.pack_format<interleaved>} : vector<32xbf16> -> vector<16xf32>
        %parallel_loop3A_114 = arith.constant 2 : i32
        %parallel_loop3A_115 = vector.broadcast %parallel_loop3A_114 : i32 to vector<16xi32>
        %parallel_loop3A_116 = arith.mulf %parallel_loop3A_112, %parallel_loop3A_95 : vector<16xf32>
        tpu.vector_store_idx %arg6[%parallel_loop3A_115, %parallel_loop3A_90], %parallel_loop3A_116 {add = true} : memref<8x10240xf32, #tpu.memory_space<vmem>>[vector<16xi32>, vector<16xi32>], vector<16xf32>,
        %parallel_loop3A_117 = arith.constant 3 : i32
        %parallel_loop3A_118 = vector.broadcast %parallel_loop3A_117 : i32 to vector<16xi32>
        %parallel_loop3A_119 = arith.mulf %parallel_loop3A_113, %parallel_loop3A_95 : vector<16xf32>
        tpu.vector_store_idx %arg6[%parallel_loop3A_118, %parallel_loop3A_90], %parallel_loop3A_119 {add = true} : memref<8x10240xf32, #tpu.memory_space<vmem>>[vector<16xi32>, vector<16xi32>], vector<16xf32>,
        %parallel_loop3A_120 = arith.constant 2 : i32
        %parallel_loop3A_121 = vector.broadcast %parallel_loop3A_120 : i32 to vector<16xi32>
        %parallel_loop3A_122 = tpu.vector_load_idx %arg5[%parallel_loop3A_121, %parallel_loop3A_84] : memref<4x10240xi32, #tpu.memory_space<vmem>>[vector<16xi32>, vector<16xi32>], vector<16xi32>,
        %parallel_loop3A_123 = vector.bitcast %parallel_loop3A_122 : vector<16xi32> to vector<32xbf16>
        %parallel_loop3A_124 = tpu.unpack_subelements %parallel_loop3A_123, 0 {pack_format = #tpu.pack_format<interleaved>} : vector<32xbf16> -> vector<16xf32>
        %parallel_loop3A_125 = tpu.unpack_subelements %parallel_loop3A_123, 1 {pack_format = #tpu.pack_format<interleaved>} : vector<32xbf16> -> vector<16xf32>
        %parallel_loop3A_126 = arith.constant 4 : i32
        %parallel_loop3A_127 = vector.broadcast %parallel_loop3A_126 : i32 to vector<16xi32>
        %parallel_loop3A_128 = arith.mulf %parallel_loop3A_124, %parallel_loop3A_95 : vector<16xf32>
        tpu.vector_store_idx %arg6[%parallel_loop3A_127, %parallel_loop3A_90], %parallel_loop3A_128 {add = true} : memref<8x10240xf32, #tpu.memory_space<vmem>>[vector<16xi32>, vector<16xi32>], vector<16xf32>,
        %parallel_loop3A_129 = arith.constant 5 : i32
        %parallel_loop3A_130 = vector.broadcast %parallel_loop3A_129 : i32 to vector<16xi32>
        %parallel_loop3A_131 = arith.mulf %parallel_loop3A_125, %parallel_loop3A_95 : vector<16xf32>
        tpu.vector_store_idx %arg6[%parallel_loop3A_130, %parallel_loop3A_90], %parallel_loop3A_131 {add = true} : memref<8x10240xf32, #tpu.memory_space<vmem>>[vector<16xi32>, vector<16xi32>], vector<16xf32>,
        %parallel_loop3A_132 = arith.constant 3 : i32
        %parallel_loop3A_133 = vector.broadcast %parallel_loop3A_132 : i32 to vector<16xi32>
        %parallel_loop3A_134 = tpu.vector_load_idx %arg5[%parallel_loop3A_133, %parallel_loop3A_84] : memref<4x10240xi32, #tpu.memory_space<vmem>>[vector<16xi32>, vector<16xi32>], vector<16xi32>,
        %parallel_loop3A_135 = vector.bitcast %parallel_loop3A_134 : vector<16xi32> to vector<32xbf16>
        %parallel_loop3A_136 = tpu.unpack_subelements %parallel_loop3A_135, 0 {pack_format = #tpu.pack_format<interleaved>} : vector<32xbf16> -> vector<16xf32>
        %parallel_loop3A_137 = tpu.unpack_subelements %parallel_loop3A_135, 1 {pack_format = #tpu.pack_format<interleaved>} : vector<32xbf16> -> vector<16xf32>
        %parallel_loop3A_138 = arith.constant 6 : i32
        %parallel_loop3A_139 = vector.broadcast %parallel_loop3A_138 : i32 to vector<16xi32>
        %parallel_loop3A_140 = arith.mulf %parallel_loop3A_136, %parallel_loop3A_95 : vector<16xf32>
        tpu.vector_store_idx %arg6[%parallel_loop3A_139, %parallel_loop3A_90], %parallel_loop3A_140 {add = true} : memref<8x10240xf32, #tpu.memory_space<vmem>>[vector<16xi32>, vector<16xi32>], vector<16xf32>,
        %parallel_loop3A_141 = arith.constant 7 : i32
        %parallel_loop3A_142 = vector.broadcast %parallel_loop3A_141 : i32 to vector<16xi32>
        %parallel_loop3A_143 = arith.mulf %parallel_loop3A_137, %parallel_loop3A_95 : vector<16xf32>
        tpu.vector_store_idx %arg6[%parallel_loop3A_142, %parallel_loop3A_90], %parallel_loop3A_143 {add = true} : memref<8x10240xf32, #tpu.memory_space<vmem>>[vector<16xi32>, vector<16xi32>], vector<16xf32>,
      } {sc.loop_unroll_factor = 4 : i64, sc.parallel_access}
      %add3A_54 = arith.constant 2 : i32
      %add3A_55 = arith.addi %mul3A_41, %add3A_54 : i32
      %lt3A = arith.constant 100 : i32
      %lt3A_56 = arith.cmpi slt, %add3A_55, %lt3A : i32
      %convert_element_type3A = arith.extui %lt3A_56 : i1 to i32
      %cond3A = arith.constant 0 : i32
      %cond3A_57 = arith.cmpi ne, %convert_element_type3A, %cond3A : i32
      scf.if %cond3A_57 {
        %add3A_77 = arith.constant 2 : i32
        %add3A_78 = arith.addi %mul3A_41, %add3A_77 : i32
        %dma_start3A_79 = arith.constant 0 : i32
        %dma_start3A_80 = arith.constant 0 : i32
        %dma_start3A_81 = tpu.memref_slice %arg3[%add3A_78, %dma_start3A_79, %dma_start3A_80] : memref<100x2x1600xi32, #tpu.memory_space<hbm>> -> memref<1x2x1600xi32, #tpu.memory_space<hbm>>
        %dma_start3A_82 = tpu.memref_squeeze %dma_start3A_81 : memref<1x2x1600xi32, #tpu.memory_space<hbm>> -> memref<2x1600xi32, #tpu.memory_space<hbm>>
        %dma_start3A_83 = arith.constant 0 : i32
        %dma_start3A_84 = arith.constant 0 : i32
        %dma_start3A_85 = tpu.memref_slice %arg3[%add3A_78, %dma_start3A_83, %dma_start3A_84] : memref<100x2x1600xi32, #tpu.memory_space<hbm>> -> memref<1x2x1600xi32, #tpu.memory_space<hbm>>
        %dma_start3A_86 = tpu.memref_squeeze %dma_start3A_85 : memref<1x2x1600xi32, #tpu.memory_space<hbm>> -> memref<2x1600xi32, #tpu.memory_space<hbm>>
        tpu.enqueue_dma source(%dma_start3A_86 : memref<2x1600xi32, #tpu.memory_space<hbm>>) target(%arg7 : memref<2x1600xi32, #tpu.memory_space<vmem>>) target_semaphore(%arg9 : memref<!tpu.dma_semaphore, #tpu.memory_space<semaphore_mem>>)
      } else {
      }
      %dma_wait3A_58 = arith.constant 0 : i32
      %dma_wait3A_59 = arith.constant 0 : i32
      %dma_wait3A_60 = arith.constant 0 : i32
      %dma_wait3A_61 = tpu.memref_slice %arg3[%dma_wait3A_58, %dma_wait3A_59, %dma_wait3A_60] : memref<100x2x1600xi32, #tpu.memory_space<hbm>> -> memref<1x2x1600xi32, #tpu.memory_space<hbm>>
      %dma_wait3A_62 = tpu.memref_squeeze %dma_wait3A_61 : memref<1x2x1600xi32, #tpu.memory_space<hbm>> -> memref<2x1600xi32, #tpu.memory_space<hbm>>
      %dma_wait3A_63 = arith.constant 0 : i32
      %dma_wait3A_64 = arith.constant 0 : i32
      %dma_wait3A_65 = tpu.memref_slice %arg3[%dma_wait3A_58, %dma_wait3A_63, %dma_wait3A_64] : memref<100x2x1600xi32, #tpu.memory_space<hbm>> -> memref<1x2x1600xi32, #tpu.memory_space<hbm>>
      %dma_wait3A_66 = tpu.memref_squeeze %dma_wait3A_65 : memref<1x2x1600xi32, #tpu.memory_space<hbm>> -> memref<2x1600xi32, #tpu.memory_space<hbm>>
      tpu.wait_dma2 semaphore(%arg10 : memref<!tpu.dma_semaphore, #tpu.memory_space<semaphore_mem>>) src(%dma_wait3A_66 : memref<2x1600xi32, #tpu.memory_space<hbm>>) dst(%arg8 : memref<2x1600xi32, #tpu.memory_space<vmem>>)
      %parallel_loop3A_67 = arith.constant 0 : i32
      %parallel_loop3A_68 = arith.constant 1600 : i32
      %parallel_loop3A_69 = arith.constant 16 : i32
      scf.for %parallel_loop3A_77 = %parallel_loop3A_67 to %parallel_loop3A_68 step %parallel_loop3A_69  : i32 {
        %parallel_loop3A_78 = arith.constant 0 : i32
        %parallel_loop3A_79 = arith.index_cast %parallel_loop3A_78 : i32 to index
        %parallel_loop3A_80 = arith.index_cast %parallel_loop3A_77 : i32 to index
        %parallel_loop3A_81 = tpu.vector_load %arg8[%parallel_loop3A_79, %parallel_loop3A_80] {strides = array<i32>} : memref<2x1600xi32, #tpu.memory_space<vmem>>, vector<16xi32>,
        %parallel_loop3A_82 = arith.constant 16383 : i32
        %parallel_loop3A_83 = vector.broadcast %parallel_loop3A_82 : i32 to vector<16xi32>
        %parallel_loop3A_84 = arith.andi %parallel_loop3A_81, %parallel_loop3A_83 : vector<16xi32>
        %parallel_loop3A_85 = arith.constant 14 : i32
        %parallel_loop3A_86 = vector.broadcast %parallel_loop3A_85 : i32 to vector<16xi32>
        %parallel_loop3A_87 = arith.shrsi %parallel_loop3A_81, %parallel_loop3A_86 : vector<16xi32>
        %parallel_loop3A_88 = arith.constant 16383 : i32
        %parallel_loop3A_89 = vector.broadcast %parallel_loop3A_88 : i32 to vector<16xi32>
        %parallel_loop3A_90 = arith.andi %parallel_loop3A_87, %parallel_loop3A_89 : vector<16xi32>
        %parallel_loop3A_91 = arith.constant 1 : i32
        %parallel_loop3A_92 = arith.index_cast %parallel_loop3A_91 : i32 to index
        %parallel_loop3A_93 = arith.index_cast %parallel_loop3A_77 : i32 to index
        %parallel_loop3A_94 = tpu.vector_load %arg8[%parallel_loop3A_92, %parallel_loop3A_93] {strides = array<i32>} : memref<2x1600xi32, #tpu.memory_space<vmem>>, vector<16xi32>,
        %parallel_loop3A_95 = vector.bitcast %parallel_loop3A_94 : vector<16xi32> to vector<16xf32>
        %parallel_loop3A_96 = arith.constant 0 : i32
        %parallel_loop3A_97 = vector.broadcast %parallel_loop3A_96 : i32 to vector<16xi32>
        %parallel_loop3A_98 = tpu.vector_load_idx %arg5[%parallel_loop3A_97, %parallel_loop3A_84] : memref<4x10240xi32, #tpu.memory_space<vmem>>[vector<16xi32>, vector<16xi32>], vector<16xi32>,
        %parallel_loop3A_99 = vector.bitcast %parallel_loop3A_98 : vector<16xi32> to vector<32xbf16>
        %parallel_loop3A_100 = tpu.unpack_subelements %parallel_loop3A_99, 0 {pack_format = #tpu.pack_format<interleaved>} : vector<32xbf16> -> vector<16xf32>
        %parallel_loop3A_101 = tpu.unpack_subelements %parallel_loop3A_99, 1 {pack_format = #tpu.pack_format<interleaved>} : vector<32xbf16> -> vector<16xf32>
        %parallel_loop3A_102 = arith.constant 0 : i32
        %parallel_loop3A_103 = vector.broadcast %parallel_loop3A_102 : i32 to vector<16xi32>
        %parallel_loop3A_104 = arith.mulf %parallel_loop3A_100, %parallel_loop3A_95 : vector<16xf32>
        tpu.vector_store_idx %arg6[%parallel_loop3A_103, %parallel_loop3A_90], %parallel_loop3A_104 {add = true} : memref<8x10240xf32, #tpu.memory_space<vmem>>[vector<16xi32>, vector<16xi32>], vector<16xf32>,
        %parallel_loop3A_105 = arith.constant 1 : i32
        %parallel_loop3A_106 = vector.broadcast %parallel_loop3A_105 : i32 to vector<16xi32>
        %parallel_loop3A_107 = arith.mulf %parallel_loop3A_101, %parallel_loop3A_95 : vector<16xf32>
        tpu.vector_store_idx %arg6[%parallel_loop3A_106, %parallel_loop3A_90], %parallel_loop3A_107 {add = true} : memref<8x10240xf32, #tpu.memory_space<vmem>>[vector<16xi32>, vector<16xi32>], vector<16xf32>,
        %parallel_loop3A_108 = arith.constant 1 : i32
        %parallel_loop3A_109 = vector.broadcast %parallel_loop3A_108 : i32 to vector<16xi32>
        %parallel_loop3A_110 = tpu.vector_load_idx %arg5[%parallel_loop3A_109, %parallel_loop3A_84] : memref<4x10240xi32, #tpu.memory_space<vmem>>[vector<16xi32>, vector<16xi32>], vector<16xi32>,
        %parallel_loop3A_111 = vector.bitcast %parallel_loop3A_110 : vector<16xi32> to vector<32xbf16>
        %parallel_loop3A_112 = tpu.unpack_subelements %parallel_loop3A_111, 0 {pack_format = #tpu.pack_format<interleaved>} : vector<32xbf16> -> vector<16xf32>
        %parallel_loop3A_113 = tpu.unpack_subelements %parallel_loop3A_111, 1 {pack_format = #tpu.pack_format<interleaved>} : vector<32xbf16> -> vector<16xf32>
        %parallel_loop3A_114 = arith.constant 2 : i32
        %parallel_loop3A_115 = vector.broadcast %parallel_loop3A_114 : i32 to vector<16xi32>
        %parallel_loop3A_116 = arith.mulf %parallel_loop3A_112, %parallel_loop3A_95 : vector<16xf32>
        tpu.vector_store_idx %arg6[%parallel_loop3A_115, %parallel_loop3A_90], %parallel_loop3A_116 {add = true} : memref<8x10240xf32, #tpu.memory_space<vmem>>[vector<16xi32>, vector<16xi32>], vector<16xf32>,
        %parallel_loop3A_117 = arith.constant 3 : i32
        %parallel_loop3A_118 = vector.broadcast %parallel_loop3A_117 : i32 to vector<16xi32>
        %parallel_loop3A_119 = arith.mulf %parallel_loop3A_113, %parallel_loop3A_95 : vector<16xf32>
        tpu.vector_store_idx %arg6[%parallel_loop3A_118, %parallel_loop3A_90], %parallel_loop3A_119 {add = true} : memref<8x10240xf32, #tpu.memory_space<vmem>>[vector<16xi32>, vector<16xi32>], vector<16xf32>,
        %parallel_loop3A_120 = arith.constant 2 : i32
        %parallel_loop3A_121 = vector.broadcast %parallel_loop3A_120 : i32 to vector<16xi32>
        %parallel_loop3A_122 = tpu.vector_load_idx %arg5[%parallel_loop3A_121, %parallel_loop3A_84] : memref<4x10240xi32, #tpu.memory_space<vmem>>[vector<16xi32>, vector<16xi32>], vector<16xi32>,
        %parallel_loop3A_123 = vector.bitcast %parallel_loop3A_122 : vector<16xi32> to vector<32xbf16>
        %parallel_loop3A_124 = tpu.unpack_subelements %parallel_loop3A_123, 0 {pack_format = #tpu.pack_format<interleaved>} : vector<32xbf16> -> vector<16xf32>
        %parallel_loop3A_125 = tpu.unpack_subelements %parallel_loop3A_123, 1 {pack_format = #tpu.pack_format<interleaved>} : vector<32xbf16> -> vector<16xf32>
        %parallel_loop3A_126 = arith.constant 4 : i32
        %parallel_loop3A_127 = vector.broadcast %parallel_loop3A_126 : i32 to vector<16xi32>
        %parallel_loop3A_128 = arith.mulf %parallel_loop3A_124, %parallel_loop3A_95 : vector<16xf32>
        tpu.vector_store_idx %arg6[%parallel_loop3A_127, %parallel_loop3A_90], %parallel_loop3A_128 {add = true} : memref<8x10240xf32, #tpu.memory_space<vmem>>[vector<16xi32>, vector<16xi32>], vector<16xf32>,
        %parallel_loop3A_129 = arith.constant 5 : i32
        %parallel_loop3A_130 = vector.broadcast %parallel_loop3A_129 : i32 to vector<16xi32>
        %parallel_loop3A_131 = arith.mulf %parallel_loop3A_125, %parallel_loop3A_95 : vector<16xf32>
        tpu.vector_store_idx %arg6[%parallel_loop3A_130, %parallel_loop3A_90], %parallel_loop3A_131 {add = true} : memref<8x10240xf32, #tpu.memory_space<vmem>>[vector<16xi32>, vector<16xi32>], vector<16xf32>,
        %parallel_loop3A_132 = arith.constant 3 : i32
        %parallel_loop3A_133 = vector.broadcast %parallel_loop3A_132 : i32 to vector<16xi32>
        %parallel_loop3A_134 = tpu.vector_load_idx %arg5[%parallel_loop3A_133, %parallel_loop3A_84] : memref<4x10240xi32, #tpu.memory_space<vmem>>[vector<16xi32>, vector<16xi32>], vector<16xi32>,
        %parallel_loop3A_135 = vector.bitcast %parallel_loop3A_134 : vector<16xi32> to vector<32xbf16>
        %parallel_loop3A_136 = tpu.unpack_subelements %parallel_loop3A_135, 0 {pack_format = #tpu.pack_format<interleaved>} : vector<32xbf16> -> vector<16xf32>
        %parallel_loop3A_137 = tpu.unpack_subelements %parallel_loop3A_135, 1 {pack_format = #tpu.pack_format<interleaved>} : vector<32xbf16> -> vector<16xf32>
        %parallel_loop3A_138 = arith.constant 6 : i32
        %parallel_loop3A_139 = vector.broadcast %parallel_loop3A_138 : i32 to vector<16xi32>
        %parallel_loop3A_140 = arith.mulf %parallel_loop3A_136, %parallel_loop3A_95 : vector<16xf32>
        tpu.vector_store_idx %arg6[%parallel_loop3A_139, %parallel_loop3A_90], %parallel_loop3A_140 {add = true} : memref<8x10240xf32, #tpu.memory_space<vmem>>[vector<16xi32>, vector<16xi32>], vector<16xf32>,
        %parallel_loop3A_141 = arith.constant 7 : i32
        %parallel_loop3A_142 = vector.broadcast %parallel_loop3A_141 : i32 to vector<16xi32>
        %parallel_loop3A_143 = arith.mulf %parallel_loop3A_137, %parallel_loop3A_95 : vector<16xf32>
        tpu.vector_store_idx %arg6[%parallel_loop3A_142, %parallel_loop3A_90], %parallel_loop3A_143 {add = true} : memref<8x10240xf32, #tpu.memory_space<vmem>>[vector<16xi32>, vector<16xi32>], vector<16xf32>,
      } {sc.loop_unroll_factor = 4 : i64, sc.parallel_access}
      %add3A_70 = arith.constant 3 : i32
      %add3A_71 = arith.addi %mul3A_41, %add3A_70 : i32
      %lt3A_72 = arith.constant 100 : i32
      %lt3A_73 = arith.cmpi slt, %add3A_71, %lt3A_72 : i32
      %convert_element_type3A_74 = arith.extui %lt3A_73 : i1 to i32
      %cond3A_75 = arith.constant 0 : i32
      %cond3A_76 = arith.cmpi ne, %convert_element_type3A_74, %cond3A_75 : i32
      scf.if %cond3A_76 {
        %add3A_77 = arith.constant 3 : i32
        %add3A_78 = arith.addi %mul3A_41, %add3A_77 : i32
        %dma_start3A_79 = arith.constant 0 : i32
        %dma_start3A_80 = arith.constant 0 : i32
        %dma_start3A_81 = tpu.memref_slice %arg3[%add3A_78, %dma_start3A_79, %dma_start3A_80] : memref<100x2x1600xi32, #tpu.memory_space<hbm>> -> memref<1x2x1600xi32, #tpu.memory_space<hbm>>
        %dma_start3A_82 = tpu.memref_squeeze %dma_start3A_81 : memref<1x2x1600xi32, #tpu.memory_space<hbm>> -> memref<2x1600xi32, #tpu.memory_space<hbm>>
        %dma_start3A_83 = arith.constant 0 : i32
        %dma_start3A_84 = arith.constant 0 : i32
        %dma_start3A_85 = tpu.memref_slice %arg3[%add3A_78, %dma_start3A_83, %dma_start3A_84] : memref<100x2x1600xi32, #tpu.memory_space<hbm>> -> memref<1x2x1600xi32, #tpu.memory_space<hbm>>
        %dma_start3A_86 = tpu.memref_squeeze %dma_start3A_85 : memref<1x2x1600xi32, #tpu.memory_space<hbm>> -> memref<2x1600xi32, #tpu.memory_space<hbm>>
        tpu.enqueue_dma source(%dma_start3A_86 : memref<2x1600xi32, #tpu.memory_space<hbm>>) target(%arg8 : memref<2x1600xi32, #tpu.memory_space<vmem>>) target_semaphore(%arg10 : memref<!tpu.dma_semaphore, #tpu.memory_space<semaphore_mem>>)
      } else {
      }
    }
    %scan3A_34 = arith.constant 50 : i32
    %mul3A_35 = arith.constant 2 : i32
    %mul3A_36 = arith.muli %add3A, %mul3A_35 : i32
    %mul3A_37 = arith.constant 4 : i32
    %mul3A_38 = arith.muli %mul3A_36, %mul3A_37 : i32
    "tpu.region"() ({
      %run_scoped3A = tpu.sem_alloc : memref<!tpu.dma_semaphore, #tpu.memory_space<semaphore_mem>>
      %dma_start3A_39 = arith.constant 0 : i32
      %dma_start3A_40 = tpu.memref_slice %arg4[%mul3A_38, %dma_start3A_39] : memref<256x10240xf32, #tpu.memory_space<hbm>> -> memref<8x10240xf32, #tpu.memory_space<hbm>>
      %dma_start3A_41 = arith.constant 0 : i32
      %dma_start3A_42 = tpu.memref_slice %arg4[%mul3A_38, %dma_start3A_41] : memref<256x10240xf32, #tpu.memory_space<hbm>> -> memref<8x10240xf32, #tpu.memory_space<hbm>>
      tpu.enqueue_dma source(%arg6 : memref<8x10240xf32, #tpu.memory_space<vmem>>) target(%dma_start3A_42 : memref<8x10240xf32, #tpu.memory_space<hbm>>) target_semaphore(%run_scoped3A : memref<!tpu.dma_semaphore, #tpu.memory_space<semaphore_mem>>)
      %dma_wait3A_43 = arith.constant 0 : i32
      %dma_wait3A_44 = tpu.memref_slice %arg4[%mul3A_38, %dma_wait3A_43] : memref<256x10240xf32, #tpu.memory_space<hbm>> -> memref<8x10240xf32, #tpu.memory_space<hbm>>
      %dma_wait3A_45 = arith.constant 0 : i32
      %dma_wait3A_46 = tpu.memref_slice %arg4[%mul3A_38, %dma_wait3A_45] : memref<256x10240xf32, #tpu.memory_space<hbm>> -> memref<8x10240xf32, #tpu.memory_space<hbm>>
      tpu.wait_dma2 semaphore(%run_scoped3A : memref<!tpu.dma_semaphore, #tpu.memory_space<semaphore_mem>>) src(%arg6 : memref<8x10240xf32, #tpu.memory_space<vmem>>) dst(%dma_wait3A_46 : memref<8x10240xf32, #tpu.memory_space<hbm>>)
      tpu.yield
    }) : () -> ()
    return
  }
}

module attributes {stable_mosaic.version = 14 : i64} {
  func.func @_dense1_body(%arg0: i32, %arg1: memref<128x256xbf16, #tpu.memory_space<vmem>>, %arg2: memref<128x256xbf16, #tpu.memory_space<vmem>>, %arg3: memref<256x256xbf16, #tpu.memory_space<vmem>>, %arg4: memref<256x1xf32, #tpu.memory_space<vmem>>, %arg5: memref<2048x256xf32, #tpu.memory_space<vmem>>, %arg6: memref<128x2048xi32, #tpu.memory_space<vmem>>, %arg7: memref<256x2048xf32, #tpu.memory_space<vmem>>) attributes {dimension_semantics = [#tpu.dimension_semantics<arbitrary>], iteration_bounds = array<i64: 5>, scalar_prefetch = 0 : i64, scratch_operands = 0 : i64, tpu.core_type = #tpu.core_type<tc>, window_params = [{pipeline_mode = #tpu.pipeline_mode<synchronous>, transform_indices = @transform_0, window_bounds = array<i64: 128, 256>}, {pipeline_mode = #tpu.pipeline_mode<synchronous>, transform_indices = @transform_1, window_bounds = array<i64: 128, 256>}, {pipeline_mode = #tpu.pipeline_mode<synchronous>, transform_indices = @transform_2, window_bounds = array<i64: 256, 256>}, {pipeline_mode = #tpu.pipeline_mode<synchronous>, transform_indices = @transform_3, window_bounds = array<i64: 256, 1>}, {transform_indices = @transform_4, window_bounds = array<i64: 2048, 256>}, {transform_indices = @transform_5, window_bounds = array<i64: 128, 2048>}, {transform_indices = @transform_6, window_bounds = array<i64: 256, 2048>}]} {
    %get3A = arith.constant 0 : index
    %get3A_0 = arith.constant 0 : index
    %get3A_1 = vector.load %arg5[%get3A, %get3A_0] : memref<2048x256xf32, #tpu.memory_space<vmem>>, vector<2048x256xf32>
    %convert_element_type3A = arith.truncf %get3A_1 : vector<2048x256xf32> to vector<2048x256xbf16>
    %get3A_2 = arith.constant 0 : index
    %get3A_3 = arith.constant 0 : index
    %get3A_4 = vector.load %arg1[%get3A_2, %get3A_3] : memref<128x256xbf16, #tpu.memory_space<vmem>>, vector<128x256xbf16>
    %dot_general3A = arith.constant dense<0.000000e+00> : vector<128x2048xf32>
    %dot_general3A_5 = tpu.matmul %get3A_4, %convert_element_type3A, %dot_general3A {dimension_numbers = #tpu.dot_dimension_numbers<[1], [1], [0], [0], [0, 0, 1, 0], [], []>, transpose_lhs_hint = false} : vector<128x256xbf16>, vector<2048x256xbf16>, vector<128x2048xf32> -> vector<128x2048xf32>
    %get3A_6 = arith.constant 0 : index
    %get3A_7 = arith.constant 0 : index
    %get3A_8 = vector.load %arg2[%get3A_6, %get3A_7] : memref<128x256xbf16, #tpu.memory_space<vmem>>, vector<128x256xbf16>
    %dot_general3A_9 = arith.constant dense<0.000000e+00> : vector<128x2048xf32>
    %dot_general3A_10 = tpu.matmul %get3A_8, %convert_element_type3A, %dot_general3A_9 {dimension_numbers = #tpu.dot_dimension_numbers<[1], [1], [0], [0], [0, 0, 1, 0], [], []>, transpose_lhs_hint = false} : vector<128x256xbf16>, vector<2048x256xbf16>, vector<128x2048xf32> -> vector<128x2048xf32>
    %convert_element_type3A_11 = arith.truncf %dot_general3A_5 : vector<128x2048xf32> to vector<128x2048xbf16>
    %bitcast_convert_type3A = tpu.bitcast %convert_element_type3A_11 : vector<128x2048xbf16> -> vector<128x2048xi16>
    %convert_element_type3A_12 = arith.truncf %dot_general3A_10 : vector<128x2048xf32> to vector<128x2048xbf16>
    %bitcast_convert_type3A_13 = tpu.bitcast %convert_element_type3A_12 : vector<128x2048xbf16> -> vector<128x2048xi16>
    %convert_element_type3A_14 = arith.extui %bitcast_convert_type3A : vector<128x2048xi16> to vector<128x2048xi32>
    %convert_element_type3A_15 = arith.extui %bitcast_convert_type3A_13 : vector<128x2048xi16> to vector<128x2048xi32>
    %shift_left3A = arith.constant 16 : i32
    %shift_left3A_16 = vector.broadcast %shift_left3A : i32 to vector<128x2048xi32>
    %shift_left3A_17 = arith.shli %convert_element_type3A_15, %shift_left3A_16 : vector<128x2048xi32>
    %or3A = arith.ori %convert_element_type3A_14, %shift_left3A_17 : vector<128x2048xi32>
    %bitcast_convert_type3A_18 = tpu.bitcast %or3A : vector<128x2048xi32> -> vector<128x2048xi32>
    %swap3A = arith.constant 0 : index
    %swap3A_19 = arith.constant 0 : index
    %swap3A_20 = vector.load %arg6[%swap3A, %swap3A_19] : memref<128x2048xi32, #tpu.memory_space<vmem>>, vector<128x2048xi32>
    tpu.vector_store %arg6[%swap3A, %swap3A_19], %bitcast_convert_type3A_18 {strides = array<i32>} : memref<128x2048xi32, #tpu.memory_space<vmem>>, vector<128x2048xi32>,
    %get3A_21 = arith.constant 0 : index
    %get3A_22 = arith.constant 0 : index
    %get3A_23 = vector.load %arg3[%get3A_21, %get3A_22] : memref<256x256xbf16, #tpu.memory_space<vmem>>, vector<256x256xbf16>
    %dot_general3A_24 = arith.constant dense<0.000000e+00> : vector<256x2048xf32>
    %dot_general3A_25 = tpu.matmul %get3A_23, %convert_element_type3A, %dot_general3A_24 {dimension_numbers = #tpu.dot_dimension_numbers<[1], [1], [0], [0], [0, 0, 1, 0], [], []>, transpose_lhs_hint = false} : vector<256x256xbf16>, vector<2048x256xbf16>, vector<256x2048xf32> -> vector<256x2048xf32>
    %get3A_26 = arith.constant 0 : index
    %get3A_27 = arith.constant 0 : index
    %get3A_28 = vector.load %arg4[%get3A_26, %get3A_27] : memref<256x1xf32, #tpu.memory_space<vmem>>, vector<256x1xf32>
    %add3A = vector.broadcast %get3A_28 : vector<256x1xf32> to vector<256x2048xf32>
    %add3A_29 = arith.addf %dot_general3A_25, %add3A : vector<256x2048xf32>
    %swap3A_30 = arith.constant 0 : index
    %swap3A_31 = arith.constant 0 : index
    %swap3A_32 = vector.load %arg7[%swap3A_30, %swap3A_31] : memref<256x2048xf32, #tpu.memory_space<vmem>>, vector<256x2048xf32>
    tpu.vector_store %arg7[%swap3A_30, %swap3A_31], %add3A_29 {strides = array<i32>} : memref<256x2048xf32, #tpu.memory_space<vmem>>, vector<256x2048xf32>,
    return
  }
  func.func @transform_0(%arg0: i32) -> (i32, i32) {
    %c0_i32 = arith.constant 0 : i32
    %c0_i32_0 = arith.constant 0 : i32
    %c0_i32_1 = arith.constant 0 : i32
    return %c0_i32, %c0_i32_0 : i32, i32
  }
  func.func @transform_1(%arg0: i32) -> (i32, i32) {
    %c0_i32 = arith.constant 0 : i32
    %c0_i32_0 = arith.constant 0 : i32
    %c0_i32_1 = arith.constant 0 : i32
    return %c0_i32, %c0_i32_0 : i32, i32
  }
  func.func @transform_2(%arg0: i32) -> (i32, i32) {
    %c0_i32 = arith.constant 0 : i32
    %c0_i32_0 = arith.constant 0 : i32
    %c0_i32_1 = arith.constant 0 : i32
    return %c0_i32, %c0_i32_0 : i32, i32
  }
  func.func @transform_3(%arg0: i32) -> (i32, i32) {
    %c0_i32 = arith.constant 0 : i32
    %c0_i32_0 = arith.constant 0 : i32
    %c0_i32_1 = arith.constant 0 : i32
    return %c0_i32, %c0_i32_0 : i32, i32
  }
  func.func @transform_4(%arg0: i32) -> (i32, i32) {
    %c0_i32 = arith.constant 0 : i32
    %c0_i32_0 = arith.constant 0 : i32
    return %arg0, %c0_i32 : i32, i32
  }
  func.func @transform_5(%arg0: i32) -> (i32, i32) {
    %c0_i32 = arith.constant 0 : i32
    %c0_i32_0 = arith.constant 0 : i32
    return %c0_i32, %arg0 : i32, i32
  }
  func.func @transform_6(%arg0: i32) -> (i32, i32) {
    %c0_i32 = arith.constant 0 : i32
    %c0_i32_0 = arith.constant 0 : i32
    return %c0_i32, %arg0 : i32, i32
  }
}

module attributes {stable_mosaic.version = 14 : i64} {
  func.func @_dense2_body(%arg0: i32, %arg1: memref<128x256xbf16, #tpu.memory_space<vmem>>, %arg2: memref<128x256xbf16, #tpu.memory_space<vmem>>, %arg3: memref<256x256xbf16, #tpu.memory_space<vmem>>, %arg4: memref<256x1xf32, #tpu.memory_space<vmem>>, %arg5: memref<256x2048xf32, #tpu.memory_space<vmem>>, %arg6: memref<256x2048xf32, #tpu.memory_space<vmem>>, %arg7: memref<128x2048xi32, #tpu.memory_space<vmem>>, %arg8: memref<256x2048xf32, #tpu.memory_space<vmem>>) attributes {dimension_semantics = [#tpu.dimension_semantics<arbitrary>], iteration_bounds = array<i64: 5>, scalar_prefetch = 0 : i64, scratch_operands = 0 : i64, tpu.core_type = #tpu.core_type<tc>, window_params = [{pipeline_mode = #tpu.pipeline_mode<synchronous>, transform_indices = @transform_0, window_bounds = array<i64: 128, 256>}, {pipeline_mode = #tpu.pipeline_mode<synchronous>, transform_indices = @transform_1, window_bounds = array<i64: 128, 256>}, {pipeline_mode = #tpu.pipeline_mode<synchronous>, transform_indices = @transform_2, window_bounds = array<i64: 256, 256>}, {pipeline_mode = #tpu.pipeline_mode<synchronous>, transform_indices = @transform_3, window_bounds = array<i64: 256, 1>}, {transform_indices = @transform_4, window_bounds = array<i64: 256, 2048>}, {transform_indices = @transform_5, window_bounds = array<i64: 256, 2048>}, {transform_indices = @transform_6, window_bounds = array<i64: 128, 2048>}, {transform_indices = @transform_7, window_bounds = array<i64: 256, 2048>}]} {
    %get3A = arith.constant 0 : index
    %get3A_0 = arith.constant 0 : index
    %get3A_1 = vector.load %arg5[%get3A, %get3A_0] : memref<256x2048xf32, #tpu.memory_space<vmem>>, vector<256x2048xf32>
    %get3A_2 = arith.constant 0 : index
    %get3A_3 = arith.constant 0 : index
    %get3A_4 = vector.load %arg6[%get3A_2, %get3A_3] : memref<256x2048xf32, #tpu.memory_space<vmem>>, vector<256x2048xf32>
    %add3A = arith.addf %get3A_1, %get3A_4 : vector<256x2048xf32>
    %max3A = arith.constant 0.000000e+00 : f32
    %max3A_5 = vector.broadcast %max3A : f32 to vector<256x2048xf32>
    %max3A_6 = arith.maximumf %add3A, %max3A_5 : vector<256x2048xf32>
    %convert_element_type3A = arith.truncf %max3A_6 : vector<256x2048xf32> to vector<256x2048xbf16>
    %get3A_7 = arith.constant 0 : index
    %get3A_8 = arith.constant 0 : index
    %get3A_9 = vector.load %arg1[%get3A_7, %get3A_8] : memref<128x256xbf16, #tpu.memory_space<vmem>>, vector<128x256xbf16>
    %dot_general3A = arith.constant dense<0.000000e+00> : vector<128x2048xf32>
    %dot_general3A_10 = tpu.matmul %get3A_9, %convert_element_type3A, %dot_general3A {dimension_numbers = #tpu.dot_dimension_numbers<[1], [0], [0], [1], [0, 0, 1, 1], [], []>, transpose_lhs_hint = false} : vector<128x256xbf16>, vector<256x2048xbf16>, vector<128x2048xf32> -> vector<128x2048xf32>
    %get3A_11 = arith.constant 0 : index
    %get3A_12 = arith.constant 0 : index
    %get3A_13 = vector.load %arg2[%get3A_11, %get3A_12] : memref<128x256xbf16, #tpu.memory_space<vmem>>, vector<128x256xbf16>
    %dot_general3A_14 = arith.constant dense<0.000000e+00> : vector<128x2048xf32>
    %dot_general3A_15 = tpu.matmul %get3A_13, %convert_element_type3A, %dot_general3A_14 {dimension_numbers = #tpu.dot_dimension_numbers<[1], [0], [0], [1], [0, 0, 1, 1], [], []>, transpose_lhs_hint = false} : vector<128x256xbf16>, vector<256x2048xbf16>, vector<128x2048xf32> -> vector<128x2048xf32>
    %convert_element_type3A_16 = arith.truncf %dot_general3A_10 : vector<128x2048xf32> to vector<128x2048xbf16>
    %bitcast_convert_type3A = tpu.bitcast %convert_element_type3A_16 : vector<128x2048xbf16> -> vector<128x2048xi16>
    %convert_element_type3A_17 = arith.truncf %dot_general3A_15 : vector<128x2048xf32> to vector<128x2048xbf16>
    %bitcast_convert_type3A_18 = tpu.bitcast %convert_element_type3A_17 : vector<128x2048xbf16> -> vector<128x2048xi16>
    %convert_element_type3A_19 = arith.extui %bitcast_convert_type3A : vector<128x2048xi16> to vector<128x2048xi32>
    %convert_element_type3A_20 = arith.extui %bitcast_convert_type3A_18 : vector<128x2048xi16> to vector<128x2048xi32>
    %shift_left3A = arith.constant 16 : i32
    %shift_left3A_21 = vector.broadcast %shift_left3A : i32 to vector<128x2048xi32>
    %shift_left3A_22 = arith.shli %convert_element_type3A_20, %shift_left3A_21 : vector<128x2048xi32>
    %or3A = arith.ori %convert_element_type3A_19, %shift_left3A_22 : vector<128x2048xi32>
    %bitcast_convert_type3A_23 = tpu.bitcast %or3A : vector<128x2048xi32> -> vector<128x2048xi32>
    %swap3A = arith.constant 0 : index
    %swap3A_24 = arith.constant 0 : index
    %swap3A_25 = vector.load %arg7[%swap3A, %swap3A_24] : memref<128x2048xi32, #tpu.memory_space<vmem>>, vector<128x2048xi32>
    tpu.vector_store %arg7[%swap3A, %swap3A_24], %bitcast_convert_type3A_23 {strides = array<i32>} : memref<128x2048xi32, #tpu.memory_space<vmem>>, vector<128x2048xi32>,
    %get3A_26 = arith.constant 0 : index
    %get3A_27 = arith.constant 0 : index
    %get3A_28 = vector.load %arg3[%get3A_26, %get3A_27] : memref<256x256xbf16, #tpu.memory_space<vmem>>, vector<256x256xbf16>
    %dot_general3A_29 = arith.constant dense<0.000000e+00> : vector<256x2048xf32>
    %dot_general3A_30 = tpu.matmul %get3A_28, %convert_element_type3A, %dot_general3A_29 {dimension_numbers = #tpu.dot_dimension_numbers<[1], [0], [0], [1], [0, 0, 1, 1], [], []>, transpose_lhs_hint = false} : vector<256x256xbf16>, vector<256x2048xbf16>, vector<256x2048xf32> -> vector<256x2048xf32>
    %get3A_31 = arith.constant 0 : index
    %get3A_32 = arith.constant 0 : index
    %get3A_33 = vector.load %arg4[%get3A_31, %get3A_32] : memref<256x1xf32, #tpu.memory_space<vmem>>, vector<256x1xf32>
    %add3A_34 = vector.broadcast %get3A_33 : vector<256x1xf32> to vector<256x2048xf32>
    %add3A_35 = arith.addf %dot_general3A_30, %add3A_34 : vector<256x2048xf32>
    %swap3A_36 = arith.constant 0 : index
    %swap3A_37 = arith.constant 0 : index
    %swap3A_38 = vector.load %arg8[%swap3A_36, %swap3A_37] : memref<256x2048xf32, #tpu.memory_space<vmem>>, vector<256x2048xf32>
    tpu.vector_store %arg8[%swap3A_36, %swap3A_37], %add3A_35 {strides = array<i32>} : memref<256x2048xf32, #tpu.memory_space<vmem>>, vector<256x2048xf32>,
    return
  }
  func.func @transform_0(%arg0: i32) -> (i32, i32) {
    %c0_i32 = arith.constant 0 : i32
    %c0_i32_0 = arith.constant 0 : i32
    %c0_i32_1 = arith.constant 0 : i32
    return %c0_i32, %c0_i32_0 : i32, i32
  }
  func.func @transform_1(%arg0: i32) -> (i32, i32) {
    %c0_i32 = arith.constant 0 : i32
    %c0_i32_0 = arith.constant 0 : i32
    %c0_i32_1 = arith.constant 0 : i32
    return %c0_i32, %c0_i32_0 : i32, i32
  }
  func.func @transform_2(%arg0: i32) -> (i32, i32) {
    %c0_i32 = arith.constant 0 : i32
    %c0_i32_0 = arith.constant 0 : i32
    %c0_i32_1 = arith.constant 0 : i32
    return %c0_i32, %c0_i32_0 : i32, i32
  }
  func.func @transform_3(%arg0: i32) -> (i32, i32) {
    %c0_i32 = arith.constant 0 : i32
    %c0_i32_0 = arith.constant 0 : i32
    %c0_i32_1 = arith.constant 0 : i32
    return %c0_i32, %c0_i32_0 : i32, i32
  }
  func.func @transform_4(%arg0: i32) -> (i32, i32) {
    %c0_i32 = arith.constant 0 : i32
    %c0_i32_0 = arith.constant 0 : i32
    return %c0_i32, %arg0 : i32, i32
  }
  func.func @transform_5(%arg0: i32) -> (i32, i32) {
    %c0_i32 = arith.constant 0 : i32
    %c0_i32_0 = arith.constant 0 : i32
    return %c0_i32, %arg0 : i32, i32
  }
  func.func @transform_6(%arg0: i32) -> (i32, i32) {
    %c0_i32 = arith.constant 0 : i32
    %c0_i32_0 = arith.constant 0 : i32
    return %c0_i32, %arg0 : i32, i32
  }
  func.func @transform_7(%arg0: i32) -> (i32, i32) {
    %c0_i32 = arith.constant 0 : i32
    %c0_i32_0 = arith.constant 0 : i32
    return %c0_i32, %arg0 : i32, i32
  }
}

module attributes {stable_mosaic.version = 14 : i64} {
  func.func @_pool_mlp_body(%arg0: i32, %arg1: memref<256x256xf32, #tpu.memory_space<vmem>>, %arg2: memref<256x1xf32, #tpu.memory_space<vmem>>, %arg3: memref<256x1xf32, #tpu.memory_space<vmem>>, %arg4: memref<1x1xf32, #tpu.memory_space<vmem>>, %arg5: memref<256x2048xf32, #tpu.memory_space<vmem>>, %arg6: memref<256x2048xf32, #tpu.memory_space<vmem>>, %arg7: memref<1x1x2048xi32, #tpu.memory_space<vmem>>, %arg8: memref<8x128xf32, #tpu.memory_space<vmem>>, %arg9: memref<256x128xf32, #tpu.memory_space<vmem>>, %arg10: memref<1x128xf32, #tpu.memory_space<vmem>>) attributes {dimension_semantics = [#tpu.dimension_semantics<arbitrary>], iteration_bounds = array<i64: 5>, scalar_prefetch = 0 : i64, scratch_operands = 2 : i64, tpu.core_type = #tpu.core_type<tc>, window_params = [{pipeline_mode = #tpu.pipeline_mode<synchronous>, transform_indices = @transform_0, window_bounds = array<i64: 256, 256>}, {pipeline_mode = #tpu.pipeline_mode<synchronous>, transform_indices = @transform_1, window_bounds = array<i64: 256, 1>}, {pipeline_mode = #tpu.pipeline_mode<synchronous>, transform_indices = @transform_2, window_bounds = array<i64: 256, 1>}, {pipeline_mode = #tpu.pipeline_mode<synchronous>, transform_indices = @transform_3, window_bounds = array<i64: 1, 1>}, {transform_indices = @transform_4, window_bounds = array<i64: 256, 2048>}, {transform_indices = @transform_5, window_bounds = array<i64: 256, 2048>}, {transform_indices = @transform_6, window_bounds = array<i64: 1, 1, 2048>}, {pipeline_mode = #tpu.pipeline_mode<synchronous>, transform_indices = @transform_7, window_bounds = array<i64: 8, 128>}]} {
    %eq3A = arith.constant 0 : i32
    %eq3A_0 = arith.cmpi eq, %arg0, %eq3A : i32
    %convert_element_type3A = arith.extui %eq3A_0 : i1 to i32
    %cond3A = arith.constant 0 : i32
    %cond3A_1 = arith.cmpi ne, %convert_element_type3A, %cond3A : i32
    scf.if %cond3A_1 {
      %broadcast_in_dim3A_46 = arith.constant 0.000000e+00 : f32
      %broadcast_in_dim3A_47 = vector.broadcast %broadcast_in_dim3A_46 : f32 to vector<256x128xf32>
      %swap3A_48 = arith.constant 0 : index
      %swap3A_49 = arith.constant 0 : index
      %swap3A_50 = vector.load %arg9[%swap3A_48, %swap3A_49] : memref<256x128xf32, #tpu.memory_space<vmem>>, vector<256x128xf32>
      tpu.vector_store %arg9[%swap3A_48, %swap3A_49], %broadcast_in_dim3A_47 {strides = array<i32>} : memref<256x128xf32, #tpu.memory_space<vmem>>, vector<256x128xf32>,
      %broadcast_in_dim3A_51 = arith.constant 0.000000e+00 : f32
      %broadcast_in_dim3A_52 = vector.broadcast %broadcast_in_dim3A_51 : f32 to vector<1x128xf32>
      %swap3A_53 = arith.constant 0 : index
      %swap3A_54 = arith.constant 0 : index
      %swap3A_55 = vector.load %arg10[%swap3A_53, %swap3A_54] : memref<1x128xf32, #tpu.memory_space<vmem>>, vector<1x128xf32>
      tpu.vector_store %arg10[%swap3A_53, %swap3A_54], %broadcast_in_dim3A_52 {strides = array<i32>} : memref<1x128xf32, #tpu.memory_space<vmem>>, vector<1x128xf32>,
    } else {
    }
    %get3A = arith.constant 0 : index
    %get3A_2 = arith.constant 0 : index
    %get3A_3 = vector.load %arg5[%get3A, %get3A_2] : memref<256x2048xf32, #tpu.memory_space<vmem>>, vector<256x2048xf32>
    %get3A_4 = arith.constant 0 : index
    %get3A_5 = arith.constant 0 : index
    %get3A_6 = vector.load %arg6[%get3A_4, %get3A_5] : memref<256x2048xf32, #tpu.memory_space<vmem>>, vector<256x2048xf32>
    %add3A = arith.addf %get3A_3, %get3A_6 : vector<256x2048xf32>
    %max3A = arith.constant 0.000000e+00 : f32
    %max3A_7 = vector.broadcast %max3A : f32 to vector<256x2048xf32>
    %max3A_8 = arith.maximumf %add3A, %max3A_7 : vector<256x2048xf32>
    %get3A_9 = arith.constant 0 : index
    %get3A_10 = arith.constant 0 : index
    %get3A_11 = arith.constant 0 : index
    %get3A_12 = vector.load %arg7[%get3A_9, %get3A_10, %get3A_11] : memref<1x1x2048xi32, #tpu.memory_space<vmem>>, vector<1x1x2048xi32>
    %get3A_13 = vector.shape_cast %get3A_12 : vector<1x1x2048xi32> to vector<1x2048xi32>
    %ge3A = arith.constant 0 : i32
    %ge3A_14 = vector.broadcast %ge3A : i32 to vector<1x2048xi32>
    %ge3A_15 = arith.cmpi sge, %get3A_13, %ge3A_14 : vector<1x2048xi32>
    %jit3A = arith.constant 0.000000e+00 : f32
    %broadcast_in_dim3A = vector.shape_cast %ge3A_15 : vector<1x2048xi1> to vector<1x2048xi1>
    %broadcast_in_dim3A_16 = vector.broadcast %broadcast_in_dim3A : vector<1x2048xi1> to vector<256x2048xi1>
    %broadcast_in_dim3A_17 = vector.broadcast %jit3A : f32 to vector<256x2048xf32>
    %select_n3A = arith.select %broadcast_in_dim3A_16, %max3A_8, %broadcast_in_dim3A_17 : vector<256x2048xi1>, vector<256x2048xf32>
    %reshape3A = vector.shape_cast %get3A_13 : vector<1x2048xi32> to vector<2048x1xi32>
    %iota3A = tpu.iota {dimensions = array<i32: 1>} : vector<2048x128xi32>
    %eq3A_18 = vector.broadcast %reshape3A : vector<2048x1xi32> to vector<2048x128xi32>
    %eq3A_19 = arith.cmpi eq, %eq3A_18, %iota3A : vector<2048x128xi32>
    %jit3A_20 = arith.constant 1.000000e+00 : f32
    %jit3A_21 = arith.constant 0.000000e+00 : f32
    %broadcast_in_dim3A_22 = vector.broadcast %jit3A_20 : f32 to vector<2048x128xf32>
    %broadcast_in_dim3A_23 = vector.broadcast %jit3A_21 : f32 to vector<2048x128xf32>
    %select_n3A_24 = arith.select %eq3A_19, %broadcast_in_dim3A_22, %broadcast_in_dim3A_23 : vector<2048x128xi1>, vector<2048x128xf32>
    %get3A_25 = arith.constant 0 : index
    %get3A_26 = arith.constant 0 : index
    %get3A_27 = vector.load %arg9[%get3A_25, %get3A_26] : memref<256x128xf32, #tpu.memory_space<vmem>>, vector<256x128xf32>
    %dot_general3A = arith.constant dense<0.000000e+00> : vector<256x128xf32>
    %dot_general3A_28 = tpu.matmul %select_n3A, %select_n3A_24, %dot_general3A {dimension_numbers = #tpu.dot_dimension_numbers<[1], [0], [0], [1], [0, 0, 1, 1], [], []>, transpose_lhs_hint = false} : vector<256x2048xf32>, vector<2048x128xf32>, vector<256x128xf32> -> vector<256x128xf32>
    %add3A_29 = arith.addf %get3A_27, %dot_general3A_28 : vector<256x128xf32>
    %swap3A = arith.constant 0 : index
    %swap3A_30 = arith.constant 0 : index
    %swap3A_31 = vector.load %arg9[%swap3A, %swap3A_30] : memref<256x128xf32, #tpu.memory_space<vmem>>, vector<256x128xf32>
    tpu.vector_store %arg9[%swap3A, %swap3A_30], %add3A_29 {strides = array<i32>} : memref<256x128xf32, #tpu.memory_space<vmem>>, vector<256x128xf32>,
    %get3A_32 = arith.constant 0 : index
    %get3A_33 = arith.constant 0 : index
    %get3A_34 = vector.load %arg10[%get3A_32, %get3A_33] : memref<1x128xf32, #tpu.memory_space<vmem>>, vector<1x128xf32>
    %reduce_sum3A = arith.constant dense<0.000000e+00> : vector<128xf32>
    %reduce_sum3A_35 = vector.multi_reduction <add>, %select_n3A_24, %reduce_sum3A [0] : vector<2048x128xf32> to vector<128xf32>
    %broadcast_in_dim3A_36 = vector.shape_cast %reduce_sum3A_35 : vector<128xf32> to vector<1x128xf32>
    %add3A_37 = arith.addf %get3A_34, %broadcast_in_dim3A_36 : vector<1x128xf32>
    %swap3A_38 = arith.constant 0 : index
    %swap3A_39 = arith.constant 0 : index
    %swap3A_40 = vector.load %arg10[%swap3A_38, %swap3A_39] : memref<1x128xf32, #tpu.memory_space<vmem>>, vector<1x128xf32>
    tpu.vector_store %arg10[%swap3A_38, %swap3A_39], %add3A_37 {strides = array<i32>} : memref<1x128xf32, #tpu.memory_space<vmem>>, vector<1x128xf32>,
    %eq3A_41 = arith.constant 4 : i32
    %eq3A_42 = arith.cmpi eq, %arg0, %eq3A_41 : i32
    %convert_element_type3A_43 = arith.extui %eq3A_42 : i1 to i32
    %cond3A_44 = arith.constant 0 : i32
    %cond3A_45 = arith.cmpi ne, %convert_element_type3A_43, %cond3A_44 : i32
    scf.if %cond3A_45 {
      %get3A_46 = arith.constant 0 : index
      %get3A_47 = arith.constant 0 : index
      %get3A_48 = vector.load %arg9[%get3A_46, %get3A_47] : memref<256x128xf32, #tpu.memory_space<vmem>>, vector<256x128xf32>
      %get3A_49 = arith.constant 0 : index
      %get3A_50 = arith.constant 0 : index
      %get3A_51 = vector.load %arg10[%get3A_49, %get3A_50] : memref<1x128xf32, #tpu.memory_space<vmem>>, vector<1x128xf32>
      %max3A_52 = arith.constant 1.000000e+00 : f32
      %max3A_53 = vector.broadcast %max3A_52 : f32 to vector<1x128xf32>
      %max3A_54 = arith.maximumf %get3A_51, %max3A_53 : vector<1x128xf32>
      %div3A = vector.broadcast %max3A_54 : vector<1x128xf32> to vector<256x128xf32>
      %div3A_55 = arith.divf %get3A_48, %div3A : vector<256x128xf32>
      %get3A_56 = arith.constant 0 : index
      %get3A_57 = arith.constant 0 : index
      %get3A_58 = vector.load %arg1[%get3A_56, %get3A_57] : memref<256x256xf32, #tpu.memory_space<vmem>>, vector<256x256xf32>
      %dot_general3A_59 = arith.constant dense<0.000000e+00> : vector<256x128xf32>
      %dot_general3A_60 = tpu.matmul %get3A_58, %div3A_55, %dot_general3A_59 {dimension_numbers = #tpu.dot_dimension_numbers<[1], [0], [0], [1], [0, 0, 1, 1], [], []>, transpose_lhs_hint = false} : vector<256x256xf32>, vector<256x128xf32>, vector<256x128xf32> -> vector<256x128xf32>
      %get3A_61 = arith.constant 0 : index
      %get3A_62 = arith.constant 0 : index
      %get3A_63 = vector.load %arg2[%get3A_61, %get3A_62] : memref<256x1xf32, #tpu.memory_space<vmem>>, vector<256x1xf32>
      %add3A_64 = vector.broadcast %get3A_63 : vector<256x1xf32> to vector<256x128xf32>
      %add3A_65 = arith.addf %dot_general3A_60, %add3A_64 : vector<256x128xf32>
      %max3A_66 = arith.constant 0.000000e+00 : f32
      %max3A_67 = vector.broadcast %max3A_66 : f32 to vector<256x128xf32>
      %max3A_68 = arith.maximumf %add3A_65, %max3A_67 : vector<256x128xf32>
      %get3A_69 = arith.constant 0 : index
      %get3A_70 = arith.constant 0 : index
      %get3A_71 = vector.load %arg3[%get3A_69, %get3A_70] : memref<256x1xf32, #tpu.memory_space<vmem>>, vector<256x1xf32>
      %dot_general3A_72 = arith.constant dense<0.000000e+00> : vector<1x128xf32>
      %dot_general3A_73 = tpu.matmul %get3A_71, %max3A_68, %dot_general3A_72 {dimension_numbers = #tpu.dot_dimension_numbers<[0], [0], [1], [1], [0, 1, 1, 1], [], []>, transpose_lhs_hint = false} : vector<256x1xf32>, vector<256x128xf32>, vector<1x128xf32> -> vector<1x128xf32>
      %get3A_74 = arith.constant 0 : index
      %get3A_75 = arith.constant 0 : index
      %get3A_76 = vector.load %arg4[%get3A_74, %get3A_75] : memref<1x1xf32, #tpu.memory_space<vmem>>, vector<1x1xf32>
      %add3A_77 = vector.broadcast %get3A_76 : vector<1x1xf32> to vector<1x128xf32>
      %add3A_78 = arith.addf %dot_general3A_73, %add3A_77 : vector<1x128xf32>
      %neg3A = arith.constant 0.000000e+00 : f32
      %neg3A_79 = vector.broadcast %neg3A : f32 to vector<1x128xf32>
      %neg3A_80 = arith.subf %neg3A_79, %add3A_78 : vector<1x128xf32>
      %exp3A = math.exp %neg3A_80 : vector<1x128xf32>
      %add3A_81 = arith.constant 1.000000e+00 : f32
      %add3A_82 = vector.broadcast %add3A_81 : f32 to vector<1x128xf32>
      %add3A_83 = arith.addf %add3A_82, %exp3A : vector<1x128xf32>
      %div3A_84 = arith.constant 1.000000e+00 : f32
      %div3A_85 = vector.broadcast %div3A_84 : f32 to vector<1x128xf32>
      %div3A_86 = arith.divf %div3A_85, %add3A_83 : vector<1x128xf32>
      %broadcast_in_dim3A_87 = vector.shape_cast %div3A_86 : vector<1x128xf32> to vector<1x128xf32>
      %broadcast_in_dim3A_88 = vector.broadcast %broadcast_in_dim3A_87 : vector<1x128xf32> to vector<8x128xf32>
      %swap3A_89 = arith.constant 0 : index
      %swap3A_90 = arith.constant 0 : index
      %swap3A_91 = vector.load %arg8[%swap3A_89, %swap3A_90] : memref<8x128xf32, #tpu.memory_space<vmem>>, vector<8x128xf32>
      tpu.vector_store %arg8[%swap3A_89, %swap3A_90], %broadcast_in_dim3A_88 {strides = array<i32>} : memref<8x128xf32, #tpu.memory_space<vmem>>, vector<8x128xf32>,
    } else {
    }
    return
  }
  func.func @transform_0(%arg0: i32) -> (i32, i32) {
    %c0_i32 = arith.constant 0 : i32
    %c0_i32_0 = arith.constant 0 : i32
    %c0_i32_1 = arith.constant 0 : i32
    return %c0_i32, %c0_i32_0 : i32, i32
  }
  func.func @transform_1(%arg0: i32) -> (i32, i32) {
    %c0_i32 = arith.constant 0 : i32
    %c0_i32_0 = arith.constant 0 : i32
    %c0_i32_1 = arith.constant 0 : i32
    return %c0_i32, %c0_i32_0 : i32, i32
  }
  func.func @transform_2(%arg0: i32) -> (i32, i32) {
    %c0_i32 = arith.constant 0 : i32
    %c0_i32_0 = arith.constant 0 : i32
    %c0_i32_1 = arith.constant 0 : i32
    return %c0_i32, %c0_i32_0 : i32, i32
  }
  func.func @transform_3(%arg0: i32) -> (i32, i32) {
    %c0_i32 = arith.constant 0 : i32
    %c0_i32_0 = arith.constant 0 : i32
    %c0_i32_1 = arith.constant 0 : i32
    return %c0_i32, %c0_i32_0 : i32, i32
  }
  func.func @transform_4(%arg0: i32) -> (i32, i32) {
    %c0_i32 = arith.constant 0 : i32
    %c0_i32_0 = arith.constant 0 : i32
    return %c0_i32, %arg0 : i32, i32
  }
  func.func @transform_5(%arg0: i32) -> (i32, i32) {
    %c0_i32 = arith.constant 0 : i32
    %c0_i32_0 = arith.constant 0 : i32
    return %c0_i32, %arg0 : i32, i32
  }
  func.func @transform_6(%arg0: i32) -> (i32, i32, i32) {
    %c0_i32 = arith.constant 0 : i32
    %c0_i32_0 = arith.constant 0 : i32
    %c0_i32_1 = arith.constant 0 : i32
    return %arg0, %c0_i32, %c0_i32_0 : i32, i32, i32
  }
  func.func @transform_7(%arg0: i32) -> (i32, i32) {
    %c0_i32 = arith.constant 0 : i32
    %c0_i32_0 = arith.constant 0 : i32
    %c0_i32_1 = arith.constant 0 : i32
    return %c0_i32, %c0_i32_0 : i32, i32
  }
}

</mosaic_0001>

<sc_bundles>
// kernel: kernel.10.cloned.1.call-start
scs
__scs_entry_jumppad:
0x0: {  	(pc) =	sbr.rel $0x88, $3  }
0x1: {  	(tag) =	ssettag $0x0;
	lr =	simm.s32 $0x1  }
0x2: {  	[smem:$0x3F93] =	sst lr;
	_ =	strace $0xD0000000  }
0x3: {  	_ = 	snop  }
0x4: {  	_ = 	snop  }
0x5: {  	_ = 	snop  }
0x6: {  	_ = 	snop  }
0x7: {  	_ = 	snop  }
__scs_overlays_trampoline_lowered:
0x8: {  	[smem:$0x3FA2] =	sst s0  }
0x9: {  	[smem:$0x3FA3] =	sst s1  }
0xa: {  	[smem:$0x3FA4] =	sst s2  }
0xb: {  	[smem:$0x3FA5] =	sst s3  }
0xc: {  	[smem:$0x3FA6] =	sst s4  }
0xd: {  	[smem:$0x3FA7] =	sst s5  }
0xe: {  	[smem:$0x3FA8] =	sst s6  }
0xf: {  	[smem:$0x3FA9] =	sst s7  }
0x10: {  	[smem:$0x3FAA] =	sst s8  }
0x11: {  	[smem:$0x3FAB] =	sst s9;
	s0 =	simm.s32 @!p0 $0x0  }
0x12: {  	s1 =	sld [smem:$0x3F91];
	s0 =	simm.s32 @p0 $0x1  }
0x13: {  	[smem:$0x3FAC] =	sst s0;
	s0 =	simm.s32 @!p1 $0x0  }
0x14: {  	s2 =	sld [smem:$0x3F90];
	s0 =	simm.s32 @p1 $0x1  }
0x15: {  	[smem:$0x3FAD] =	sst s0;
	s0 =	simm.s32 @!p2 $0x0  }
0x16: {  	s3 =	sld [smem:$0x3FDB];
	s0 =	simm.s32 @p2 $0x1  }
0x17: {  	s4 =	simm.s32 $0x1BF5;
	[smem:$0x3FAF] =	sst s0  }
0x18: {  	s0 =	sld [smem:$0x3F92];
	_ =	swait.ge [sflag:s4], $0x0  }
0x19: {  	s7 =	sld [smem:$0x3F93]  }
0x1a: {  	s8 =	sadd.s32 $0xFFFFE003, lr  }
0x1b: {  	s9 =	sadd.s32 $0xFFFFFEF7, lr;
	s5 =	simm.s32 $0xFFFFFFFF;
	p2 =	slt.u32 s8, $0xFFFFF086  }
0x1c: {  	p1 =	slt.u32 s9, $0xF7A;
	s5 =	simm.s32 @!p2 $0x0  }
0x1d: {  	s5 =	simm.s32 @p1 $0x1;
	p0 =	seq.s32 s7, s2  }
0x1e: {  	s7 =	smul.u32 @!p0 $0xF7A, s2;
	p2 =	seq.s32 @!p0 s5, $0x0  }
0x1f: {  	s9 =	smul.u32 $0xF7A, s1;
	s8 =	simm.s32 @!p0 $0x1BF5;
	p2 =	por !p2, p0  }
0x20: {  	[sflag:s8] =	ssyncset.s32 @!p0 $0xFFFFF086;
	s6 =	sadd.s32 @!p0 s3, s7;
	s7 =	simm.s32 @!p0 $0x108  }
0x21: {  	s3 =	sadd.s32 s3, s9;
	s6 =	sadd.s32 @!p0 $0x88, s6;
	s7 =	simm.s32 @p2 $0x1082  }
0x22: {  	[simem:s7], [sflag:s8] =	dma.local @!p0 [hbm:s6], $0xF7A  }
0x23: {  	s9 =	sor.u32 $0xD0000000, s2;
	s6 =	simm.s32 $0x108;
	_ =	swait.ge @!p0 [sflag:s8], $0x0  }
0x24: {  	s3 =	sadd.s32 $0x88, s3;
	s6 =	simm.s32 @!p1 $0x1082;
	[sflag:s4] =	ssyncset.s32 $0xFFFFF086  }
0x25: {  	[simem:s6], [sflag:s4] =	dma.local [hbm:s3], $0xF7A  }
0x26: {  	[smem:$0x3F93] =	sst s1;
	(tag) =	ssettag s2;
	_ =	strace s9  }
0x27: {  	s1 =	sld [smem:$0x3FA3]  }
0x28: {  	s2 =	sld [smem:$0x3FA4]  }
0x29: {  	s4 =	sld [smem:$0x3FA6]  }
0x2a: {  	p0 =	seq.s32 s5, $0x0;
	s5 =	sld [smem:$0x3FA7]  }
0x2b: {  	s6 =	sld [smem:$0x3FA8]  }
0x2c: {  	s7 =	sld [smem:$0x3FA9]  }
0x2d: {  	s3 =	simm.s32 $0x108;
	s8 =	sld [smem:$0x3FAA]  }
0x2e: {  	s3 =	simm.s32 @!p0 $0x1082;
	s9 =	sld [smem:$0x3FAB]  }
0x2f: {  	lr =	sadd.s32 s0, s3;
	s0 =	sld [smem:$0x3FA2]  }
0x30: {  	s3 =	sld [smem:$0x3FA5]  }
0x31: {  	[smem:$0x3FAE] =	sst s10  }
0x32: {  	s10 =	sld [smem:$0x3FAC];
	_ =	sdelay $0x3  }
0x33: {  	p0 =	seq.s32 s10, $0x1;
	s10 =	sld [smem:$0x3FAE];
	_ =	sdelay $0x3  }
0x34: {  	[smem:$0x3FAE] =	sst s10  }
0x35: {  	s10 =	sld [smem:$0x3FAD];
	_ =	sdelay $0x3  }
0x36: {  	p1 =	seq.s32 s10, $0x1;
	s10 =	sld [smem:$0x3FAE];
	_ =	sdelay $0x3  }
0x37: {  	[smem:$0x3FAE] =	sst s10  }
0x38: {  	s10 =	sld [smem:$0x3FAF]  }
0x39: {  	_ = 	snop;
	(pc) =	sbr.ind lr, $3  }
0x3a: {  	_ = 	snop  }
0x3b: {  	_ = 	snop  }
0x3c: {  	p2 =	seq.s32 s10, $0x1;
	s10 =	sld [smem:$0x3FAE]  }
0x3d: {  	_ =	shalt  }
0x3e: {  	_ =	shalt  }
0x3f: {  	_ =	shalt  }
0x40: {  	_ =	shalt  }
0x41: {  	_ =	shalt  }
0x42: {  	_ =	shalt  }
0x43: {  	_ =	shalt  }
0x44: {  	_ =	shalt  }
0x45: {  	_ =	shalt  }
0x46: {  	_ =	shalt  }
0x47: {  	_ =	shalt  }
0x48: {  	_ =	shalt  }
0x49: {  	_ =	shalt  }
0x4a: {  	_ =	shalt  }
0x4b: {  	_ =	shalt  }
0x4c: {  	_ =	shalt  }
0x4d: {  	_ =	shalt  }
0x4e: {  	_ =	shalt  }
0x4f: {  	_ =	shalt  }
0x50: {  	_ =	shalt  }
0x51: {  	_ =	shalt  }
0x52: {  	_ =	shalt  }
0x53: {  	_ =	shalt  }
0x54: {  	_ =	shalt  }
0x55: {  	_ =	shalt  }
0x56: {  	_ =	shalt  }
0x57: {  	_ =	shalt  }
0x58: {  	_ =	shalt  }
0x59: {  	_ =	shalt  }
0x5a: {  	_ =	shalt  }
0x5b: {  	_ =	shalt  }
0x5c: {  	_ =	shalt  }
0x5d: {  	_ =	shalt  }
0x5e: {  	_ =	shalt  }
0x5f: {  	_ =	shalt  }
0x60: {  	_ =	shalt  }
0x61: {  	_ =	shalt  }
0x62: {  	_ =	shalt  }
0x63: {  	_ =	shalt  }
0x64: {  	_ =	shalt  }
0x65: {  	_ =	shalt  }
0x66: {  	_ =	shalt  }
0x67: {  	_ =	shalt  }
0x68: {  	_ =	shalt  }
0x69: {  	_ =	shalt  }
0x6a: {  	_ =	shalt  }
0x6b: {  	_ =	shalt  }
0x6c: {  	_ =	shalt  }
0x6d: {  	_ =	shalt  }
0x6e: {  	_ =	shalt  }
0x6f: {  	_ =	shalt  }
0x70: {  	_ =	shalt  }
0x71: {  	_ =	shalt  }
0x72: {  	_ =	shalt  }
0x73: {  	_ =	shalt  }
0x74: {  	_ =	shalt  }
0x75: {  	_ =	shalt  }
0x76: {  	_ =	shalt  }
0x77: {  	_ =	shalt  }
0x78: {  	_ =	shalt  }
0x79: {  	_ =	shalt  }
0x7a: {  	_ =	shalt  }
0x7b: {  	_ =	shalt  }
0x7c: {  	_ =	shalt  }
0x7d: {  	_ =	shalt  }
0x7e: {  	_ =	shalt  }
0x7f: {  	_ =	shalt  }
0x80: {  	_ =	shalt  }
0x81: {  	_ =	shalt  }
0x82: {  	_ =	shalt  }
0x83: {  	_ =	shalt  }
0x84: {  	_ =	shalt  }
0x85: {  	_ =	shalt  }
0x86: {  	_ =	shalt  }
0x87: {  	_ =	shalt  }
.Lfunc_end0:
.L_simem_size_0:
called_computation.1_lowered:
.L_overlay_start_0:
0x88: {  	s2 =	sld [smem:$0x3FD9]  }
0x89: {  	s3 =	sld [smem:$0x3FFE];
	_ =	sdelay $0x1  }
0x8a: {  	s1 =	srdreg.scid  }
0x8b: {  	s0 =	sand.u32 $0x1, s1  }
0x8c: {  	s16 =	sshll.u32 s0, $0xA;
	s2 =	sadd.s32 s3, s2  }
0x8d: {  	s2 =	sadd.s32 s2, s16  }
0x8e: {  	[smem:$0x3FBA] =	sst s2  }
0x8f: {  	_ = 	snop  }
0x90: {  	(tm) =	ssettm $0x1  }
0x91: {  	s17 =	sld [smem:$0x3FFB];
	_ =	sdelay $0x3  }
0x92: {  	_ =	strace s17  }
0x93: {  	s2 =	sld [smem:$0x3FFC];
	_ =	sdelay $0x3  }
0x94: {  	_ =	strace s2  }
0x95: {  	s2 =	sld [smem:$0x3FFD];
	_ =	sdelay $0x3  }
0x96: {  	_ =	strace s2  }
0x97: {  	_ =	strace $0x8FFFFFFF  }
0x98: {  	s18 =	sld [smem:$0x3FDB];
	_ =	sdelay $0x1  }
0x99: {  	s19 =	simm.s32 $_scs_section_size  }
0x9a: {  	s4 =	simm.s32 $_size__tile_overlayer_lowered;
	s5 =	simm.s32 $_tile_overlayer_lowered  }
0x9b: {  	s22 =	simm.s32 $0x1BFF;
	s21 =	sshll.u32 s5, $0x1;
	s2 =	sadd.s32 s19, s18  }
0x9c: {  	s6 =	simm.s32 $0x0;
	s20 =	sshll.u32 s4, $0x1;
	s4 =	sadd.s32 s21, s2  }
0x9d: {  	[timem:s6], [sflag:s22] =	dma.local [hbm:s4], s20  }
0x9e: {  	_ =	swait.ge [sflag:s22], s20  }
0x9f: {  	s3 =	ssub.s32 $0x0, s20;
	[sflag:s22] =	ssyncset.done $0x0  }
0xa0: {  	[sflag:s22] =	ssyncadd.s32 s3;
	_ =	sdelay $0x1  }
0xa1: {  	s23 =	simm.s32 $0x1B8B  }
0xa2: {  	_ =	swait.ge [sflag:s23], $0x1  }
0xa3: {  	[sflag:s23] =	ssyncset.done $0x0  }
0xa4: {  	s25 =	simm.s32 $0x1B8E;
	s24 =	sld [smem:$0x3FFE];
	[sflag:s23] =	ssyncadd.s32 $0xFFFFFFFF  }
0xa5: {  	s26 =	simm.s32 $execute0_lowered;
	[smem:$0x3FD2] =	sst s25  }
0xa6: {  	s4 =	sshll.u32 s26, $0x1;
	_ =	strace $0x80000049;
	[dreg:$0x1] =	wrdreg $0xFFFFFFFF  }
0xa7: {  	s28 =	simm.s32 $_size_execute0_lowered;
	s2 =	sadd.s32 s2, s4;
	[dreg:$0x0] =	wrdreg $0x0  }
0xa8: {  	s4 =	sshll.u32 s28, $0x1;
	[dreg:$0x2] =	wrdreg s2  }
0xa9: {  	[dreg:$0x3] =	wrdreg s4  }
0xaa: {  	[dreg:$0x4] =	wrdreg $0xC0  }
0xab: {  	_ =	task [dreg:s6], $0x5FFFF  }
0xac: {  	[dreg:$0x1] =	wrdreg $0xFFFFFFFF  }
0xad: {  	[dreg:$0x0] =	wrdreg $0x60  }
0xae: {  	[dreg:$0x2] =	wrdreg s24  }
0xaf: {  	[dreg:$0x3] =	wrdreg $0x9  }
0xb0: {  	_ =	task.clear_ibuf [dreg:s6], $0x4FFFF;
	_ =	strace $0x90000049  }
0xb1: {  	s29 =	simm.s32 $0x9;
	_ =	strace $0x8000004B  }
0xb2: {  	_ =	swait.ge [sflag:s29], $0x1  }
0xb3: {  	[sflag:s29] =	ssyncadd.s32 $0xFFFFFFFF  }
0xb4: {  	_ =	strace $0x9000004B  }
0xb5: {  	_ =	sfence  }
0xb6: {  	s30 =	sld [smem:$0x0];
	_ =	sdelay $0x2  }
0xb7: {  	s31 =	sshll.u32 s1, $0xD;
	s1 =	sshrl.u32 s1, $0x2  }
0xb8: {  	s3 =	sand.u32 $0x4000, s31;
	s1 =	sadd.s32 s1, s30  }
0xb9: {  	s0 =	sor.u32 s3, s0;
	s1 =	sshll.u32 s1, $0x11  }
0xba: {  	s0 =	sor.u32 s1, s0  }
0xbb: {  	s0 =	sadd.s32 $0x8F2B, s0  }
0xbc: {  	[sflag:s0] =	ssyncadd.remote.s32 $0x1  }
0xbd: {  	_ =	sfence.sel $0xFFFF  }
0xbe: {  	[dreg:$0x0] =	wrdreg $0xFFFFFFFF;
	(pc) =	sbr.abs _section_cstart, $3  }
0xbf: {  	[dreg:$0x1] =	wrdreg $0xFFFFFFFF  }
0xc0: {  	_ =	task.clear_ibuf [dreg:s6], $0x2FFFF;
	_ =	strace $0x9FFFFFFF  }
0xc1: {  	(tm) =	ssettm $0x7FFFFFFF  }
tec
execute0_lowered:
.L_overlay_start_1:
0x0: {  	(tag) =	ssettag $0x1  }
0x1: {  	s1 =	srdreg.scid  }
0x2: {  	s0 =	stileid.u32;
	s5 =	rddreg [dreg:$0x0];
	s2 =	simm.s32 $0x0  }
0x3: {  	s10 =	simm.s32 $0x1EC80;
	s11 =	simm.s32 $0x1;
	s12 =	simm.s32 $0xA000  }
0x4: {  	s13 =	simm.s32 $0x2;
	s3 =	sand.u32 $0x1, s1;
	s31 =	sshll.u32 s0, $0x1  }
0x5: {  	s14 =	simm.s32 $0x4;
	s1 =	rddreg [dreg:$0x1];
	s4 =	sor.u32 s3, s31  }
0x6: {  	s15 =	simm.s32 $0x0;
	[smem:$0x7FF] =	sst s2;
	s6 =	smul.u32 $0x1400, s4  }
.Ltmp0:
0x7: {  	s7 =	ssub.s32 $0x2, s3;
	_ =	strace $0x8000004A;
	(pc) =	sbr.rel .LBB2_1-.Ltmp0, $4  }
0x8: {  	s3 =	sadd.s32 $0x79C00, s5;
	s4 =	smul.u32 $0x2800, s4;
	s8 =	sshrl.u32 s7, $0x1  }
0x9: {  	s7 =	ssub.s32 s7, s8;
	s8 =	simm.s32 $0x3;
	s6 =	sadd.s32 s6, s5  }
0xa: {  	s9 =	sadd.s32 s4, s5;
	s5 =	sadd.s32 $0x79D90, s5;
	s7 =	smax.u32 s7, $0x1  }
0xb: {  	v0 =	vimm.f32 $0.0e+00;
	s4 =	sadd.s32 $0x1C00, s6;
	s6 =	sadd.s32 $0x29C00, s9;
	s9 =	simm.s32 $0x1E000  }
.LBB2_10:
0xc: {  	s15 =	sadd.s32 $0x1, s15  }
0xd: {  	p0 =	sne.s32 s15, s7  }
.Ltmp1:
0xe: {  	_ = 	snop;
	(pc) =	sbr.rel @!p0 .LBB2_11-.Ltmp1, $4  }
0xf: {  	[hbm4b:s6+s2] =	stream.linear.scatter [tilespmem:s12], [sflag:$0x4], $0x14000, $0x38;
	[tilespmem:$0x1F900] =	vst v63  }
0x10: {  	_ =	swait.ge [sflag:s14], $0x14000  }
0x11: {  	[sflag:s14] =	ssyncset.done $0x0  }
0x12: {  	[sflag:s14] =	ssyncadd.s32 $0xFFFEC000  }
.LBB2_1:
0x13: {  	[tilespmem:s2], [sflag:$0x3] =	stream.linear.gather [hbm4b:s4+s2], $0xA000, $0x38;
	[tilespmem:$0x1F900] =	vst v63  }
0x14: {  	s16 =	simm.s32 $0x1B870  }
0x15: {  	[tilespmem:s16+$0xFFFEE790] =	vst v0  }
0x16: {  	[tilespmem:s16+$0x0] =	vst v0  }
0x17: {  	[tilespmem:s16+$0xFFFFFFF0] =	vst v0  }
0x18: {  	[tilespmem:s16+$0xFFFFD800] =	vst v0  }
0x19: {  	[tilespmem:s16+$0xFFFFD7F0] =	vst v0  }
0x1a: {  	[tilespmem:s16+$0xFFFFB000] =	vst v0  }
0x1b: {  	[tilespmem:s16+$0xFFFFAFF0] =	vst v0  }
0x1c: {  	[tilespmem:s16+$0xFFFF8800] =	vst v0  }
0x1d: {  	[tilespmem:s16+$0xFFFF87F0] =	vst v0  }
0x1e: {  	[tilespmem:s16+$0xFFFF6000] =	vst v0  }
0x1f: {  	[tilespmem:s16+$0xFFFF5FF0] =	vst v0  }
0x20: {  	[tilespmem:s16+$0xFFFF3800] =	vst v0  }
0x21: {  	[tilespmem:s16+$0xFFFF37F0] =	vst v0  }
0x22: {  	[tilespmem:s16+$0xFFFF1000] =	vst v0  }
0x23: {  	[tilespmem:s16+$0xFFFF0FF0] =	vst v0  }
0x24: {  	[tilespmem:s16+$0xFFFEE800] =	vst v0  }
0x25: {  	[tilespmem:s16+$0xFFFEE7F0] =	vst v0  }
0x26: {  	[tilespmem:s16+$0xFFFFFFE0] =	vst v0  }
0x27: {  	[tilespmem:s16+$0xFFFFFFD0] =	vst v0  }
0x28: {  	[tilespmem:s16+$0xFFFFD7E0] =	vst v0  }
0x29: {  	[tilespmem:s16+$0xFFFFD7D0] =	vst v0  }
0x2a: {  	[tilespmem:s16+$0xFFFFAFE0] =	vst v0  }
0x2b: {  	[tilespmem:s16+$0xFFFFAFD0] =	vst v0  }
0x2c: {  	[tilespmem:s16+$0xFFFF87E0] =	vst v0  }
0x2d: {  	[tilespmem:s16+$0xFFFF87D0] =	vst v0  }
0x2e: {  	[tilespmem:s16+$0xFFFF5FE0] =	vst v0  }
0x2f: {  	[tilespmem:s16+$0xFFFF5FD0] =	vst v0  }
0x30: {  	[tilespmem:s16+$0xFFFF37E0] =	vst v0  }
0x31: {  	[tilespmem:s16+$0xFFFF37D0] =	vst v0  }
0x32: {  	[tilespmem:s16+$0xFFFF0FE0] =	vst v0  }
0x33: {  	[tilespmem:s16+$0xFFFF0FD0] =	vst v0  }
0x34: {  	[tilespmem:s16+$0xFFFEE7E0] =	vst v0  }
0x35: {  	[tilespmem:s16+$0xFFFEE7D0] =	vst v0  }
0x36: {  	[tilespmem:s16+$0xFFFFFFC0] =	vst v0  }
0x37: {  	[tilespmem:s16+$0xFFFFFFB0] =	vst v0  }
0x38: {  	[tilespmem:s16+$0xFFFFD7C0] =	vst v0  }
0x39: {  	[tilespmem:s16+$0xFFFFD7B0] =	vst v0  }
0x3a: {  	[tilespmem:s16+$0xFFFFAFC0] =	vst v0  }
0x3b: {  	[tilespmem:s16+$0xFFFFAFB0] =	vst v0  }
0x3c: {  	[tilespmem:s16+$0xFFFF87C0] =	vst v0  }
0x3d: {  	[tilespmem:s16+$0xFFFF87B0] =	vst v0  }
0x3e: {  	[tilespmem:s16+$0xFFFF5FC0] =	vst v0  }
0x3f: {  	[tilespmem:s16+$0xFFFF5FB0] =	vst v0  }
0x40: {  	[tilespmem:s16+$0xFFFF37C0] =	vst v0  }
0x41: {  	[tilespmem:s16+$0xFFFF37B0] =	vst v0  }
0x42: {  	[tilespmem:s16+$0xFFFF0FC0] =	vst v0  }
0x43: {  	[tilespmem:s16+$0xFFFF0FB0] =	vst v0  }
0x44: {  	[tilespmem:s16+$0xFFFEE7C0] =	vst v0  }
0x45: {  	[tilespmem:s16+$0xFFFEE7B0] =	vst v0  }
0x46: {  	[tilespmem:s16+$0xFFFFFFA0] =	vst v0  }
0x47: {  	[tilespmem:s16+$0xFFFFFF90] =	vst v0  }
0x48: {  	[tilespmem:s16+$0xFFFFD7A0] =	vst v0  }
0x49: {  	[tilespmem:s16+$0xFFFFD790] =	vst v0  }
0x4a: {  	[tilespmem:s16+$0xFFFFAFA0] =	vst v0  }
0x4b: {  	[tilespmem:s16+$0xFFFFAF90] =	vst v0  }
0x4c: {  	[tilespmem:s16+$0xFFFF87A0] =	vst v0  }
0x4d: {  	[tilespmem:s16+$0xFFFF8790] =	vst v0  }
0x4e: {  	[tilespmem:s16+$0xFFFF5FA0] =	vst v0  }
0x4f: {  	[tilespmem:s16+$0xFFFF5F90] =	vst v0  }
0x50: {  	[tilespmem:s16+$0xFFFF37A0] =	vst v0  }
0x51: {  	[tilespmem:s16+$0xFFFF3790] =	vst v0  }
0x52: {  	[tilespmem:s16+$0xFFFF0FA0] =	vst v0  }
0x53: {  	s17 =	simm.s32 $0x0;
	[tilespmem:s16+$0xFFFF0F90] =	vst v0  }
.LBB2_2:
0x54: {  	s17 =	sadd.s32 $0x80, s17;
	[tilespmem:s16+$0xFFFEE7A0] =	vst v0;
	s16 =	sadd.s32 $0x80, s16  }
0x55: {  	[tilespmem:s16+$0xFFFEE790] =	vst v0;
	p0 =	slt.u32 s17, $0x2780  }
0x56: {  	[tilespmem:s16+$0x0] =	vst v0  }
0x57: {  	[tilespmem:s16+$0xFFFFFFF0] =	vst v0  }
0x58: {  	[tilespmem:s16+$0xFFFFD800] =	vst v0  }
0x59: {  	[tilespmem:s16+$0xFFFFD7F0] =	vst v0  }
0x5a: {  	[tilespmem:s16+$0xFFFFB000] =	vst v0  }
0x5b: {  	[tilespmem:s16+$0xFFFFAFF0] =	vst v0  }
0x5c: {  	[tilespmem:s16+$0xFFFF8800] =	vst v0  }
0x5d: {  	[tilespmem:s16+$0xFFFF87F0] =	vst v0  }
0x5e: {  	[tilespmem:s16+$0xFFFF6000] =	vst v0  }
0x5f: {  	[tilespmem:s16+$0xFFFF5FF0] =	vst v0  }
0x60: {  	[tilespmem:s16+$0xFFFF3800] =	vst v0  }
0x61: {  	[tilespmem:s16+$0xFFFF37F0] =	vst v0  }
0x62: {  	[tilespmem:s16+$0xFFFF1000] =	vst v0  }
0x63: {  	[tilespmem:s16+$0xFFFF0FF0] =	vst v0  }
0x64: {  	[tilespmem:s16+$0xFFFEE800] =	vst v0  }
0x65: {  	[tilespmem:s16+$0xFFFEE7F0] =	vst v0  }
0x66: {  	[tilespmem:s16+$0xFFFFFFE0] =	vst v0  }
0x67: {  	[tilespmem:s16+$0xFFFFFFD0] =	vst v0  }
0x68: {  	[tilespmem:s16+$0xFFFFD7E0] =	vst v0  }
0x69: {  	[tilespmem:s16+$0xFFFFD7D0] =	vst v0  }
0x6a: {  	[tilespmem:s16+$0xFFFFAFE0] =	vst v0  }
0x6b: {  	[tilespmem:s16+$0xFFFFAFD0] =	vst v0  }
0x6c: {  	[tilespmem:s16+$0xFFFF87E0] =	vst v0  }
0x6d: {  	[tilespmem:s16+$0xFFFF87D0] =	vst v0  }
0x6e: {  	[tilespmem:s16+$0xFFFF5FE0] =	vst v0  }
0x6f: {  	[tilespmem:s16+$0xFFFF5FD0] =	vst v0  }
0x70: {  	[tilespmem:s16+$0xFFFF37E0] =	vst v0  }
0x71: {  	[tilespmem:s16+$0xFFFF37D0] =	vst v0  }
0x72: {  	[tilespmem:s16+$0xFFFF0FE0] =	vst v0  }
0x73: {  	[tilespmem:s16+$0xFFFF0FD0] =	vst v0  }
0x74: {  	[tilespmem:s16+$0xFFFEE7E0] =	vst v0  }
0x75: {  	[tilespmem:s16+$0xFFFEE7D0] =	vst v0  }
0x76: {  	[tilespmem:s16+$0xFFFFFFC0] =	vst v0  }
0x77: {  	[tilespmem:s16+$0xFFFFFFB0] =	vst v0  }
0x78: {  	[tilespmem:s16+$0xFFFFD7C0] =	vst v0  }
0x79: {  	[tilespmem:s16+$0xFFFFD7B0] =	vst v0  }
0x7a: {  	[tilespmem:s16+$0xFFFFAFC0] =	vst v0  }
0x7b: {  	[tilespmem:s16+$0xFFFFAFB0] =	vst v0  }
0x7c: {  	[tilespmem:s16+$0xFFFF87C0] =	vst v0  }
0x7d: {  	[tilespmem:s16+$0xFFFF87B0] =	vst v0  }
0x7e: {  	[tilespmem:s16+$0xFFFF5FC0] =	vst v0  }
0x7f: {  	[tilespmem:s16+$0xFFFF5FB0] =	vst v0  }
0x80: {  	[tilespmem:s16+$0xFFFF37C0] =	vst v0  }
0x81: {  	[tilespmem:s16+$0xFFFF37B0] =	vst v0  }
0x82: {  	[tilespmem:s16+$0xFFFF0FC0] =	vst v0  }
0x83: {  	[tilespmem:s16+$0xFFFF0FB0] =	vst v0  }
0x84: {  	[tilespmem:s16+$0xFFFEE7C0] =	vst v0  }
0x85: {  	[tilespmem:s16+$0xFFFEE7B0] =	vst v0  }
0x86: {  	[tilespmem:s16+$0xFFFFFFA0] =	vst v0  }
0x87: {  	[tilespmem:s16+$0xFFFFFF90] =	vst v0  }
0x88: {  	[tilespmem:s16+$0xFFFFD7A0] =	vst v0  }
0x89: {  	[tilespmem:s16+$0xFFFFD790] =	vst v0  }
0x8a: {  	[tilespmem:s16+$0xFFFFAFA0] =	vst v0  }
0x8b: {  	[tilespmem:s16+$0xFFFFAF90] =	vst v0  }
0x8c: {  	[tilespmem:s16+$0xFFFF87A0] =	vst v0  }
0x8d: {  	[tilespmem:s16+$0xFFFF8790] =	vst v0  }
0x8e: {  	[tilespmem:s16+$0xFFFF5FA0] =	vst v0  }
.Ltmp2:
0x8f: {  	[tilespmem:s16+$0xFFFF5F90] =	vst v0;
	(pc) =	sbr.rel @p0 .LBB2_2-.Ltmp2, $4  }
0x90: {  	[tilespmem:s16+$0xFFFF37A0] =	vst v0  }
0x91: {  	[tilespmem:s16+$0xFFFF3790] =	vst v0  }
0x92: {  	[tilespmem:s16+$0xFFFF0FA0] =	vst v0  }
0x93: {  	[tilespmem:s16+$0xFFFF0F90] =	vst v0  }
0x94: {  	[tilespmem:s16+$0xFFFEE7A0] =	vst v0  }
0x95: {  	_ =	swait.ge [sflag:s8], $0xA000  }
0x96: {  	[sflag:s8] =	ssyncset.done $0x0  }
0x97: {  	s16 =	simm.s32 $0x0;
	[sflag:s8] =	ssyncadd.s32 $0xFFFF6000  }
0x98: {  	[tilespmem:s9], [sflag:$0x1] =	stream.linear.gather [hbm4b:s3+s16], $0xC80, $0x38;
	[tilespmem:$0x1F900] =	vst v63  }
0x99: {  	_ = 	snop  }
0x9a: {  	[tilespmem:s10], [sflag:$0x2] =	stream.linear.gather [hbm4b:s5+s16], $0xC80, $0x38;
	[tilespmem:$0x1F900] =	vst v63  }
.LBB2_4:
0x9b: {  	_ =	swait.ge [sflag:s11], $0xC80  }
0x9c: {  	[sflag:s11] =	ssyncset.done $0x0  }
0x9d: {  	s17 =	simm.s32 $0x1E670;
	[sflag:s11] =	ssyncadd.s32 $0xFFFFF380  }
0x9e: {  	v1 =	vld [tilespmem:s17+$0xFFFFF9C0];
	_ =	sdelay $0x3  }
0x9f: {  	v4 =	vld [tilespmem:s17+$0xFFFFF990]  }
0xa0: {  	v5 =	vand.u32 $0x3FFF, v1  }
0xa1: {  	v6 =	vld [tilespmem:s17+$0xFFFFF9A0];
	_ =	sdelay $0x2  }
0xa2: {  	v7 =	vld [tilespmem:s17+$0xFFFFF9B0];
	v8 =	vand.u32 $0x3FFF, v4  }
0xa3: {  	v9 =	vld.idx.msk [tilespmem:v5+s2+$0x0], $0xffff  }
0xa4: {  	v18 =	vld [tilespmem:s17+$0x0];
	v10 =	vand.u32 $0x3FFF, v6  }
0xa5: {  	v1 =	vshrl.u32 v1, $0xE  }
0xa6: {  	v3 =	vld [tilespmem:s17+$0xFFFFFFD0];
	v19 =	vand.u32 $0x3FFF, v1  }
0xa7: {  	v12 =	vadd.s32 $0x2800, v19;
	v11 =	vld.idx.msk [tilespmem:v8+s2+$0x0], $0xffff  }
0xa8: {  	v2 =	vld [tilespmem:s17+$0xFFFFFFE0];
	v20 =	vand.u32 $0x3FFF, v7;
	v13 =	vadd.s32 $0x2800, v5;
	v1 =	vunpack.i.l.bf16.f32 v9  }
0xa9: {  	v4 =	vshrl.u32 v4, $0xE;
	v14 =	vld.idx.msk [tilespmem:v10+s2+$0x0], $0xffff;
	v9 =	vunpack.i.u.bf16.f32 v9;
	v15 =	vmul.f32 v1, v18  }
0xaa: {  	v4 =	vand.u32 $0x3FFF, v4;
	v1 =	vld [tilespmem:s17+$0xFFFFFFF0];
	v9 =	vmul.f32 v9, v18  }
0xab: {  	v6 =	vshrl.u32 v6, $0xE;
	v16 =	vadd.s32 $0x2800, v4;
	[tilespmem:v19+s12+$0x0] =	vst.idx.add.f32.msk $0xffff, v15  }
0xac: {  	v21 =	vand.u32 $0x3FFF, v6;
	v6 =	vunpack.i.l.bf16.f32 v11;
	[tilespmem:v12+s12+$0x0] =	vst.idx.add.f32.msk $0xffff, v9  }
0xad: {  	v11 =	vunpack.i.u.bf16.f32 v11;
	v6 =	vmul.f32 v6, v3;
	v9 =	vadd.s32 $0x2800, v21;
	v12 =	vld.idx.msk [tilespmem:v13+s2+$0x0], $0xffff  }
0xae: {  	v17 =	vunpack.i.l.bf16.f32 v14;
	v11 =	vmul.f32 v11, v3;
	v15 =	vld.idx.msk [tilespmem:v20+s2+$0x0], $0xffff;
	v13 =	vadd.s32 $0x2800, v8  }
0xaf: {  	v22 =	vadd.s32 $0x2800, v10;
	v14 =	vunpack.i.u.bf16.f32 v14;
	v17 =	vmul.f32 v17, v2;
	[tilespmem:v4+s12+$0x0] =	vst.idx.add.f32.msk $0xffff, v6  }
0xb0: {  	v6 =	vmul.f32 v14, v2;
	[tilespmem:v16+s12+$0x0] =	vst.idx.add.f32.msk $0xffff, v11;
	v11 =	vadd.s32 $0x5000, v19  }
0xb1: {  	[tilespmem:v21+s12+$0x0] =	vst.idx.add.f32.msk $0xffff, v17;
	v14 =	vadd.s32 $0x7800, v19  }
0xb2: {  	v7 =	vshrl.u32 v7, $0xE;
	[tilespmem:v9+s12+$0x0] =	vst.idx.add.f32.msk $0xffff, v6;
	v9 =	vadd.s32 $0x5000, v5;
	v6 =	vunpack.i.l.bf16.f32 v12  }
0xb3: {  	v7 =	vand.u32 $0x3FFF, v7;
	v13 =	vld.idx.msk [tilespmem:v13+s2+$0x0], $0xffff;
	v12 =	vunpack.i.u.bf16.f32 v12;
	v6 =	vmul.f32 v6, v18  }
0xb4: {  	v16 =	vadd.s32 $0x2800, v7;
	v17 =	vld.idx.msk [tilespmem:v22+s2+$0x0], $0xffff;
	v12 =	vmul.f32 v12, v18  }
0xb5: {  	v23 =	vunpack.i.l.bf16.f32 v15;
	v22 =	vadd.s32 $0x2800, v20;
	[tilespmem:v11+s12+$0x0] =	vst.idx.add.f32.msk $0xffff, v6  }
0xb6: {  	v6 =	vadd.s32 $0x5000, v4;
	v11 =	vunpack.i.u.bf16.f32 v15;
	v15 =	vmul.f32 v23, v1;
	[tilespmem:v14+s12+$0x0] =	vst.idx.add.f32.msk $0xffff, v12  }
0xb7: {  	v12 =	vadd.s32 $0x7800, v4;
	v11 =	vmul.f32 v11, v1;
	v9 =	vld.idx.msk [tilespmem:v9+s2+$0x0], $0xffff  }
0xb8: {  	v14 =	vadd.s32 $0x5000, v21;
	[tilespmem:v7+s12+$0x0] =	vst.idx.add.f32.msk $0xffff, v15;
	v15 =	vunpack.i.l.bf16.f32 v13  }
0xb9: {  	v23 =	vadd.s32 $0x7800, v21;
	[tilespmem:v16+s12+$0x0] =	vst.idx.add.f32.msk $0xffff, v11;
	v11 =	vunpack.i.u.bf16.f32 v13;
	v13 =	vmul.f32 v15, v3  }
0xba: {  	v16 =	vunpack.i.l.bf16.f32 v17;
	v15 =	vld.idx.msk [tilespmem:v22+s2+$0x0], $0xffff;
	v11 =	vmul.f32 v11, v3;
	v22 =	vadd.s32 $0xA000, v19  }
0xbb: {  	v17 =	vunpack.i.u.bf16.f32 v17;
	v16 =	vmul.f32 v16, v2;
	[tilespmem:v6+s12+$0x0] =	vst.idx.add.f32.msk $0xffff, v13;
	v6 =	vadd.s32 $0xC800, v19  }
0xbc: {  	v5 =	vadd.s32 $0x7800, v5;
	v13 =	vmul.f32 v17, v2;
	[tilespmem:v12+s12+$0x0] =	vst.idx.add.f32.msk $0xffff, v11;
	v11 =	vunpack.i.l.bf16.f32 v9  }
0xbd: {  	v12 =	vadd.s32 $0x5000, v7;
	[tilespmem:v14+s12+$0x0] =	vst.idx.add.f32.msk $0xffff, v16;
	v9 =	vunpack.i.u.bf16.f32 v9;
	v11 =	vmul.f32 v11, v18  }
0xbe: {  	[tilespmem:v23+s12+$0x0] =	vst.idx.add.f32.msk $0xffff, v13;
	v23 =	vadd.s32 $0x5000, v8;
	v9 =	vmul.f32 v9, v18  }
0xbf: {  	v14 =	vadd.s32 $0x7800, v7;
	v13 =	vunpack.i.l.bf16.f32 v15;
	[tilespmem:v22+s12+$0x0] =	vst.idx.add.f32.msk $0xffff, v11  }
0xc0: {  	v22 =	vadd.s32 $0x5000, v10;
	v13 =	vmul.f32 v13, v1;
	[tilespmem:v6+s12+$0x0] =	vst.idx.add.f32.msk $0xffff, v9  }
0xc1: {  	v11 =	vunpack.i.u.bf16.f32 v15;
	v6 =	vadd.s32 $0x5000, v20;
	v24 =	vld.idx.msk [tilespmem:v5+s2+$0x0], $0xffff  }
0xc2: {  	v25 =	vadd.s32 $0xA000, v4;
	v9 =	vmul.f32 v11, v1;
	[tilespmem:v12+s12+$0x0] =	vst.idx.add.f32.msk $0xffff, v13  }
0xc3: {  	v17 =	vadd.s32 $0xC800, v21;
	v16 =	vadd.s32 $0xC800, v4;
	v15 =	vadd.s32 $0xA000, v21;
	v23 =	vld.idx.msk [tilespmem:v23+s2+$0x0], $0xffff  }
0xc4: {  	v11 =	vadd.s32 $0x7800, v10;
	v10 =	vadd.s32 $0x7800, v20;
	v12 =	vadd.s32 $0xC800, v7;
	[tilespmem:v14+s12+$0x0] =	vst.idx.add.f32.msk $0xffff, v9  }
0xc5: {  	v13 =	vadd.s32 $0x7800, v8;
	v8 =	vadd.s32 $0xF000, v4;
	v20 =	vld.idx.msk [tilespmem:v22+s2+$0x0], $0xffff;
	v22 =	vadd.s32 $0xF000, v19  }
0xc6: {  	v5 =	vadd.s32 $0xF000, v7;
	v9 =	vadd.s32 $0x11800, v4;
	v19 =	vadd.s32 $0x11800, v19;
	v26 =	vld.idx.msk [tilespmem:v6+s2+$0x0], $0xffff  }
0xc7: {  	v4 =	vadd.s32 $0x11800, v21;
	v6 =	vadd.s32 $0xF000, v21;
	v21 =	vunpack.i.l.bf16.f32 v24  }
0xc8: {  	v14 =	vadd.s32 $0xA000, v7;
	v24 =	vunpack.i.u.bf16.f32 v24;
	v21 =	vmul.f32 v21, v18  }
0xc9: {  	v7 =	vadd.s32 $0x11800, v7;
	v62 =	vunpack.i.l.bf16.f32 v23;
	v18 =	vmul.f32 v24, v18  }
0xca: {  	v23 =	vunpack.i.u.bf16.f32 v23;
	[tilespmem:v22+s12+$0x0] =	vst.idx.add.f32.msk $0xffff, v21;
	v22 =	vmul.f32 v62, v3;
	v63 =	vunpack.i.u.bf16.f32 v20  }
0xcb: {  	v27 =	vunpack.i.l.bf16.f32 v20;
	v20 =	vmul.f32 v23, v3;
	[tilespmem:v19+s12+$0x0] =	vst.idx.add.f32.msk $0xffff, v18;
	v19 =	vunpack.i.u.bf16.f32 v26  }
0xcc: {  	s18 =	simm.s32 $0x1E6B0;
	s17 =	simm.s32 $0x0;
	v21 =	vunpack.i.l.bf16.f32 v26;
	v18 =	vmul.f32 v63, v2;
	[tilespmem:v25+s12+$0x0] =	vst.idx.add.f32.msk $0xffff, v22;
	v22 =	vmul.f32 v27, v2  }
.LBB2_5:
0xcd: {  	v24 =	vld [tilespmem:s18+$0xFFFFF9C0];
	v29 =	vmul.f32 v21, v1;
	v30 =	vmul.f32 v19, v1  }
0xce: {  	v19 =	vld [tilespmem:s18+$0xFFFFF9A0]  }
0xcf: {  	v23 =	vld [tilespmem:s18+$0xFFFFF9B0]  }
0xd0: {  	v25 =	vld [tilespmem:s18+$0xFFFFF990]  }
0xd1: {  	s17 =	sadd.s32 $0x40, s17;
	v31 =	vld [tilespmem:s18+$0xFFFFFFD0]  }
0xd2: {  	p0 =	slt.u32 s17, $0x600;
	v32 =	vld [tilespmem:s18+$0xFFFFFFE0];
	v21 =	vand.u32 $0x3FFF, v24  }
0xd3: {  	v26 =	vshrl.u32 v19, $0xE;
	v33 =	vand.u32 $0x3FFF, v19;
	v19 =	vld [tilespmem:s18+$0xFFFFFFF0]  }
0xd4: {  	v34 =	vand.u32 $0x3FFF, v26;
	v26 =	vshrl.u32 v23, $0xE;
	v35 =	vand.u32 $0x3FFF, v23;
	[tilespmem:v16+s12+$0x0] =	vst.idx.add.f32.msk $0xffff, v20  }
0xd5: {  	v16 =	vshrl.u32 v25, $0xE;
	v36 =	vand.u32 $0x3FFF, v25;
	v37 =	vand.u32 $0x3FFF, v26;
	[tilespmem:v15+s12+$0x0] =	vst.idx.add.f32.msk $0xffff, v22  }
0xd6: {  	v39 =	vadd.s32 $0x2800, v34;
	v38 =	vand.u32 $0x3FFF, v16;
	v40 =	vadd.s32 $0x2800, v37;
	[tilespmem:v17+s12+$0x0] =	vst.idx.add.f32.msk $0xffff, v18  }
0xd7: {  	v43 =	vadd.s32 $0x2800, v33;
	v42 =	vadd.s32 $0x2800, v36;
	v41 =	vadd.s32 $0x2800, v38;
	v17 =	vld.idx.msk [tilespmem:v21+s2+$0x0], $0xffff  }
0xd8: {  	v47 =	vadd.s32 $0x2800, v35;
	v44 =	vadd.s32 $0x5000, v38;
	v45 =	vadd.s32 $0x7800, v38;
	v46 =	vld.idx.msk [tilespmem:v33+s2+$0x0], $0xffff  }
0xd9: {  	v48 =	vadd.s32 $0x5000, v34;
	v28 =	vadd.s32 $0x7800, v34;
	v23 =	vadd.s32 $0x5000, v37;
	v20 =	vld [tilespmem:s18+$0x0]  }
0xda: {  	v15 =	vshrl.u32 v24, $0xE;
	v22 =	vadd.s32 $0x5000, v36;
	v27 =	vadd.s32 $0x7800, v37;
	v49 =	vld.idx.msk [tilespmem:v36+s2+$0x0], $0xffff  }
0xdb: {  	v26 =	vadd.s32 $0x5000, v33;
	v24 =	vadd.s32 $0x5000, v35;
	v25 =	vand.u32 $0x3FFF, v15;
	v50 =	vld.idx.msk [tilespmem:v35+s2+$0x0], $0xffff  }
0xdc: {  	v18 =	vadd.s32 $0xA000, v38;
	v16 =	vadd.s32 $0xC800, v38;
	v51 =	vadd.s32 $0x2800, v25;
	[tilespmem:v14+s12+$0x0] =	vst.idx.add.f32.msk $0xffff, v29  }
0xdd: {  	v15 =	vadd.s32 $0xA000, v34;
	v14 =	vunpack.i.l.bf16.f32 v17;
	v29 =	vadd.s32 $0x2800, v21;
	[tilespmem:v12+s12+$0x0] =	vst.idx.add.f32.msk $0xffff, v30  }
0xde: {  	v17 =	vunpack.i.u.bf16.f32 v17;
	v12 =	vunpack.i.u.bf16.f32 v46;
	v14 =	vmul.f32 v14, v20;
	v30 =	vld.idx.msk [tilespmem:v13+s2+$0x0], $0xffff  }
0xdf: {  	v13 =	vunpack.i.l.bf16.f32 v46;
	v46 =	vmul.f32 v12, v32;
	v12 =	vmul.f32 v17, v20;
	v52 =	vld.idx.msk [tilespmem:v11+s2+$0x0], $0xffff  }
0xe0: {  	v11 =	vunpack.i.u.bf16.f32 v49;
	v17 =	vunpack.i.l.bf16.f32 v49;
	v49 =	vmul.f32 v13, v32;
	[tilespmem:v25+s12+$0x0] =	vst.idx.add.f32.msk $0xffff, v14  }
0xe1: {  	v13 =	vmul.f32 v17, v31;
	v14 =	vunpack.i.u.bf16.f32 v50;
	v50 =	vunpack.i.l.bf16.f32 v50;
	[tilespmem:v51+s12+$0x0] =	vst.idx.add.f32.msk $0xffff, v12  }
0xe2: {  	v11 =	vmul.f32 v11, v31;
	v17 =	vadd.s32 $0xC800, v34;
	v50 =	vmul.f32 v50, v19;
	v29 =	vld.idx.msk [tilespmem:v29+s2+$0x0], $0xffff  }
0xe3: {  	v51 =	vmul.f32 v14, v19;
	v14 =	vadd.s32 $0xA000, v37;
	v12 =	vadd.s32 $0xC800, v37;
	[tilespmem:v38+s12+$0x0] =	vst.idx.add.f32.msk $0xffff, v13  }
0xe4: {  	v13 =	vadd.s32 $0x7800, v36;
	[tilespmem:v41+s12+$0x0] =	vst.idx.add.f32.msk $0xffff, v11;
	v11 =	vadd.s32 $0x7800, v33;
	v33 =	vadd.s32 $0x7800, v35  }
0xe5: {  	v35 =	vunpack.i.u.bf16.f32 v30;
	v30 =	vunpack.i.l.bf16.f32 v30;
	v36 =	vunpack.i.u.bf16.f32 v52;
	[tilespmem:v34+s12+$0x0] =	vst.idx.add.f32.msk $0xffff, v49  }
0xe6: {  	v41 =	vunpack.i.l.bf16.f32 v52;
	v30 =	vmul.f32 v30, v3;
	[tilespmem:v39+s12+$0x0] =	vst.idx.add.f32.msk $0xffff, v46;
	v39 =	vadd.s32 $0x5000, v25  }
0xe7: {  	v35 =	vmul.f32 v35, v3;
	v41 =	vmul.f32 v41, v2;
	v46 =	vadd.s32 $0x7800, v25;
	[tilespmem:v37+s12+$0x0] =	vst.idx.add.f32.msk $0xffff, v50  }
0xe8: {  	v49 =	vadd.s32 $0x5000, v21;
	v36 =	vmul.f32 v36, v2;
	v3 =	vmovc v31;
	[tilespmem:v40+s12+$0x0] =	vst.idx.add.f32.msk $0xffff, v51;
	v40 =	vunpack.i.l.bf16.f32 v29  }
0xe9: {  	v2 =	vmovc v32;
	v29 =	vunpack.i.u.bf16.f32 v29;
	v31 =	vld.idx.msk [tilespmem:v42+s2+$0x0], $0xffff;
	v42 =	vadd.s32 $0xF000, v38;
	v40 =	vmul.f32 v40, v20  }
0xea: {  	v32 =	vadd.s32 $0x11800, v38;
	v29 =	vmul.f32 v29, v20;
	v38 =	vld.idx.msk [tilespmem:v43+s2+$0x0], $0xffff;
	v43 =	vadd.s32 $0xF000, v34  }
0xeb: {  	v50 =	vadd.s32 $0xF000, v37;
	v37 =	vadd.s32 $0x11800, v37;
	v34 =	vadd.s32 $0x11800, v34;
	[tilespmem:v39+s12+$0x0] =	vst.idx.add.f32.msk $0xffff, v40  }
0xec: {  	[tilespmem:v46+s12+$0x0] =	vst.idx.add.f32.msk $0xffff, v29  }
0xed: {  	v29 =	vld.idx.msk [tilespmem:v49+s2+$0x0], $0xffff  }
0xee: {  	v39 =	vld.idx.msk [tilespmem:v47+s2+$0x0], $0xffff  }
0xef: {  	v40 =	vunpack.i.u.bf16.f32 v31;
	v31 =	vunpack.i.l.bf16.f32 v31;
	v46 =	vld.idx.msk [tilespmem:v10+s2+$0x0], $0xffff;
	v10 =	vmov v33  }
0xf0: {  	v31 =	vmul.f32 v31, v3;
	v33 =	vunpack.i.u.bf16.f32 v38;
	v38 =	vunpack.i.l.bf16.f32 v38;
	[tilespmem:v8+s12+$0x0] =	vst.idx.add.f32.msk $0xffff, v30;
	v8 =	vmovc v42  }
0xf1: {  	v30 =	vmul.f32 v40, v3;
	v38 =	vmul.f32 v38, v2;
	v40 =	vadd.s32 $0xA000, v25;
	[tilespmem:v9+s12+$0x0] =	vst.idx.add.f32.msk $0xffff, v35  }
0xf2: {  	v9 =	vmov v32;
	[tilespmem:v44+s12+$0x0] =	vst.idx.add.f32.msk $0xffff, v31;
	v31 =	vmul.f32 v33, v2;
	v33 =	vadd.s32 $0xC800, v25  }
0xf3: {  	v21 =	vadd.s32 $0x7800, v21;
	[tilespmem:v45+s12+$0x0] =	vst.idx.add.f32.msk $0xffff, v30;
	v30 =	vunpack.i.l.bf16.f32 v29  }
0xf4: {  	v32 =	vunpack.i.u.bf16.f32 v39;
	v29 =	vunpack.i.u.bf16.f32 v29;
	[tilespmem:v48+s12+$0x0] =	vst.idx.add.f32.msk $0xffff, v38;
	v30 =	vmul.f32 v30, v20  }
0xf5: {  	v29 =	vmul.f32 v29, v20;
	[tilespmem:v28+s12+$0x0] =	vst.idx.add.f32.msk $0xffff, v31;
	v28 =	vunpack.i.l.bf16.f32 v39;
	v31 =	vmul.f32 v32, v19  }
0xf6: {  	v32 =	vunpack.i.l.bf16.f32 v46;
	v28 =	vmul.f32 v28, v19;
	[tilespmem:v40+s12+$0x0] =	vst.idx.add.f32.msk $0xffff, v30;
	v30 =	vunpack.i.u.bf16.f32 v46  }
0xf7: {  	[tilespmem:v33+s12+$0x0] =	vst.idx.add.f32.msk $0xffff, v29;
	v29 =	vmul.f32 v32, v1;
	v30 =	vmul.f32 v30, v1;
	v1 =	vmov v19  }
0xf8: {  	v19 =	vld.idx.msk [tilespmem:v21+s2+$0x0], $0xffff  }
0xf9: {  	[tilespmem:v23+s12+$0x0] =	vst.idx.add.f32.msk $0xffff, v28  }
0xfa: {  	[tilespmem:v27+s12+$0x0] =	vst.idx.add.f32.msk $0xffff, v31  }
0xfb: {  	v21 =	vld.idx.msk [tilespmem:v22+s2+$0x0], $0xffff  }
0xfc: {  	v23 =	vadd.s32 $0xF000, v25;
	v22 =	vld.idx.msk [tilespmem:v26+s2+$0x0], $0xffff  }
0xfd: {  	v25 =	vadd.s32 $0x11800, v25;
	v24 =	vld.idx.msk [tilespmem:v24+s2+$0x0], $0xffff  }
0xfe: {  	v26 =	vunpack.i.l.bf16.f32 v19;
	[tilespmem:v6+s12+$0x0] =	vst.idx.add.f32.msk $0xffff, v41;
	v6 =	vmov v43  }
0xff: {  	v19 =	vunpack.i.u.bf16.f32 v19;
	v26 =	vmul.f32 v26, v20;
	[tilespmem:v4+s12+$0x0] =	vst.idx.add.f32.msk $0xffff, v36;
	v4 =	vmov v34  }
.Ltmp3:
0x100: {  	v19 =	vmul.f32 v19, v20;
	[tilespmem:v5+s12+$0x0] =	vst.idx.add.f32.msk $0xffff, v29;
	v5 =	vmov v50;
	(pc) =	sbr.rel @p0 .LBB2_5-.Ltmp3, $4  }
0x101: {  	v20 =	vunpack.i.u.bf16.f32 v21;
	v21 =	vunpack.i.l.bf16.f32 v21;
	[tilespmem:v23+s12+$0x0] =	vst.idx.add.f32.msk $0xffff, v26  }
0x102: {  	v23 =	vmul.f32 v21, v3;
	v26 =	vunpack.i.u.bf16.f32 v22;
	v22 =	vunpack.i.l.bf16.f32 v22;
	[tilespmem:v25+s12+$0x0] =	vst.idx.add.f32.msk $0xffff, v19  }
0x103: {  	v20 =	vmul.f32 v20, v3;
	v19 =	vunpack.i.u.bf16.f32 v24;
	v21 =	vunpack.i.l.bf16.f32 v24;
	[tilespmem:v7+s12+$0x0] =	vst.idx.add.f32.msk $0xffff, v30;
	v7 =	vmovc v37  }
0x104: {  	s18 =	sadd.s32 $0x40, s18;
	v22 =	vmul.f32 v22, v2;
	[tilespmem:v18+s12+$0x0] =	vst.idx.add.f32.msk $0xffff, v23;
	v18 =	vmul.f32 v26, v2  }
0x105: {  	_ =	sdelay $0x3  }
0x106: {  	[tilespmem:v16+s12+$0x0] =	vst.idx.add.f32.msk $0xffff, v20  }
0x107: {  	[tilespmem:v15+s12+$0x0] =	vst.idx.add.f32.msk $0xffff, v22  }
0x108: {  	v15 =	vmul.f32 v21, v1;
	v13 =	vld.idx.msk [tilespmem:v13+s2+$0x0], $0xffff  }
0x109: {  	[tilespmem:v17+s12+$0x0] =	vst.idx.add.f32.msk $0xffff, v18  }
0x10a: {  	v16 =	vmul.f32 v19, v1;
	[tilespmem:v14+s12+$0x0] =	vst.idx.add.f32.msk $0xffff, v15  }
0x10b: {  	v11 =	vld.idx.msk [tilespmem:v11+s2+$0x0], $0xffff  }
0x10c: {  	[tilespmem:v12+s12+$0x0] =	vst.idx.add.f32.msk $0xffff, v16  }
0x10d: {  	v10 =	vld.idx.msk [tilespmem:v10+s2+$0x0], $0xffff  }
0x10e: {  	v12 =	vunpack.i.l.bf16.f32 v13  }
0x10f: {  	v13 =	vunpack.i.u.bf16.f32 v13;
	v12 =	vmul.f32 v12, v3  }
0x110: {  	v3 =	vmul.f32 v13, v3;
	v14 =	vunpack.i.l.bf16.f32 v11  }
0x111: {  	p0 =	seq.s32 s16, $0x31;
	v11 =	vunpack.i.u.bf16.f32 v11;
	v13 =	vmul.f32 v14, v2;
	[tilespmem:v8+s12+$0x0] =	vst.idx.add.f32.msk $0xffff, v12  }
0x112: {  	s17 =	smul.u32 @!p0 $0x1900, s16;
	v2 =	vmul.f32 v11, v2;
	[tilespmem:v9+s12+$0x0] =	vst.idx.add.f32.msk $0xffff, v3;
	v3 =	vunpack.i.l.bf16.f32 v10  }
0x113: {  	v8 =	vunpack.i.u.bf16.f32 v10;
	v3 =	vmul.f32 v3, v1;
	[tilespmem:v6+s12+$0x0] =	vst.idx.add.f32.msk $0xffff, v13  }
0x114: {  	s17 =	sshrl.u32 @!p0 s17, $0x3;
	v1 =	vmul.f32 v8, v1;
	[tilespmem:v4+s12+$0x0] =	vst.idx.add.f32.msk $0xffff, v2  }
0x115: {  	s17 =	sadd.s32 @!p0 s3, s17;
	[tilespmem:v5+s12+$0x0] =	vst.idx.add.f32.msk $0xffff, v3  }
0x116: {  	s18 =	simm.s32 @!p0 $0x0;
	s19 =	simm.s32 @!p0 $0x1E000;
	s17 =	sadd.s32 @!p0 $0x320, s17;
	[tilespmem:v7+s12+$0x0] =	vst.idx.add.f32.msk $0xffff, v1  }
0x117: {  	[tilespmem:s19], [sflag:$0x1] =	stream.linear.gather @!p0 [hbm4b:s17+s18], $0xC80, $0x38;
	[tilespmem:$0x1F900] =	vst v63  }
0x118: {  	_ =	swait.ge [sflag:s13], $0xC80  }
0x119: {  	[sflag:s13] =	ssyncset.done $0x0  }
0x11a: {  	s31 =	simm.s32 $0x1F2F0;
	[sflag:s13] =	ssyncadd.s32 $0xFFFFF380  }
0x11b: {  	v1 =	vld [tilespmem:s31+$0xFFFFF9C0];
	_ =	sdelay $0x3  }
0x11c: {  	v4 =	vld [tilespmem:s31+$0xFFFFF990]  }
0x11d: {  	v5 =	vand.u32 $0x3FFF, v1  }
0x11e: {  	v6 =	vld [tilespmem:s31+$0xFFFFF9A0]  }
0x11f: {  	v7 =	vld [tilespmem:s31+$0xFFFFF9B0];
	_ =	sdelay $0x1  }
0x120: {  	v8 =	vand.u32 $0x3FFF, v4  }
0x121: {  	v9 =	vld.idx.msk [tilespmem:v5+s2+$0x0], $0xffff  }
0x122: {  	v18 =	vld [tilespmem:s31+$0x0];
	v10 =	vand.u32 $0x3FFF, v6  }
0x123: {  	v1 =	vshrl.u32 v1, $0xE;
	v20 =	vand.u32 $0x3FFF, v7  }
0x124: {  	v2 =	vld [tilespmem:s31+$0xFFFFFFD0];
	v19 =	vand.u32 $0x3FFF, v1  }
0x125: {  	v12 =	vadd.s32 $0x2800, v19;
	v11 =	vld.idx.msk [tilespmem:v8+s2+$0x0], $0xffff  }
0x126: {  	v3 =	vld [tilespmem:s31+$0xFFFFFFE0];
	v13 =	vadd.s32 $0x2800, v5;
	v1 =	vunpack.i.l.bf16.f32 v9  }
0x127: {  	v4 =	vshrl.u32 v4, $0xE;
	v14 =	vld.idx.msk [tilespmem:v10+s2+$0x0], $0xffff;
	v9 =	vunpack.i.u.bf16.f32 v9;
	v15 =	vmul.f32 v1, v18  }
0x128: {  	v4 =	vand.u32 $0x3FFF, v4;
	v17 =	vld.idx.msk [tilespmem:v20+s2+$0x0], $0xffff;
	v9 =	vmul.f32 v9, v18  }
0x129: {  	v6 =	vshrl.u32 v6, $0xE;
	v16 =	vadd.s32 $0x2800, v4;
	[tilespmem:v19+s12+$0x0] =	vst.idx.add.f32.msk $0xffff, v15  }
0x12a: {  	v6 =	vand.u32 $0x3FFF, v6;
	v15 =	vunpack.i.l.bf16.f32 v11;
	[tilespmem:v12+s12+$0x0] =	vst.idx.add.f32.msk $0xffff, v9  }
0x12b: {  	v11 =	vunpack.i.u.bf16.f32 v11;
	v9 =	vadd.s32 $0x2800, v6;
	v12 =	vmul.f32 v15, v2;
	v13 =	vld.idx.msk [tilespmem:v13+s2+$0x0], $0xffff  }
0x12c: {  	v21 =	vunpack.i.l.bf16.f32 v14;
	v1 =	vld [tilespmem:s31+$0xFFFFFFF0];
	v15 =	vadd.s32 $0x2800, v8;
	v11 =	vmul.f32 v11, v2  }
0x12d: {  	v22 =	vadd.s32 $0x2800, v10;
	v14 =	vunpack.i.u.bf16.f32 v14;
	v21 =	vmul.f32 v21, v3;
	[tilespmem:v4+s12+$0x0] =	vst.idx.add.f32.msk $0xffff, v12  }
0x12e: {  	v12 =	vmul.f32 v14, v3;
	[tilespmem:v16+s12+$0x0] =	vst.idx.add.f32.msk $0xffff, v11;
	v11 =	vadd.s32 $0x5000, v19  }
0x12f: {  	[tilespmem:v6+s12+$0x0] =	vst.idx.add.f32.msk $0xffff, v21;
	v14 =	vadd.s32 $0x7800, v19  }
0x130: {  	v7 =	vshrl.u32 v7, $0xE;
	[tilespmem:v9+s12+$0x0] =	vst.idx.add.f32.msk $0xffff, v12;
	v12 =	vadd.s32 $0x5000, v5;
	v9 =	vunpack.i.l.bf16.f32 v13  }
0x131: {  	v21 =	vand.u32 $0x3FFF, v7;
	v7 =	vld.idx.msk [tilespmem:v15+s2+$0x0], $0xffff;
	v13 =	vunpack.i.u.bf16.f32 v13;
	v9 =	vmul.f32 v9, v18  }
0x132: {  	v15 =	vadd.s32 $0x2800, v21;
	v16 =	vld.idx.msk [tilespmem:v22+s2+$0x0], $0xffff;
	v13 =	vmul.f32 v13, v18  }
0x133: {  	v23 =	vunpack.i.l.bf16.f32 v17;
	v22 =	vadd.s32 $0x2800, v20;
	[tilespmem:v11+s12+$0x0] =	vst.idx.add.f32.msk $0xffff, v9  }
0x134: {  	v9 =	vadd.s32 $0x5000, v4;
	v11 =	vunpack.i.u.bf16.f32 v17;
	v17 =	vmul.f32 v23, v1;
	[tilespmem:v14+s12+$0x0] =	vst.idx.add.f32.msk $0xffff, v13  }
0x135: {  	v13 =	vadd.s32 $0x7800, v4;
	v11 =	vmul.f32 v11, v1;
	v12 =	vld.idx.msk [tilespmem:v12+s2+$0x0], $0xffff  }
0x136: {  	v14 =	vadd.s32 $0x5000, v6;
	[tilespmem:v21+s12+$0x0] =	vst.idx.add.f32.msk $0xffff, v17;
	v17 =	vunpack.i.l.bf16.f32 v7  }
0x137: {  	v23 =	vadd.s32 $0x7800, v6;
	v7 =	vunpack.i.u.bf16.f32 v7;
	[tilespmem:v15+s12+$0x0] =	vst.idx.add.f32.msk $0xffff, v11;
	v11 =	vmul.f32 v17, v2  }
0x138: {  	v17 =	vunpack.i.l.bf16.f32 v16;
	v7 =	vmul.f32 v7, v2;
	v15 =	vld.idx.msk [tilespmem:v22+s2+$0x0], $0xffff;
	v22 =	vadd.s32 $0xA000, v19  }
0x139: {  	v16 =	vunpack.i.u.bf16.f32 v16;
	v17 =	vmul.f32 v17, v3;
	[tilespmem:v9+s12+$0x0] =	vst.idx.add.f32.msk $0xffff, v11;
	v9 =	vadd.s32 $0xC800, v19  }
0x13a: {  	v5 =	vadd.s32 $0x7800, v5;
	v11 =	vmul.f32 v16, v3;
	[tilespmem:v13+s12+$0x0] =	vst.idx.add.f32.msk $0xffff, v7;
	v7 =	vunpack.i.l.bf16.f32 v12  }
0x13b: {  	v13 =	vadd.s32 $0x5000, v21;
	[tilespmem:v14+s12+$0x0] =	vst.idx.add.f32.msk $0xffff, v17;
	v12 =	vunpack.i.u.bf16.f32 v12;
	v7 =	vmul.f32 v7, v18  }
0x13c: {  	[tilespmem:v23+s12+$0x0] =	vst.idx.add.f32.msk $0xffff, v11;
	v23 =	vadd.s32 $0x5000, v8;
	v11 =	vmul.f32 v12, v18  }
0x13d: {  	v14 =	vadd.s32 $0x7800, v21;
	v12 =	vunpack.i.l.bf16.f32 v15;
	[tilespmem:v22+s12+$0x0] =	vst.idx.add.f32.msk $0xffff, v7  }
0x13e: {  	v7 =	vadd.s32 $0x5000, v10;
	v12 =	vmul.f32 v12, v1;
	[tilespmem:v9+s12+$0x0] =	vst.idx.add.f32.msk $0xffff, v11  }
0x13f: {  	v15 =	vunpack.i.u.bf16.f32 v15;
	v22 =	vadd.s32 $0x5000, v20;
	v24 =	vld.idx.msk [tilespmem:v5+s2+$0x0], $0xffff  }
0x140: {  	v25 =	vadd.s32 $0xA000, v4;
	v9 =	vmul.f32 v15, v1;
	[tilespmem:v13+s12+$0x0] =	vst.idx.add.f32.msk $0xffff, v12  }
0x141: {  	v26 =	vadd.s32 $0xF000, v19;
	v16 =	vadd.s32 $0xC800, v4;
	v19 =	vadd.s32 $0x11800, v19;
	v23 =	vld.idx.msk [tilespmem:v23+s2+$0x0], $0xffff  }
0x142: {  	v17 =	vadd.s32 $0xC800, v6;
	v15 =	vadd.s32 $0xA000, v6;
	v11 =	vadd.s32 $0x7800, v10;
	[tilespmem:v14+s12+$0x0] =	vst.idx.add.f32.msk $0xffff, v9  }
0x143: {  	v10 =	vadd.s32 $0x7800, v20;
	v12 =	vadd.s32 $0xC800, v21;
	v13 =	vadd.s32 $0x7800, v8;
	v20 =	vld.idx.msk [tilespmem:v7+s2+$0x0], $0xffff  }
0x144: {  	v5 =	vadd.s32 $0xF000, v6;
	v14 =	vadd.s32 $0xA000, v21;
	v9 =	vadd.s32 $0x11800, v4;
	v22 =	vld.idx.msk [tilespmem:v22+s2+$0x0], $0xffff  }
0x145: {  	v7 =	vadd.s32 $0xF000, v4;
	v4 =	vadd.s32 $0x11800, v6;
	v8 =	vunpack.i.l.bf16.f32 v24  }
0x146: {  	v6 =	vadd.s32 $0xF000, v21;
	v24 =	vunpack.i.u.bf16.f32 v24;
	v27 =	vmul.f32 v8, v18  }
0x147: {  	v8 =	vadd.s32 $0x11800, v21;
	v18 =	vmul.f32 v24, v18;
	v21 =	vunpack.i.l.bf16.f32 v23  }
0x148: {  	v23 =	vunpack.i.u.bf16.f32 v23;
	v61 =	vmul.f32 v21, v2;
	[tilespmem:v26+s12+$0x0] =	vst.idx.add.f32.msk $0xffff, v27;
	v62 =	vunpack.i.u.bf16.f32 v20  }
0x149: {  	v63 =	vunpack.i.l.bf16.f32 v20;
	v20 =	vmul.f32 v23, v2;
	v21 =	vunpack.i.l.bf16.f32 v22;
	[tilespmem:v19+s12+$0x0] =	vst.idx.add.f32.msk $0xffff, v18  }
0x14a: {  	s17 =	simm.s32 $0x0;
	s18 =	simm.s32 $0x1F330;
	v19 =	vunpack.i.u.bf16.f32 v22;
	[tilespmem:v25+s12+$0x0] =	vst.idx.add.f32.msk $0xffff, v61;
	v22 =	vmul.f32 v63, v3;
	v18 =	vmul.f32 v62, v3  }
.LBB2_7:
0x14b: {  	v24 =	vld [tilespmem:s18+$0xFFFFF9C0];
	v29 =	vmul.f32 v21, v1;
	v30 =	vmul.f32 v19, v1  }
0x14c: {  	v19 =	vld [tilespmem:s18+$0xFFFFF9A0]  }
0x14d: {  	v23 =	vld [tilespmem:s18+$0xFFFFF9B0]  }
0x14e: {  	v25 =	vld [tilespmem:s18+$0xFFFFF990]  }
0x14f: {  	s17 =	sadd.s32 $0x40, s17;
	v31 =	vld [tilespmem:s18+$0xFFFFFFD0]  }
0x150: {  	p1 =	slt.u32 s17, $0x600;
	v32 =	vld [tilespmem:s18+$0xFFFFFFE0];
	v21 =	vand.u32 $0x3FFF, v24  }
0x151: {  	v26 =	vshrl.u32 v19, $0xE;
	v33 =	vand.u32 $0x3FFF, v19;
	v19 =	vld [tilespmem:s18+$0xFFFFFFF0]  }
0x152: {  	v34 =	vand.u32 $0x3FFF, v26;
	v26 =	vshrl.u32 v23, $0xE;
	v35 =	vand.u32 $0x3FFF, v23;
	[tilespmem:v16+s12+$0x0] =	vst.idx.add.f32.msk $0xffff, v20  }
0x153: {  	v16 =	vshrl.u32 v25, $0xE;
	v36 =	vand.u32 $0x3FFF, v25;
	v37 =	vand.u32 $0x3FFF, v26;
	[tilespmem:v15+s12+$0x0] =	vst.idx.add.f32.msk $0xffff, v22  }
0x154: {  	v39 =	vadd.s32 $0x2800, v34;
	v38 =	vand.u32 $0x3FFF, v16;
	v40 =	vadd.s32 $0x2800, v37;
	[tilespmem:v17+s12+$0x0] =	vst.idx.add.f32.msk $0xffff, v18  }
0x155: {  	v43 =	vadd.s32 $0x2800, v33;
	v42 =	vadd.s32 $0x2800, v36;
	v41 =	vadd.s32 $0x2800, v38;
	v17 =	vld.idx.msk [tilespmem:v21+s2+$0x0], $0xffff  }
0x156: {  	v47 =	vadd.s32 $0x2800, v35;
	v44 =	vadd.s32 $0x5000, v38;
	v45 =	vadd.s32 $0x7800, v38;
	v46 =	vld.idx.msk [tilespmem:v33+s2+$0x0], $0xffff  }
0x157: {  	v48 =	vadd.s32 $0x5000, v34;
	v28 =	vadd.s32 $0x7800, v34;
	v23 =	vadd.s32 $0x5000, v37;
	v20 =	vld [tilespmem:s18+$0x0]  }
0x158: {  	v15 =	vshrl.u32 v24, $0xE;
	v22 =	vadd.s32 $0x5000, v36;
	v27 =	vadd.s32 $0x7800, v37;
	v49 =	vld.idx.msk [tilespmem:v36+s2+$0x0], $0xffff  }
0x159: {  	v26 =	vadd.s32 $0x5000, v33;
	v24 =	vadd.s32 $0x5000, v35;
	v25 =	vand.u32 $0x3FFF, v15;
	v50 =	vld.idx.msk [tilespmem:v35+s2+$0x0], $0xffff  }
0x15a: {  	v18 =	vadd.s32 $0xA000, v38;
	v16 =	vadd.s32 $0xC800, v38;
	v51 =	vadd.s32 $0x2800, v25;
	[tilespmem:v14+s12+$0x0] =	vst.idx.add.f32.msk $0xffff, v29  }
0x15b: {  	v15 =	vadd.s32 $0xA000, v34;
	v14 =	vunpack.i.l.bf16.f32 v17;
	v29 =	vadd.s32 $0x2800, v21;
	[tilespmem:v12+s12+$0x0] =	vst.idx.add.f32.msk $0xffff, v30  }
0x15c: {  	v17 =	vunpack.i.u.bf16.f32 v17;
	v12 =	vunpack.i.u.bf16.f32 v46;
	v14 =	vmul.f32 v14, v20;
	v30 =	vld.idx.msk [tilespmem:v13+s2+$0x0], $0xffff  }
0x15d: {  	v13 =	vunpack.i.l.bf16.f32 v46;
	v46 =	vmul.f32 v12, v32;
	v12 =	vmul.f32 v17, v20;
	v52 =	vld.idx.msk [tilespmem:v11+s2+$0x0], $0xffff  }
0x15e: {  	v11 =	vunpack.i.u.bf16.f32 v49;
	v17 =	vunpack.i.l.bf16.f32 v49;
	v49 =	vmul.f32 v13, v32;
	[tilespmem:v25+s12+$0x0] =	vst.idx.add.f32.msk $0xffff, v14  }
0x15f: {  	v13 =	vmul.f32 v17, v31;
	v14 =	vunpack.i.u.bf16.f32 v50;
	v50 =	vunpack.i.l.bf16.f32 v50;
	[tilespmem:v51+s12+$0x0] =	vst.idx.add.f32.msk $0xffff, v12  }
0x160: {  	v11 =	vmul.f32 v11, v31;
	v17 =	vadd.s32 $0xC800, v34;
	v50 =	vmul.f32 v50, v19;
	v29 =	vld.idx.msk [tilespmem:v29+s2+$0x0], $0xffff  }
0x161: {  	v51 =	vmul.f32 v14, v19;
	v14 =	vadd.s32 $0xA000, v37;
	v12 =	vadd.s32 $0xC800, v37;
	[tilespmem:v38+s12+$0x0] =	vst.idx.add.f32.msk $0xffff, v13  }
0x162: {  	v13 =	vadd.s32 $0x7800, v36;
	[tilespmem:v41+s12+$0x0] =	vst.idx.add.f32.msk $0xffff, v11;
	v11 =	vadd.s32 $0x7800, v33;
	v33 =	vadd.s32 $0x7800, v35  }
0x163: {  	v35 =	vunpack.i.u.bf16.f32 v30;
	v30 =	vunpack.i.l.bf16.f32 v30;
	v36 =	vunpack.i.u.bf16.f32 v52;
	[tilespmem:v34+s12+$0x0] =	vst.idx.add.f32.msk $0xffff, v49  }
0x164: {  	v41 =	vunpack.i.l.bf16.f32 v52;
	v30 =	vmul.f32 v30, v2;
	[tilespmem:v39+s12+$0x0] =	vst.idx.add.f32.msk $0xffff, v46;
	v39 =	vadd.s32 $0x5000, v25  }
0x165: {  	v35 =	vmul.f32 v35, v2;
	v41 =	vmul.f32 v41, v3;
	v46 =	vadd.s32 $0x7800, v25;
	[tilespmem:v37+s12+$0x0] =	vst.idx.add.f32.msk $0xffff, v50  }
0x166: {  	v49 =	vadd.s32 $0x5000, v21;
	v36 =	vmul.f32 v36, v3;
	v2 =	vmovc v31;
	[tilespmem:v40+s12+$0x0] =	vst.idx.add.f32.msk $0xffff, v51;
	v40 =	vunpack.i.l.bf16.f32 v29  }
0x167: {  	v3 =	vmovc v32;
	v29 =	vunpack.i.u.bf16.f32 v29;
	v31 =	vld.idx.msk [tilespmem:v42+s2+$0x0], $0xffff;
	v42 =	vadd.s32 $0xF000, v38;
	v40 =	vmul.f32 v40, v20  }
0x168: {  	v32 =	vadd.s32 $0x11800, v38;
	v29 =	vmul.f32 v29, v20;
	v38 =	vld.idx.msk [tilespmem:v43+s2+$0x0], $0xffff;
	v43 =	vadd.s32 $0xF000, v34  }
0x169: {  	v50 =	vadd.s32 $0xF000, v37;
	v37 =	vadd.s32 $0x11800, v37;
	v34 =	vadd.s32 $0x11800, v34;
	[tilespmem:v39+s12+$0x0] =	vst.idx.add.f32.msk $0xffff, v40  }
0x16a: {  	[tilespmem:v46+s12+$0x0] =	vst.idx.add.f32.msk $0xffff, v29  }
0x16b: {  	v29 =	vld.idx.msk [tilespmem:v49+s2+$0x0], $0xffff  }
0x16c: {  	v39 =	vld.idx.msk [tilespmem:v47+s2+$0x0], $0xffff  }
0x16d: {  	v40 =	vunpack.i.u.bf16.f32 v31;
	v31 =	vunpack.i.l.bf16.f32 v31;
	v46 =	vld.idx.msk [tilespmem:v10+s2+$0x0], $0xffff;
	v10 =	vmov v33  }
0x16e: {  	v31 =	vmul.f32 v31, v2;
	v33 =	vunpack.i.u.bf16.f32 v38;
	v38 =	vunpack.i.l.bf16.f32 v38;
	[tilespmem:v7+s12+$0x0] =	vst.idx.add.f32.msk $0xffff, v30;
	v7 =	vmovc v42  }
0x16f: {  	v30 =	vmul.f32 v40, v2;
	v38 =	vmul.f32 v38, v3;
	v40 =	vadd.s32 $0xA000, v25;
	[tilespmem:v9+s12+$0x0] =	vst.idx.add.f32.msk $0xffff, v35  }
0x170: {  	v9 =	vmov v32;
	[tilespmem:v44+s12+$0x0] =	vst.idx.add.f32.msk $0xffff, v31;
	v31 =	vmul.f32 v33, v3;
	v33 =	vadd.s32 $0xC800, v25  }
0x171: {  	v21 =	vadd.s32 $0x7800, v21;
	[tilespmem:v45+s12+$0x0] =	vst.idx.add.f32.msk $0xffff, v30;
	v30 =	vunpack.i.l.bf16.f32 v29  }
0x172: {  	v32 =	vunpack.i.u.bf16.f32 v39;
	v29 =	vunpack.i.u.bf16.f32 v29;
	[tilespmem:v48+s12+$0x0] =	vst.idx.add.f32.msk $0xffff, v38;
	v30 =	vmul.f32 v30, v20  }
0x173: {  	v29 =	vmul.f32 v29, v20;
	[tilespmem:v28+s12+$0x0] =	vst.idx.add.f32.msk $0xffff, v31;
	v28 =	vunpack.i.l.bf16.f32 v39;
	v31 =	vmul.f32 v32, v19  }
0x174: {  	v32 =	vunpack.i.l.bf16.f32 v46;
	v28 =	vmul.f32 v28, v19;
	[tilespmem:v40+s12+$0x0] =	vst.idx.add.f32.msk $0xffff, v30;
	v30 =	vunpack.i.u.bf16.f32 v46  }
0x175: {  	[tilespmem:v33+s12+$0x0] =	vst.idx.add.f32.msk $0xffff, v29;
	v29 =	vmul.f32 v32, v1;
	v30 =	vmul.f32 v30, v1;
	v1 =	vmov v19  }
0x176: {  	v19 =	vld.idx.msk [tilespmem:v21+s2+$0x0], $0xffff  }
0x177: {  	[tilespmem:v23+s12+$0x0] =	vst.idx.add.f32.msk $0xffff, v28  }
0x178: {  	[tilespmem:v27+s12+$0x0] =	vst.idx.add.f32.msk $0xffff, v31  }
0x179: {  	v21 =	vld.idx.msk [tilespmem:v22+s2+$0x0], $0xffff  }
0x17a: {  	v23 =	vadd.s32 $0xF000, v25;
	v22 =	vld.idx.msk [tilespmem:v26+s2+$0x0], $0xffff  }
0x17b: {  	v25 =	vadd.s32 $0x11800, v25;
	v24 =	vld.idx.msk [tilespmem:v24+s2+$0x0], $0xffff  }
0x17c: {  	v26 =	vunpack.i.l.bf16.f32 v19;
	[tilespmem:v5+s12+$0x0] =	vst.idx.add.f32.msk $0xffff, v41;
	v5 =	vmov v43  }
0x17d: {  	v19 =	vunpack.i.u.bf16.f32 v19;
	v26 =	vmul.f32 v26, v20;
	[tilespmem:v4+s12+$0x0] =	vst.idx.add.f32.msk $0xffff, v36;
	v4 =	vmov v34  }
.Ltmp4:
0x17e: {  	v19 =	vmul.f32 v19, v20;
	[tilespmem:v6+s12+$0x0] =	vst.idx.add.f32.msk $0xffff, v29;
	v6 =	vmov v50;
	(pc) =	sbr.rel @p1 .LBB2_7-.Ltmp4, $4  }
0x17f: {  	v20 =	vunpack.i.u.bf16.f32 v21;
	v21 =	vunpack.i.l.bf16.f32 v21;
	[tilespmem:v23+s12+$0x0] =	vst.idx.add.f32.msk $0xffff, v26  }
0x180: {  	v23 =	vmul.f32 v21, v2;
	v26 =	vunpack.i.u.bf16.f32 v22;
	v22 =	vunpack.i.l.bf16.f32 v22;
	[tilespmem:v25+s12+$0x0] =	vst.idx.add.f32.msk $0xffff, v19  }
0x181: {  	v20 =	vmul.f32 v20, v2;
	v19 =	vunpack.i.u.bf16.f32 v24;
	v21 =	vunpack.i.l.bf16.f32 v24;
	[tilespmem:v8+s12+$0x0] =	vst.idx.add.f32.msk $0xffff, v30;
	v8 =	vmovc v37  }
0x182: {  	s18 =	sadd.s32 $0x40, s18;
	v22 =	vmul.f32 v22, v3;
	[tilespmem:v18+s12+$0x0] =	vst.idx.add.f32.msk $0xffff, v23;
	v18 =	vmul.f32 v26, v3  }
0x183: {  	_ =	sdelay $0x3  }
0x184: {  	[tilespmem:v16+s12+$0x0] =	vst.idx.add.f32.msk $0xffff, v20  }
0x185: {  	[tilespmem:v15+s12+$0x0] =	vst.idx.add.f32.msk $0xffff, v22  }
0x186: {  	v58 =	vmul.f32 v21, v1;
	v13 =	vld.idx.msk [tilespmem:v13+s2+$0x0], $0xffff  }
0x187: {  	[tilespmem:v17+s12+$0x0] =	vst.idx.add.f32.msk $0xffff, v18  }
0x188: {  	v59 =	vmul.f32 v19, v1;
	[tilespmem:v14+s12+$0x0] =	vst.idx.add.f32.msk $0xffff, v58  }
0x189: {  	v11 =	vld.idx.msk [tilespmem:v11+s2+$0x0], $0xffff  }
0x18a: {  	[tilespmem:v12+s12+$0x0] =	vst.idx.add.f32.msk $0xffff, v59  }
0x18b: {  	v10 =	vld.idx.msk [tilespmem:v10+s2+$0x0], $0xffff  }
0x18c: {  	v60 =	vunpack.i.l.bf16.f32 v13  }
0x18d: {  	v13 =	vunpack.i.u.bf16.f32 v13;
	v12 =	vmul.f32 v60, v2  }
0x18e: {  	v2 =	vmul.f32 v13, v2;
	v61 =	vunpack.i.l.bf16.f32 v11  }
0x18f: {  	v11 =	vunpack.i.u.bf16.f32 v11;
	v62 =	vmul.f32 v61, v3;
	[tilespmem:v7+s12+$0x0] =	vst.idx.add.f32.msk $0xffff, v12  }
.Ltmp5:
0x190: {  	v3 =	vmul.f32 v11, v3;
	[tilespmem:v9+s12+$0x0] =	vst.idx.add.f32.msk $0xffff, v2;
	v2 =	vunpack.i.l.bf16.f32 v10;
	(pc) =	sbr.rel @p0 .LBB2_10-.Ltmp5, $4  }
0x191: {  	v63 =	vunpack.i.u.bf16.f32 v10;
	v2 =	vmul.f32 v2, v1;
	[tilespmem:v5+s12+$0x0] =	vst.idx.add.f32.msk $0xffff, v62  }
0x192: {  	v1 =	vmul.f32 v63, v1;
	[tilespmem:v4+s12+$0x0] =	vst.idx.add.f32.msk $0xffff, v3  }
0x193: {  	[tilespmem:v6+s12+$0x0] =	vst.idx.add.f32.msk $0xffff, v2  }
0x194: {  	[tilespmem:v8+s12+$0x0] =	vst.idx.add.f32.msk $0xffff, v1  }
0x195: {  	s17 =	smul.u32 $0x1900, s16  }
.Ltmp6:
0x196: {  	_ = 	snop;
	(pc) =	sbr.rel .LBB2_4-.Ltmp6, $4  }
0x197: {  	s17 =	sshrl.u32 s17, $0x3  }
0x198: {  	s17 =	sadd.s32 s3, s17  }
0x199: {  	s16 =	sadd.s32 $0x1, s16;
	s17 =	sadd.s32 $0x4B0, s17  }
0x19a: {  	[tilespmem:s10], [sflag:$0x2] =	stream.linear.gather [hbm4b:s17+s2], $0xC80, $0x38;
	[tilespmem:$0x1F900] =	vst v63  }
.LBB2_11:
0x19b: {  	_ =	sfence.sel $0x180000  }
0x19c: {  	[bflag:$0x0] =	sbarrier.arrive $0xFFFF  }
0x19d: {  	p0 =	sne.s32 s0, $0x0;
	_ =	strace $0x9000004A  }
0x19e: {  	s0 =	sadd.s32 @!p0 $0x100000, s1;
	[bflag:$0x2] =	sbarrier.arrive $0xFFFF  }
0x19f: {  	[sflag:s0] =	ssyncadd.tile.s32 @!p0 $0x1;
	_ =	shalt  }
.Lfunc_end2:
_tile_overlayer_lowered:
.L_overlay_start_2:
0x1a0: {  	(tag) =	ssettag $0x2  }
0x1a1: {  	s0 =	rddreg [dreg:$0x0];
	s2 =	stileid.u32  }
0x1a2: {  	s1 =	rddreg [dreg:$0x1];
	p0 =	sne.s32 s2, $0x0  }
0x1a3: {  	s3 =	rddreg [dreg:$0x2];
	[bflag:$0x3] =	sbarrier.arrive $0xFFFF;
	s2 =	simm.s32 @!p0 $0x1C04  }
0x1a4: {  	[timem:s3], [sflag:s2] =	dma.local @!p0 [hbm:s0], s1  }
0x1a5: {  	s0 =	simm.s32 @!p0 $0x4  }
0x1a6: {  	_ =	swait.ge @!p0 [sflag:s0], s1  }
0x1a7: {  	s1 =	ssub.s32 @!p0 $0x0, s1;
	[sflag:s0] =	ssyncset.done @!p0 $0x0  }
0x1a8: {  	[sflag:s0] =	ssyncadd.s32 @!p0 s1  }
0x1a9: {  	[bflag:$0x3] =	sbarrier.arrive $0xFFFF  }
0x1aa: {  	_ =	shalt  }

// kernel: kernel.7.cloned.1.call-start
scs
__scs_entry_jumppad:
0x0: {  	(pc) =	sbr.rel $0x88, $3  }
0x1: {  	(tag) =	ssettag $0x0;
	lr =	simm.s32 $0x1  }
0x2: {  	[smem:$0x3F93] =	sst lr;
	_ =	strace $0xD0000000  }
0x3: {  	_ = 	snop  }
0x4: {  	_ = 	snop  }
0x5: {  	_ = 	snop  }
0x6: {  	_ = 	snop  }
0x7: {  	_ = 	snop  }
__scs_overlays_trampoline_lowered:
0x8: {  	[smem:$0x3FA2] =	sst s0  }
0x9: {  	[smem:$0x3FA3] =	sst s1  }
0xa: {  	[smem:$0x3FA4] =	sst s2  }
0xb: {  	[smem:$0x3FA5] =	sst s3  }
0xc: {  	[smem:$0x3FA6] =	sst s4  }
0xd: {  	[smem:$0x3FA7] =	sst s5  }
0xe: {  	[smem:$0x3FA8] =	sst s6  }
0xf: {  	[smem:$0x3FA9] =	sst s7  }
0x10: {  	[smem:$0x3FAA] =	sst s8  }
0x11: {  	[smem:$0x3FAB] =	sst s9;
	s0 =	simm.s32 @!p0 $0x0  }
0x12: {  	s1 =	sld [smem:$0x3F91];
	s0 =	simm.s32 @p0 $0x1  }
0x13: {  	[smem:$0x3FAC] =	sst s0;
	s0 =	simm.s32 @!p1 $0x0  }
0x14: {  	s2 =	sld [smem:$0x3F90];
	s0 =	simm.s32 @p1 $0x1  }
0x15: {  	[smem:$0x3FAD] =	sst s0;
	s0 =	simm.s32 @!p2 $0x0  }
0x16: {  	s3 =	sld [smem:$0x3FDB];
	s0 =	simm.s32 @p2 $0x1  }
0x17: {  	s4 =	simm.s32 $0x1BF5;
	[smem:$0x3FAF] =	sst s0  }
0x18: {  	s0 =	sld [smem:$0x3F92];
	_ =	swait.ge [sflag:s4], $0x0  }
0x19: {  	s7 =	sld [smem:$0x3F93]  }
0x1a: {  	s8 =	sadd.s32 $0xFFFFE003, lr  }
0x1b: {  	s9 =	sadd.s32 $0xFFFFFEF7, lr;
	s5 =	simm.s32 $0xFFFFFFFF;
	p2 =	slt.u32 s8, $0xFFFFF086  }
0x1c: {  	p1 =	slt.u32 s9, $0xF7A;
	s5 =	simm.s32 @!p2 $0x0  }
0x1d: {  	s5 =	simm.s32 @p1 $0x1;
	p0 =	seq.s32 s7, s2  }
0x1e: {  	s7 =	smul.u32 @!p0 $0xF7A, s2;
	p2 =	seq.s32 @!p0 s5, $0x0  }
0x1f: {  	s9 =	smul.u32 $0xF7A, s1;
	s8 =	simm.s32 @!p0 $0x1BF5;
	p2 =	por !p2, p0  }
0x20: {  	[sflag:s8] =	ssyncset.s32 @!p0 $0xFFFFF086;
	s6 =	sadd.s32 @!p0 s3, s7;
	s7 =	simm.s32 @!p0 $0x108  }
0x21: {  	s3 =	sadd.s32 s3, s9;
	s6 =	sadd.s32 @!p0 $0x88, s6;
	s7 =	simm.s32 @p2 $0x1082  }
0x22: {  	[simem:s7], [sflag:s8] =	dma.local @!p0 [hbm:s6], $0xF7A  }
0x23: {  	s9 =	sor.u32 $0xD0000000, s2;
	s6 =	simm.s32 $0x108;
	_ =	swait.ge @!p0 [sflag:s8], $0x0  }
0x24: {  	s3 =	sadd.s32 $0x88, s3;
	s6 =	simm.s32 @!p1 $0x1082;
	[sflag:s4] =	ssyncset.s32 $0xFFFFF086  }
0x25: {  	[simem:s6], [sflag:s4] =	dma.local [hbm:s3], $0xF7A  }
0x26: {  	[smem:$0x3F93] =	sst s1;
	(tag) =	ssettag s2;
	_ =	strace s9  }
0x27: {  	s1 =	sld [smem:$0x3FA3]  }
0x28: {  	s2 =	sld [smem:$0x3FA4]  }
0x29: {  	s4 =	sld [smem:$0x3FA6]  }
0x2a: {  	p0 =	seq.s32 s5, $0x0;
	s5 =	sld [smem:$0x3FA7]  }
0x2b: {  	s6 =	sld [smem:$0x3FA8]  }
0x2c: {  	s7 =	sld [smem:$0x3FA9]  }
0x2d: {  	s3 =	simm.s32 $0x108;
	s8 =	sld [smem:$0x3FAA]  }
0x2e: {  	s3 =	simm.s32 @!p0 $0x1082;
	s9 =	sld [smem:$0x3FAB]  }
0x2f: {  	lr =	sadd.s32 s0, s3;
	s0 =	sld [smem:$0x3FA2]  }
0x30: {  	s3 =	sld [smem:$0x3FA5]  }
0x31: {  	[smem:$0x3FAE] =	sst s10  }
0x32: {  	s10 =	sld [smem:$0x3FAC];
	_ =	sdelay $0x3  }
0x33: {  	p0 =	seq.s32 s10, $0x1;
	s10 =	sld [smem:$0x3FAE];
	_ =	sdelay $0x3  }
0x34: {  	[smem:$0x3FAE] =	sst s10  }
0x35: {  	s10 =	sld [smem:$0x3FAD];
	_ =	sdelay $0x3  }
0x36: {  	p1 =	seq.s32 s10, $0x1;
	s10 =	sld [smem:$0x3FAE];
	_ =	sdelay $0x3  }
0x37: {  	[smem:$0x3FAE] =	sst s10  }
0x38: {  	s10 =	sld [smem:$0x3FAF]  }
0x39: {  	_ = 	snop;
	(pc) =	sbr.ind lr, $3  }
0x3a: {  	_ = 	snop  }
0x3b: {  	_ = 	snop  }
0x3c: {  	p2 =	seq.s32 s10, $0x1;
	s10 =	sld [smem:$0x3FAE]  }
0x3d: {  	_ =	shalt  }
0x3e: {  	_ =	shalt  }
0x3f: {  	_ =	shalt  }
0x40: {  	_ =	shalt  }
0x41: {  	_ =	shalt  }
0x42: {  	_ =	shalt  }
0x43: {  	_ =	shalt  }
0x44: {  	_ =	shalt  }
0x45: {  	_ =	shalt  }
0x46: {  	_ =	shalt  }
0x47: {  	_ =	shalt  }
0x48: {  	_ =	shalt  }
0x49: {  	_ =	shalt  }
0x4a: {  	_ =	shalt  }
0x4b: {  	_ =	shalt  }
0x4c: {  	_ =	shalt  }
0x4d: {  	_ =	shalt  }
0x4e: {  	_ =	shalt  }
0x4f: {  	_ =	shalt  }
0x50: {  	_ =	shalt  }
0x51: {  	_ =	shalt  }
0x52: {  	_ =	shalt  }
0x53: {  	_ =	shalt  }
0x54: {  	_ =	shalt  }
0x55: {  	_ =	shalt  }
0x56: {  	_ =	shalt  }
0x57: {  	_ =	shalt  }
0x58: {  	_ =	shalt  }
0x59: {  	_ =	shalt  }
0x5a: {  	_ =	shalt  }
0x5b: {  	_ =	shalt  }
0x5c: {  	_ =	shalt  }
0x5d: {  	_ =	shalt  }
0x5e: {  	_ =	shalt  }
0x5f: {  	_ =	shalt  }
0x60: {  	_ =	shalt  }
0x61: {  	_ =	shalt  }
0x62: {  	_ =	shalt  }
0x63: {  	_ =	shalt  }
0x64: {  	_ =	shalt  }
0x65: {  	_ =	shalt  }
0x66: {  	_ =	shalt  }
0x67: {  	_ =	shalt  }
0x68: {  	_ =	shalt  }
0x69: {  	_ =	shalt  }
0x6a: {  	_ =	shalt  }
0x6b: {  	_ =	shalt  }
0x6c: {  	_ =	shalt  }
0x6d: {  	_ =	shalt  }
0x6e: {  	_ =	shalt  }
0x6f: {  	_ =	shalt  }
0x70: {  	_ =	shalt  }
0x71: {  	_ =	shalt  }
0x72: {  	_ =	shalt  }
0x73: {  	_ =	shalt  }
0x74: {  	_ =	shalt  }
0x75: {  	_ =	shalt  }
0x76: {  	_ =	shalt  }
0x77: {  	_ =	shalt  }
0x78: {  	_ =	shalt  }
0x79: {  	_ =	shalt  }
0x7a: {  	_ =	shalt  }
0x7b: {  	_ =	shalt  }
0x7c: {  	_ =	shalt  }
0x7d: {  	_ =	shalt  }
0x7e: {  	_ =	shalt  }
0x7f: {  	_ =	shalt  }
0x80: {  	_ =	shalt  }
0x81: {  	_ =	shalt  }
0x82: {  	_ =	shalt  }
0x83: {  	_ =	shalt  }
0x84: {  	_ =	shalt  }
0x85: {  	_ =	shalt  }
0x86: {  	_ =	shalt  }
0x87: {  	_ =	shalt  }
.Lfunc_end0:
.L_simem_size_0:
called_computation_lowered:
.L_overlay_start_0:
0x88: {  	s2 =	sld [smem:$0x3FD9]  }
0x89: {  	s3 =	sld [smem:$0x3FFE];
	_ =	sdelay $0x1  }
0x8a: {  	s1 =	srdreg.scid  }
0x8b: {  	s0 =	sand.u32 $0x1, s1  }
0x8c: {  	s16 =	sshll.u32 s0, $0xA;
	s2 =	sadd.s32 s3, s2  }
0x8d: {  	s2 =	sadd.s32 s2, s16  }
0x8e: {  	[smem:$0x3FBA] =	sst s2  }
0x8f: {  	_ = 	snop  }
0x90: {  	(tm) =	ssettm $0x1  }
0x91: {  	s17 =	sld [smem:$0x3FFB];
	_ =	sdelay $0x3  }
0x92: {  	_ =	strace s17  }
0x93: {  	s2 =	sld [smem:$0x3FFC];
	_ =	sdelay $0x3  }
0x94: {  	_ =	strace s2  }
0x95: {  	s2 =	sld [smem:$0x3FFD];
	_ =	sdelay $0x3  }
0x96: {  	_ =	strace s2  }
0x97: {  	_ =	strace $0x8FFFFFFF  }
0x98: {  	s18 =	sld [smem:$0x3FDB];
	_ =	sdelay $0x1  }
0x99: {  	s19 =	simm.s32 $_scs_section_size  }
0x9a: {  	s4 =	simm.s32 $_size__tile_overlayer_lowered;
	s5 =	simm.s32 $_tile_overlayer_lowered  }
0x9b: {  	s22 =	simm.s32 $0x1BFF;
	s21 =	sshll.u32 s5, $0x1;
	s2 =	sadd.s32 s19, s18  }
0x9c: {  	s6 =	simm.s32 $0x0;
	s20 =	sshll.u32 s4, $0x1;
	s4 =	sadd.s32 s21, s2  }
0x9d: {  	[timem:s6], [sflag:s22] =	dma.local [hbm:s4], s20  }
0x9e: {  	_ =	swait.ge [sflag:s22], s20  }
0x9f: {  	s3 =	ssub.s32 $0x0, s20;
	[sflag:s22] =	ssyncset.done $0x0  }
0xa0: {  	[sflag:s22] =	ssyncadd.s32 s3;
	_ =	sdelay $0x1  }
0xa1: {  	s23 =	simm.s32 $0x1B8B  }
0xa2: {  	_ =	swait.ge [sflag:s23], $0x1  }
0xa3: {  	[sflag:s23] =	ssyncset.done $0x0  }
0xa4: {  	s25 =	simm.s32 $0x1B8E;
	s24 =	sld [smem:$0x3FFE];
	[sflag:s23] =	ssyncadd.s32 $0xFFFFFFFF  }
0xa5: {  	s26 =	simm.s32 $execute0_lowered;
	[smem:$0x3FD2] =	sst s25  }
0xa6: {  	s4 =	sshll.u32 s26, $0x1;
	_ =	strace $0x80000046;
	[dreg:$0x1] =	wrdreg $0xFFFFFFFF  }
0xa7: {  	s28 =	simm.s32 $_size_execute0_lowered;
	s2 =	sadd.s32 s2, s4;
	[dreg:$0x0] =	wrdreg $0x0  }
0xa8: {  	s4 =	sshll.u32 s28, $0x1;
	[dreg:$0x2] =	wrdreg s2  }
0xa9: {  	[dreg:$0x3] =	wrdreg s4  }
0xaa: {  	[dreg:$0x4] =	wrdreg $0xC0  }
0xab: {  	_ =	task [dreg:s6], $0x5FFFF  }
0xac: {  	[dreg:$0x1] =	wrdreg $0xFFFFFFFF  }
0xad: {  	[dreg:$0x0] =	wrdreg $0x60  }
0xae: {  	[dreg:$0x2] =	wrdreg s24  }
0xaf: {  	[dreg:$0x3] =	wrdreg $0x9  }
0xb0: {  	_ =	task.clear_ibuf [dreg:s6], $0x4FFFF;
	_ =	strace $0x90000046  }
0xb1: {  	s29 =	simm.s32 $0x9;
	_ =	strace $0x80000048  }
0xb2: {  	_ =	swait.ge [sflag:s29], $0x1  }
0xb3: {  	[sflag:s29] =	ssyncadd.s32 $0xFFFFFFFF  }
0xb4: {  	_ =	strace $0x90000048  }
0xb5: {  	_ =	sfence  }
0xb6: {  	s30 =	sld [smem:$0x0];
	_ =	sdelay $0x2  }
0xb7: {  	s31 =	sshll.u32 s1, $0xD;
	s1 =	sshrl.u32 s1, $0x2  }
0xb8: {  	s3 =	sand.u32 $0x4000, s31;
	s1 =	sadd.s32 s1, s30  }
0xb9: {  	s0 =	sor.u32 s3, s0;
	s1 =	sshll.u32 s1, $0x11  }
0xba: {  	s0 =	sor.u32 s1, s0  }
0xbb: {  	s0 =	sadd.s32 $0x8F2B, s0  }
0xbc: {  	[sflag:s0] =	ssyncadd.remote.s32 $0x1  }
0xbd: {  	_ =	sfence.sel $0xFFFF  }
0xbe: {  	[dreg:$0x0] =	wrdreg $0xFFFFFFFF;
	(pc) =	sbr.abs _section_cstart, $3  }
0xbf: {  	[dreg:$0x1] =	wrdreg $0xFFFFFFFF  }
0xc0: {  	_ =	task.clear_ibuf [dreg:s6], $0x2FFFF;
	_ =	strace $0x9FFFFFFF  }
0xc1: {  	(tm) =	ssettm $0x7FFFFFFF  }
tec
execute0_lowered:
.L_overlay_start_1:
0x0: {  	(tag) =	ssettag $0x1  }
0x1: {  	s1 =	srdreg.scid  }
0x2: {  	s0 =	stileid.u32;
	s5 =	rddreg [dreg:$0x0];
	s2 =	simm.s32 $0x0  }
0x3: {  	s10 =	simm.s32 $0x1EC80;
	s11 =	simm.s32 $0x1;
	s12 =	simm.s32 $0xA000  }
0x4: {  	s13 =	simm.s32 $0x2;
	s3 =	sand.u32 $0x1, s1;
	s31 =	sshll.u32 s0, $0x1  }
0x5: {  	s14 =	simm.s32 $0x4;
	s1 =	rddreg [dreg:$0x1];
	s4 =	sor.u32 s3, s31  }
0x6: {  	s15 =	simm.s32 $0x0;
	[smem:$0x7FF] =	sst s2;
	s6 =	smul.u32 $0x1400, s4  }
.Ltmp0:
0x7: {  	s7 =	ssub.s32 $0x2, s3;
	_ =	strace $0x80000047;
	(pc) =	sbr.rel .LBB2_1-.Ltmp0, $4  }
0x8: {  	s3 =	sadd.s32 $0x79C00, s5;
	s4 =	smul.u32 $0x2800, s4;
	s8 =	sshrl.u32 s7, $0x1  }
0x9: {  	s7 =	ssub.s32 s7, s8;
	s8 =	simm.s32 $0x3;
	s6 =	sadd.s32 s6, s5  }
0xa: {  	s9 =	sadd.s32 s4, s5;
	s5 =	sadd.s32 $0x79D90, s5;
	s7 =	smax.u32 s7, $0x1  }
0xb: {  	v0 =	vimm.f32 $0.0e+00;
	s4 =	sadd.s32 $0x51C00, s6;
	s6 =	sadd.s32 $0x83A00, s9;
	s9 =	simm.s32 $0x1E000  }
.LBB2_10:
0xc: {  	s15 =	sadd.s32 $0x1, s15  }
0xd: {  	p0 =	sne.s32 s15, s7  }
.Ltmp1:
0xe: {  	_ = 	snop;
	(pc) =	sbr.rel @!p0 .LBB2_11-.Ltmp1, $4  }
0xf: {  	[hbm4b:s6+s2] =	stream.linear.scatter [tilespmem:s12], [sflag:$0x4], $0x14000, $0x38;
	[tilespmem:$0x1F900] =	vst v63  }
0x10: {  	_ =	swait.ge [sflag:s14], $0x14000  }
0x11: {  	[sflag:s14] =	ssyncset.done $0x0  }
0x12: {  	[sflag:s14] =	ssyncadd.s32 $0xFFFEC000  }
.LBB2_1:
0x13: {  	[tilespmem:s2], [sflag:$0x3] =	stream.linear.gather [hbm4b:s4+s2], $0xA000, $0x38;
	[tilespmem:$0x1F900] =	vst v63  }
0x14: {  	s16 =	simm.s32 $0x1B870  }
0x15: {  	[tilespmem:s16+$0xFFFEE790] =	vst v0  }
0x16: {  	[tilespmem:s16+$0x0] =	vst v0  }
0x17: {  	[tilespmem:s16+$0xFFFFFFF0] =	vst v0  }
0x18: {  	[tilespmem:s16+$0xFFFFD800] =	vst v0  }
0x19: {  	[tilespmem:s16+$0xFFFFD7F0] =	vst v0  }
0x1a: {  	[tilespmem:s16+$0xFFFFB000] =	vst v0  }
0x1b: {  	[tilespmem:s16+$0xFFFFAFF0] =	vst v0  }
0x1c: {  	[tilespmem:s16+$0xFFFF8800] =	vst v0  }
0x1d: {  	[tilespmem:s16+$0xFFFF87F0] =	vst v0  }
0x1e: {  	[tilespmem:s16+$0xFFFF6000] =	vst v0  }
0x1f: {  	[tilespmem:s16+$0xFFFF5FF0] =	vst v0  }
0x20: {  	[tilespmem:s16+$0xFFFF3800] =	vst v0  }
0x21: {  	[tilespmem:s16+$0xFFFF37F0] =	vst v0  }
0x22: {  	[tilespmem:s16+$0xFFFF1000] =	vst v0  }
0x23: {  	[tilespmem:s16+$0xFFFF0FF0] =	vst v0  }
0x24: {  	[tilespmem:s16+$0xFFFEE800] =	vst v0  }
0x25: {  	[tilespmem:s16+$0xFFFEE7F0] =	vst v0  }
0x26: {  	[tilespmem:s16+$0xFFFFFFE0] =	vst v0  }
0x27: {  	[tilespmem:s16+$0xFFFFFFD0] =	vst v0  }
0x28: {  	[tilespmem:s16+$0xFFFFD7E0] =	vst v0  }
0x29: {  	[tilespmem:s16+$0xFFFFD7D0] =	vst v0  }
0x2a: {  	[tilespmem:s16+$0xFFFFAFE0] =	vst v0  }
0x2b: {  	[tilespmem:s16+$0xFFFFAFD0] =	vst v0  }
0x2c: {  	[tilespmem:s16+$0xFFFF87E0] =	vst v0  }
0x2d: {  	[tilespmem:s16+$0xFFFF87D0] =	vst v0  }
0x2e: {  	[tilespmem:s16+$0xFFFF5FE0] =	vst v0  }
0x2f: {  	[tilespmem:s16+$0xFFFF5FD0] =	vst v0  }
0x30: {  	[tilespmem:s16+$0xFFFF37E0] =	vst v0  }
0x31: {  	[tilespmem:s16+$0xFFFF37D0] =	vst v0  }
0x32: {  	[tilespmem:s16+$0xFFFF0FE0] =	vst v0  }
0x33: {  	[tilespmem:s16+$0xFFFF0FD0] =	vst v0  }
0x34: {  	[tilespmem:s16+$0xFFFEE7E0] =	vst v0  }
0x35: {  	[tilespmem:s16+$0xFFFEE7D0] =	vst v0  }
0x36: {  	[tilespmem:s16+$0xFFFFFFC0] =	vst v0  }
0x37: {  	[tilespmem:s16+$0xFFFFFFB0] =	vst v0  }
0x38: {  	[tilespmem:s16+$0xFFFFD7C0] =	vst v0  }
0x39: {  	[tilespmem:s16+$0xFFFFD7B0] =	vst v0  }
0x3a: {  	[tilespmem:s16+$0xFFFFAFC0] =	vst v0  }
0x3b: {  	[tilespmem:s16+$0xFFFFAFB0] =	vst v0  }
0x3c: {  	[tilespmem:s16+$0xFFFF87C0] =	vst v0  }
0x3d: {  	[tilespmem:s16+$0xFFFF87B0] =	vst v0  }
0x3e: {  	[tilespmem:s16+$0xFFFF5FC0] =	vst v0  }
0x3f: {  	[tilespmem:s16+$0xFFFF5FB0] =	vst v0  }
0x40: {  	[tilespmem:s16+$0xFFFF37C0] =	vst v0  }
0x41: {  	[tilespmem:s16+$0xFFFF37B0] =	vst v0  }
0x42: {  	[tilespmem:s16+$0xFFFF0FC0] =	vst v0  }
0x43: {  	[tilespmem:s16+$0xFFFF0FB0] =	vst v0  }
0x44: {  	[tilespmem:s16+$0xFFFEE7C0] =	vst v0  }
0x45: {  	[tilespmem:s16+$0xFFFEE7B0] =	vst v0  }
0x46: {  	[tilespmem:s16+$0xFFFFFFA0] =	vst v0  }
0x47: {  	[tilespmem:s16+$0xFFFFFF90] =	vst v0  }
0x48: {  	[tilespmem:s16+$0xFFFFD7A0] =	vst v0  }
0x49: {  	[tilespmem:s16+$0xFFFFD790] =	vst v0  }
0x4a: {  	[tilespmem:s16+$0xFFFFAFA0] =	vst v0  }
0x4b: {  	[tilespmem:s16+$0xFFFFAF90] =	vst v0  }
0x4c: {  	[tilespmem:s16+$0xFFFF87A0] =	vst v0  }
0x4d: {  	[tilespmem:s16+$0xFFFF8790] =	vst v0  }
0x4e: {  	[tilespmem:s16+$0xFFFF5FA0] =	vst v0  }
0x4f: {  	[tilespmem:s16+$0xFFFF5F90] =	vst v0  }
0x50: {  	[tilespmem:s16+$0xFFFF37A0] =	vst v0  }
0x51: {  	[tilespmem:s16+$0xFFFF3790] =	vst v0  }
0x52: {  	[tilespmem:s16+$0xFFFF0FA0] =	vst v0  }
0x53: {  	s17 =	simm.s32 $0x0;
	[tilespmem:s16+$0xFFFF0F90] =	vst v0  }
.LBB2_2:
0x54: {  	s17 =	sadd.s32 $0x80, s17;
	[tilespmem:s16+$0xFFFEE7A0] =	vst v0;
	s16 =	sadd.s32 $0x80, s16  }
0x55: {  	[tilespmem:s16+$0xFFFEE790] =	vst v0;
	p0 =	slt.u32 s17, $0x2780  }
0x56: {  	[tilespmem:s16+$0x0] =	vst v0  }
0x57: {  	[tilespmem:s16+$0xFFFFFFF0] =	vst v0  }
0x58: {  	[tilespmem:s16+$0xFFFFD800] =	vst v0  }
0x59: {  	[tilespmem:s16+$0xFFFFD7F0] =	vst v0  }
0x5a: {  	[tilespmem:s16+$0xFFFFB000] =	vst v0  }
0x5b: {  	[tilespmem:s16+$0xFFFFAFF0] =	vst v0  }
0x5c: {  	[tilespmem:s16+$0xFFFF8800] =	vst v0  }
0x5d: {  	[tilespmem:s16+$0xFFFF87F0] =	vst v0  }
0x5e: {  	[tilespmem:s16+$0xFFFF6000] =	vst v0  }
0x5f: {  	[tilespmem:s16+$0xFFFF5FF0] =	vst v0  }
0x60: {  	[tilespmem:s16+$0xFFFF3800] =	vst v0  }
0x61: {  	[tilespmem:s16+$0xFFFF37F0] =	vst v0  }
0x62: {  	[tilespmem:s16+$0xFFFF1000] =	vst v0  }
0x63: {  	[tilespmem:s16+$0xFFFF0FF0] =	vst v0  }
0x64: {  	[tilespmem:s16+$0xFFFEE800] =	vst v0  }
0x65: {  	[tilespmem:s16+$0xFFFEE7F0] =	vst v0  }
0x66: {  	[tilespmem:s16+$0xFFFFFFE0] =	vst v0  }
0x67: {  	[tilespmem:s16+$0xFFFFFFD0] =	vst v0  }
0x68: {  	[tilespmem:s16+$0xFFFFD7E0] =	vst v0  }
0x69: {  	[tilespmem:s16+$0xFFFFD7D0] =	vst v0  }
0x6a: {  	[tilespmem:s16+$0xFFFFAFE0] =	vst v0  }
0x6b: {  	[tilespmem:s16+$0xFFFFAFD0] =	vst v0  }
0x6c: {  	[tilespmem:s16+$0xFFFF87E0] =	vst v0  }
0x6d: {  	[tilespmem:s16+$0xFFFF87D0] =	vst v0  }
0x6e: {  	[tilespmem:s16+$0xFFFF5FE0] =	vst v0  }
0x6f: {  	[tilespmem:s16+$0xFFFF5FD0] =	vst v0  }
0x70: {  	[tilespmem:s16+$0xFFFF37E0] =	vst v0  }
0x71: {  	[tilespmem:s16+$0xFFFF37D0] =	vst v0  }
0x72: {  	[tilespmem:s16+$0xFFFF0FE0] =	vst v0  }
0x73: {  	[tilespmem:s16+$0xFFFF0FD0] =	vst v0  }
0x74: {  	[tilespmem:s16+$0xFFFEE7E0] =	vst v0  }
0x75: {  	[tilespmem:s16+$0xFFFEE7D0] =	vst v0  }
0x76: {  	[tilespmem:s16+$0xFFFFFFC0] =	vst v0  }
0x77: {  	[tilespmem:s16+$0xFFFFFFB0] =	vst v0  }
0x78: {  	[tilespmem:s16+$0xFFFFD7C0] =	vst v0  }
0x79: {  	[tilespmem:s16+$0xFFFFD7B0] =	vst v0  }
0x7a: {  	[tilespmem:s16+$0xFFFFAFC0] =	vst v0  }
0x7b: {  	[tilespmem:s16+$0xFFFFAFB0] =	vst v0  }
0x7c: {  	[tilespmem:s16+$0xFFFF87C0] =	vst v0  }
0x7d: {  	[tilespmem:s16+$0xFFFF87B0] =	vst v0  }
0x7e: {  	[tilespmem:s16+$0xFFFF5FC0] =	vst v0  }
0x7f: {  	[tilespmem:s16+$0xFFFF5FB0] =	vst v0  }
0x80: {  	[tilespmem:s16+$0xFFFF37C0] =	vst v0  }
0x81: {  	[tilespmem:s16+$0xFFFF37B0] =	vst v0  }
0x82: {  	[tilespmem:s16+$0xFFFF0FC0] =	vst v0  }
0x83: {  	[tilespmem:s16+$0xFFFF0FB0] =	vst v0  }
0x84: {  	[tilespmem:s16+$0xFFFEE7C0] =	vst v0  }
0x85: {  	[tilespmem:s16+$0xFFFEE7B0] =	vst v0  }
0x86: {  	[tilespmem:s16+$0xFFFFFFA0] =	vst v0  }
0x87: {  	[tilespmem:s16+$0xFFFFFF90] =	vst v0  }
0x88: {  	[tilespmem:s16+$0xFFFFD7A0] =	vst v0  }
0x89: {  	[tilespmem:s16+$0xFFFFD790] =	vst v0  }
0x8a: {  	[tilespmem:s16+$0xFFFFAFA0] =	vst v0  }
0x8b: {  	[tilespmem:s16+$0xFFFFAF90] =	vst v0  }
0x8c: {  	[tilespmem:s16+$0xFFFF87A0] =	vst v0  }
0x8d: {  	[tilespmem:s16+$0xFFFF8790] =	vst v0  }
0x8e: {  	[tilespmem:s16+$0xFFFF5FA0] =	vst v0  }
.Ltmp2:
0x8f: {  	[tilespmem:s16+$0xFFFF5F90] =	vst v0;
	(pc) =	sbr.rel @p0 .LBB2_2-.Ltmp2, $4  }
0x90: {  	[tilespmem:s16+$0xFFFF37A0] =	vst v0  }
0x91: {  	[tilespmem:s16+$0xFFFF3790] =	vst v0  }
0x92: {  	[tilespmem:s16+$0xFFFF0FA0] =	vst v0  }
0x93: {  	[tilespmem:s16+$0xFFFF0F90] =	vst v0  }
0x94: {  	[tilespmem:s16+$0xFFFEE7A0] =	vst v0  }
0x95: {  	_ =	swait.ge [sflag:s8], $0xA000  }
0x96: {  	[sflag:s8] =	ssyncset.done $0x0  }
0x97: {  	s16 =	simm.s32 $0x0;
	[sflag:s8] =	ssyncadd.s32 $0xFFFF6000  }
0x98: {  	[tilespmem:s9], [sflag:$0x1] =	stream.linear.gather [hbm4b:s3+s16], $0xC80, $0x38;
	[tilespmem:$0x1F900] =	vst v63  }
0x99: {  	_ = 	snop  }
0x9a: {  	[tilespmem:s10], [sflag:$0x2] =	stream.linear.gather [hbm4b:s5+s16], $0xC80, $0x38;
	[tilespmem:$0x1F900] =	vst v63  }
.LBB2_4:
0x9b: {  	_ =	swait.ge [sflag:s11], $0xC80  }
0x9c: {  	[sflag:s11] =	ssyncset.done $0x0  }
0x9d: {  	s17 =	simm.s32 $0x1E670;
	[sflag:s11] =	ssyncadd.s32 $0xFFFFF380  }
0x9e: {  	v1 =	vld [tilespmem:s17+$0xFFFFF9C0];
	_ =	sdelay $0x3  }
0x9f: {  	v4 =	vld [tilespmem:s17+$0xFFFFF990]  }
0xa0: {  	v5 =	vand.u32 $0x3FFF, v1  }
0xa1: {  	v6 =	vld [tilespmem:s17+$0xFFFFF9A0];
	_ =	sdelay $0x2  }
0xa2: {  	v7 =	vld [tilespmem:s17+$0xFFFFF9B0];
	v8 =	vand.u32 $0x3FFF, v4  }
0xa3: {  	v9 =	vld.idx.msk [tilespmem:v5+s2+$0x0], $0xffff  }
0xa4: {  	v18 =	vld [tilespmem:s17+$0x0];
	v10 =	vand.u32 $0x3FFF, v6  }
0xa5: {  	v1 =	vshrl.u32 v1, $0xE  }
0xa6: {  	v3 =	vld [tilespmem:s17+$0xFFFFFFD0];
	v19 =	vand.u32 $0x3FFF, v1  }
0xa7: {  	v12 =	vadd.s32 $0x2800, v19;
	v11 =	vld.idx.msk [tilespmem:v8+s2+$0x0], $0xffff  }
0xa8: {  	v2 =	vld [tilespmem:s17+$0xFFFFFFE0];
	v20 =	vand.u32 $0x3FFF, v7;
	v13 =	vadd.s32 $0x2800, v5;
	v1 =	vunpack.i.l.bf16.f32 v9  }
0xa9: {  	v4 =	vshrl.u32 v4, $0xE;
	v14 =	vld.idx.msk [tilespmem:v10+s2+$0x0], $0xffff;
	v9 =	vunpack.i.u.bf16.f32 v9;
	v15 =	vmul.f32 v1, v18  }
0xaa: {  	v4 =	vand.u32 $0x3FFF, v4;
	v1 =	vld [tilespmem:s17+$0xFFFFFFF0];
	v9 =	vmul.f32 v9, v18  }
0xab: {  	v6 =	vshrl.u32 v6, $0xE;
	v16 =	vadd.s32 $0x2800, v4;
	[tilespmem:v19+s12+$0x0] =	vst.idx.add.f32.msk $0xffff, v15  }
0xac: {  	v21 =	vand.u32 $0x3FFF, v6;
	v6 =	vunpack.i.l.bf16.f32 v11;
	[tilespmem:v12+s12+$0x0] =	vst.idx.add.f32.msk $0xffff, v9  }
0xad: {  	v11 =	vunpack.i.u.bf16.f32 v11;
	v6 =	vmul.f32 v6, v3;
	v9 =	vadd.s32 $0x2800, v21;
	v12 =	vld.idx.msk [tilespmem:v13+s2+$0x0], $0xffff  }
0xae: {  	v17 =	vunpack.i.l.bf16.f32 v14;
	v11 =	vmul.f32 v11, v3;
	v15 =	vld.idx.msk [tilespmem:v20+s2+$0x0], $0xffff;
	v13 =	vadd.s32 $0x2800, v8  }
0xaf: {  	v22 =	vadd.s32 $0x2800, v10;
	v14 =	vunpack.i.u.bf16.f32 v14;
	v17 =	vmul.f32 v17, v2;
	[tilespmem:v4+s12+$0x0] =	vst.idx.add.f32.msk $0xffff, v6  }
0xb0: {  	v6 =	vmul.f32 v14, v2;
	[tilespmem:v16+s12+$0x0] =	vst.idx.add.f32.msk $0xffff, v11;
	v11 =	vadd.s32 $0x5000, v19  }
0xb1: {  	[tilespmem:v21+s12+$0x0] =	vst.idx.add.f32.msk $0xffff, v17;
	v14 =	vadd.s32 $0x7800, v19  }
0xb2: {  	v7 =	vshrl.u32 v7, $0xE;
	[tilespmem:v9+s12+$0x0] =	vst.idx.add.f32.msk $0xffff, v6;
	v9 =	vadd.s32 $0x5000, v5;
	v6 =	vunpack.i.l.bf16.f32 v12  }
0xb3: {  	v7 =	vand.u32 $0x3FFF, v7;
	v13 =	vld.idx.msk [tilespmem:v13+s2+$0x0], $0xffff;
	v12 =	vunpack.i.u.bf16.f32 v12;
	v6 =	vmul.f32 v6, v18  }
0xb4: {  	v16 =	vadd.s32 $0x2800, v7;
	v17 =	vld.idx.msk [tilespmem:v22+s2+$0x0], $0xffff;
	v12 =	vmul.f32 v12, v18  }
0xb5: {  	v23 =	vunpack.i.l.bf16.f32 v15;
	v22 =	vadd.s32 $0x2800, v20;
	[tilespmem:v11+s12+$0x0] =	vst.idx.add.f32.msk $0xffff, v6  }
0xb6: {  	v6 =	vadd.s32 $0x5000, v4;
	v11 =	vunpack.i.u.bf16.f32 v15;
	v15 =	vmul.f32 v23, v1;
	[tilespmem:v14+s12+$0x0] =	vst.idx.add.f32.msk $0xffff, v12  }
0xb7: {  	v12 =	vadd.s32 $0x7800, v4;
	v11 =	vmul.f32 v11, v1;
	v9 =	vld.idx.msk [tilespmem:v9+s2+$0x0], $0xffff  }
0xb8: {  	v14 =	vadd.s32 $0x5000, v21;
	[tilespmem:v7+s12+$0x0] =	vst.idx.add.f32.msk $0xffff, v15;
	v15 =	vunpack.i.l.bf16.f32 v13  }
0xb9: {  	v23 =	vadd.s32 $0x7800, v21;
	[tilespmem:v16+s12+$0x0] =	vst.idx.add.f32.msk $0xffff, v11;
	v11 =	vunpack.i.u.bf16.f32 v13;
	v13 =	vmul.f32 v15, v3  }
0xba: {  	v16 =	vunpack.i.l.bf16.f32 v17;
	v15 =	vld.idx.msk [tilespmem:v22+s2+$0x0], $0xffff;
	v11 =	vmul.f32 v11, v3;
	v22 =	vadd.s32 $0xA000, v19  }
0xbb: {  	v17 =	vunpack.i.u.bf16.f32 v17;
	v16 =	vmul.f32 v16, v2;
	[tilespmem:v6+s12+$0x0] =	vst.idx.add.f32.msk $0xffff, v13;
	v6 =	vadd.s32 $0xC800, v19  }
0xbc: {  	v5 =	vadd.s32 $0x7800, v5;
	v13 =	vmul.f32 v17, v2;
	[tilespmem:v12+s12+$0x0] =	vst.idx.add.f32.msk $0xffff, v11;
	v11 =	vunpack.i.l.bf16.f32 v9  }
0xbd: {  	v12 =	vadd.s32 $0x5000, v7;
	[tilespmem:v14+s12+$0x0] =	vst.idx.add.f32.msk $0xffff, v16;
	v9 =	vunpack.i.u.bf16.f32 v9;
	v11 =	vmul.f32 v11, v18  }
0xbe: {  	[tilespmem:v23+s12+$0x0] =	vst.idx.add.f32.msk $0xffff, v13;
	v23 =	vadd.s32 $0x5000, v8;
	v9 =	vmul.f32 v9, v18  }
0xbf: {  	v14 =	vadd.s32 $0x7800, v7;
	v13 =	vunpack.i.l.bf16.f32 v15;
	[tilespmem:v22+s12+$0x0] =	vst.idx.add.f32.msk $0xffff, v11  }
0xc0: {  	v22 =	vadd.s32 $0x5000, v10;
	v13 =	vmul.f32 v13, v1;
	[tilespmem:v6+s12+$0x0] =	vst.idx.add.f32.msk $0xffff, v9  }
0xc1: {  	v11 =	vunpack.i.u.bf16.f32 v15;
	v6 =	vadd.s32 $0x5000, v20;
	v24 =	vld.idx.msk [tilespmem:v5+s2+$0x0], $0xffff  }
0xc2: {  	v25 =	vadd.s32 $0xA000, v4;
	v9 =	vmul.f32 v11, v1;
	[tilespmem:v12+s12+$0x0] =	vst.idx.add.f32.msk $0xffff, v13  }
0xc3: {  	v17 =	vadd.s32 $0xC800, v21;
	v16 =	vadd.s32 $0xC800, v4;
	v15 =	vadd.s32 $0xA000, v21;
	v23 =	vld.idx.msk [tilespmem:v23+s2+$0x0], $0xffff  }
0xc4: {  	v11 =	vadd.s32 $0x7800, v10;
	v10 =	vadd.s32 $0x7800, v20;
	v12 =	vadd.s32 $0xC800, v7;
	[tilespmem:v14+s12+$0x0] =	vst.idx.add.f32.msk $0xffff, v9  }
0xc5: {  	v13 =	vadd.s32 $0x7800, v8;
	v8 =	vadd.s32 $0xF000, v4;
	v20 =	vld.idx.msk [tilespmem:v22+s2+$0x0], $0xffff;
	v22 =	vadd.s32 $0xF000, v19  }
0xc6: {  	v5 =	vadd.s32 $0xF000, v7;
	v9 =	vadd.s32 $0x11800, v4;
	v19 =	vadd.s32 $0x11800, v19;
	v26 =	vld.idx.msk [tilespmem:v6+s2+$0x0], $0xffff  }
0xc7: {  	v4 =	vadd.s32 $0x11800, v21;
	v6 =	vadd.s32 $0xF000, v21;
	v21 =	vunpack.i.l.bf16.f32 v24  }
0xc8: {  	v14 =	vadd.s32 $0xA000, v7;
	v24 =	vunpack.i.u.bf16.f32 v24;
	v21 =	vmul.f32 v21, v18  }
0xc9: {  	v7 =	vadd.s32 $0x11800, v7;
	v62 =	vunpack.i.l.bf16.f32 v23;
	v18 =	vmul.f32 v24, v18  }
0xca: {  	v23 =	vunpack.i.u.bf16.f32 v23;
	[tilespmem:v22+s12+$0x0] =	vst.idx.add.f32.msk $0xffff, v21;
	v22 =	vmul.f32 v62, v3;
	v63 =	vunpack.i.u.bf16.f32 v20  }
0xcb: {  	v27 =	vunpack.i.l.bf16.f32 v20;
	v20 =	vmul.f32 v23, v3;
	[tilespmem:v19+s12+$0x0] =	vst.idx.add.f32.msk $0xffff, v18;
	v19 =	vunpack.i.u.bf16.f32 v26  }
0xcc: {  	s18 =	simm.s32 $0x1E6B0;
	s17 =	simm.s32 $0x0;
	v21 =	vunpack.i.l.bf16.f32 v26;
	v18 =	vmul.f32 v63, v2;
	[tilespmem:v25+s12+$0x0] =	vst.idx.add.f32.msk $0xffff, v22;
	v22 =	vmul.f32 v27, v2  }
.LBB2_5:
0xcd: {  	v24 =	vld [tilespmem:s18+$0xFFFFF9C0];
	v29 =	vmul.f32 v21, v1;
	v30 =	vmul.f32 v19, v1  }
0xce: {  	v19 =	vld [tilespmem:s18+$0xFFFFF9A0]  }
0xcf: {  	v23 =	vld [tilespmem:s18+$0xFFFFF9B0]  }
0xd0: {  	v25 =	vld [tilespmem:s18+$0xFFFFF990]  }
0xd1: {  	s17 =	sadd.s32 $0x40, s17;
	v31 =	vld [tilespmem:s18+$0xFFFFFFD0]  }
0xd2: {  	p0 =	slt.u32 s17, $0x600;
	v32 =	vld [tilespmem:s18+$0xFFFFFFE0];
	v21 =	vand.u32 $0x3FFF, v24  }
0xd3: {  	v26 =	vshrl.u32 v19, $0xE;
	v33 =	vand.u32 $0x3FFF, v19;
	v19 =	vld [tilespmem:s18+$0xFFFFFFF0]  }
0xd4: {  	v34 =	vand.u32 $0x3FFF, v26;
	v26 =	vshrl.u32 v23, $0xE;
	v35 =	vand.u32 $0x3FFF, v23;
	[tilespmem:v16+s12+$0x0] =	vst.idx.add.f32.msk $0xffff, v20  }
0xd5: {  	v16 =	vshrl.u32 v25, $0xE;
	v36 =	vand.u32 $0x3FFF, v25;
	v37 =	vand.u32 $0x3FFF, v26;
	[tilespmem:v15+s12+$0x0] =	vst.idx.add.f32.msk $0xffff, v22  }
0xd6: {  	v39 =	vadd.s32 $0x2800, v34;
	v38 =	vand.u32 $0x3FFF, v16;
	v40 =	vadd.s32 $0x2800, v37;
	[tilespmem:v17+s12+$0x0] =	vst.idx.add.f32.msk $0xffff, v18  }
0xd7: {  	v43 =	vadd.s32 $0x2800, v33;
	v42 =	vadd.s32 $0x2800, v36;
	v41 =	vadd.s32 $0x2800, v38;
	v17 =	vld.idx.msk [tilespmem:v21+s2+$0x0], $0xffff  }
0xd8: {  	v47 =	vadd.s32 $0x2800, v35;
	v44 =	vadd.s32 $0x5000, v38;
	v45 =	vadd.s32 $0x7800, v38;
	v46 =	vld.idx.msk [tilespmem:v33+s2+$0x0], $0xffff  }
0xd9: {  	v48 =	vadd.s32 $0x5000, v34;
	v28 =	vadd.s32 $0x7800, v34;
	v23 =	vadd.s32 $0x5000, v37;
	v20 =	vld [tilespmem:s18+$0x0]  }
0xda: {  	v15 =	vshrl.u32 v24, $0xE;
	v22 =	vadd.s32 $0x5000, v36;
	v27 =	vadd.s32 $0x7800, v37;
	v49 =	vld.idx.msk [tilespmem:v36+s2+$0x0], $0xffff  }
0xdb: {  	v26 =	vadd.s32 $0x5000, v33;
	v24 =	vadd.s32 $0x5000, v35;
	v25 =	vand.u32 $0x3FFF, v15;
	v50 =	vld.idx.msk [tilespmem:v35+s2+$0x0], $0xffff  }
0xdc: {  	v18 =	vadd.s32 $0xA000, v38;
	v16 =	vadd.s32 $0xC800, v38;
	v51 =	vadd.s32 $0x2800, v25;
	[tilespmem:v14+s12+$0x0] =	vst.idx.add.f32.msk $0xffff, v29  }
0xdd: {  	v15 =	vadd.s32 $0xA000, v34;
	v14 =	vunpack.i.l.bf16.f32 v17;
	v29 =	vadd.s32 $0x2800, v21;
	[tilespmem:v12+s12+$0x0] =	vst.idx.add.f32.msk $0xffff, v30  }
0xde: {  	v17 =	vunpack.i.u.bf16.f32 v17;
	v12 =	vunpack.i.u.bf16.f32 v46;
	v14 =	vmul.f32 v14, v20;
	v30 =	vld.idx.msk [tilespmem:v13+s2+$0x0], $0xffff  }
0xdf: {  	v13 =	vunpack.i.l.bf16.f32 v46;
	v46 =	vmul.f32 v12, v32;
	v12 =	vmul.f32 v17, v20;
	v52 =	vld.idx.msk [tilespmem:v11+s2+$0x0], $0xffff  }
0xe0: {  	v11 =	vunpack.i.u.bf16.f32 v49;
	v17 =	vunpack.i.l.bf16.f32 v49;
	v49 =	vmul.f32 v13, v32;
	[tilespmem:v25+s12+$0x0] =	vst.idx.add.f32.msk $0xffff, v14  }
0xe1: {  	v13 =	vmul.f32 v17, v31;
	v14 =	vunpack.i.u.bf16.f32 v50;
	v50 =	vunpack.i.l.bf16.f32 v50;
	[tilespmem:v51+s12+$0x0] =	vst.idx.add.f32.msk $0xffff, v12  }
0xe2: {  	v11 =	vmul.f32 v11, v31;
	v17 =	vadd.s32 $0xC800, v34;
	v50 =	vmul.f32 v50, v19;
	v29 =	vld.idx.msk [tilespmem:v29+s2+$0x0], $0xffff  }
0xe3: {  	v51 =	vmul.f32 v14, v19;
	v14 =	vadd.s32 $0xA000, v37;
	v12 =	vadd.s32 $0xC800, v37;
	[tilespmem:v38+s12+$0x0] =	vst.idx.add.f32.msk $0xffff, v13  }
0xe4: {  	v13 =	vadd.s32 $0x7800, v36;
	[tilespmem:v41+s12+$0x0] =	vst.idx.add.f32.msk $0xffff, v11;
	v11 =	vadd.s32 $0x7800, v33;
	v33 =	vadd.s32 $0x7800, v35  }
0xe5: {  	v35 =	vunpack.i.u.bf16.f32 v30;
	v30 =	vunpack.i.l.bf16.f32 v30;
	v36 =	vunpack.i.u.bf16.f32 v52;
	[tilespmem:v34+s12+$0x0] =	vst.idx.add.f32.msk $0xffff, v49  }
0xe6: {  	v41 =	vunpack.i.l.bf16.f32 v52;
	v30 =	vmul.f32 v30, v3;
	[tilespmem:v39+s12+$0x0] =	vst.idx.add.f32.msk $0xffff, v46;
	v39 =	vadd.s32 $0x5000, v25  }
0xe7: {  	v35 =	vmul.f32 v35, v3;
	v41 =	vmul.f32 v41, v2;
	v46 =	vadd.s32 $0x7800, v25;
	[tilespmem:v37+s12+$0x0] =	vst.idx.add.f32.msk $0xffff, v50  }
0xe8: {  	v49 =	vadd.s32 $0x5000, v21;
	v36 =	vmul.f32 v36, v2;
	v3 =	vmovc v31;
	[tilespmem:v40+s12+$0x0] =	vst.idx.add.f32.msk $0xffff, v51;
	v40 =	vunpack.i.l.bf16.f32 v29  }
0xe9: {  	v2 =	vmovc v32;
	v29 =	vunpack.i.u.bf16.f32 v29;
	v31 =	vld.idx.msk [tilespmem:v42+s2+$0x0], $0xffff;
	v42 =	vadd.s32 $0xF000, v38;
	v40 =	vmul.f32 v40, v20  }
0xea: {  	v32 =	vadd.s32 $0x11800, v38;
	v29 =	vmul.f32 v29, v20;
	v38 =	vld.idx.msk [tilespmem:v43+s2+$0x0], $0xffff;
	v43 =	vadd.s32 $0xF000, v34  }
0xeb: {  	v50 =	vadd.s32 $0xF000, v37;
	v37 =	vadd.s32 $0x11800, v37;
	v34 =	vadd.s32 $0x11800, v34;
	[tilespmem:v39+s12+$0x0] =	vst.idx.add.f32.msk $0xffff, v40  }
0xec: {  	[tilespmem:v46+s12+$0x0] =	vst.idx.add.f32.msk $0xffff, v29  }
0xed: {  	v29 =	vld.idx.msk [tilespmem:v49+s2+$0x0], $0xffff  }
0xee: {  	v39 =	vld.idx.msk [tilespmem:v47+s2+$0x0], $0xffff  }
0xef: {  	v40 =	vunpack.i.u.bf16.f32 v31;
	v31 =	vunpack.i.l.bf16.f32 v31;
	v46 =	vld.idx.msk [tilespmem:v10+s2+$0x0], $0xffff;
	v10 =	vmov v33  }
0xf0: {  	v31 =	vmul.f32 v31, v3;
	v33 =	vunpack.i.u.bf16.f32 v38;
	v38 =	vunpack.i.l.bf16.f32 v38;
	[tilespmem:v8+s12+$0x0] =	vst.idx.add.f32.msk $0xffff, v30;
	v8 =	vmovc v42  }
0xf1: {  	v30 =	vmul.f32 v40, v3;
	v38 =	vmul.f32 v38, v2;
	v40 =	vadd.s32 $0xA000, v25;
	[tilespmem:v9+s12+$0x0] =	vst.idx.add.f32.msk $0xffff, v35  }
0xf2: {  	v9 =	vmov v32;
	[tilespmem:v44+s12+$0x0] =	vst.idx.add.f32.msk $0xffff, v31;
	v31 =	vmul.f32 v33, v2;
	v33 =	vadd.s32 $0xC800, v25  }
0xf3: {  	v21 =	vadd.s32 $0x7800, v21;
	[tilespmem:v45+s12+$0x0] =	vst.idx.add.f32.msk $0xffff, v30;
	v30 =	vunpack.i.l.bf16.f32 v29  }
0xf4: {  	v32 =	vunpack.i.u.bf16.f32 v39;
	v29 =	vunpack.i.u.bf16.f32 v29;
	[tilespmem:v48+s12+$0x0] =	vst.idx.add.f32.msk $0xffff, v38;
	v30 =	vmul.f32 v30, v20  }
0xf5: {  	v29 =	vmul.f32 v29, v20;
	[tilespmem:v28+s12+$0x0] =	vst.idx.add.f32.msk $0xffff, v31;
	v28 =	vunpack.i.l.bf16.f32 v39;
	v31 =	vmul.f32 v32, v19  }
0xf6: {  	v32 =	vunpack.i.l.bf16.f32 v46;
	v28 =	vmul.f32 v28, v19;
	[tilespmem:v40+s12+$0x0] =	vst.idx.add.f32.msk $0xffff, v30;
	v30 =	vunpack.i.u.bf16.f32 v46  }
0xf7: {  	[tilespmem:v33+s12+$0x0] =	vst.idx.add.f32.msk $0xffff, v29;
	v29 =	vmul.f32 v32, v1;
	v30 =	vmul.f32 v30, v1;
	v1 =	vmov v19  }
0xf8: {  	v19 =	vld.idx.msk [tilespmem:v21+s2+$0x0], $0xffff  }
0xf9: {  	[tilespmem:v23+s12+$0x0] =	vst.idx.add.f32.msk $0xffff, v28  }
0xfa: {  	[tilespmem:v27+s12+$0x0] =	vst.idx.add.f32.msk $0xffff, v31  }
0xfb: {  	v21 =	vld.idx.msk [tilespmem:v22+s2+$0x0], $0xffff  }
0xfc: {  	v23 =	vadd.s32 $0xF000, v25;
	v22 =	vld.idx.msk [tilespmem:v26+s2+$0x0], $0xffff  }
0xfd: {  	v25 =	vadd.s32 $0x11800, v25;
	v24 =	vld.idx.msk [tilespmem:v24+s2+$0x0], $0xffff  }
0xfe: {  	v26 =	vunpack.i.l.bf16.f32 v19;
	[tilespmem:v6+s12+$0x0] =	vst.idx.add.f32.msk $0xffff, v41;
	v6 =	vmov v43  }
0xff: {  	v19 =	vunpack.i.u.bf16.f32 v19;
	v26 =	vmul.f32 v26, v20;
	[tilespmem:v4+s12+$0x0] =	vst.idx.add.f32.msk $0xffff, v36;
	v4 =	vmov v34  }
.Ltmp3:
0x100: {  	v19 =	vmul.f32 v19, v20;
	[tilespmem:v5+s12+$0x0] =	vst.idx.add.f32.msk $0xffff, v29;
	v5 =	vmov v50;
	(pc) =	sbr.rel @p0 .LBB2_5-.Ltmp3, $4  }
0x101: {  	v20 =	vunpack.i.u.bf16.f32 v21;
	v21 =	vunpack.i.l.bf16.f32 v21;
	[tilespmem:v23+s12+$0x0] =	vst.idx.add.f32.msk $0xffff, v26  }
0x102: {  	v23 =	vmul.f32 v21, v3;
	v26 =	vunpack.i.u.bf16.f32 v22;
	v22 =	vunpack.i.l.bf16.f32 v22;
	[tilespmem:v25+s12+$0x0] =	vst.idx.add.f32.msk $0xffff, v19  }
0x103: {  	v20 =	vmul.f32 v20, v3;
	v19 =	vunpack.i.u.bf16.f32 v24;
	v21 =	vunpack.i.l.bf16.f32 v24;
	[tilespmem:v7+s12+$0x0] =	vst.idx.add.f32.msk $0xffff, v30;
	v7 =	vmovc v37  }
0x104: {  	s18 =	sadd.s32 $0x40, s18;
	v22 =	vmul.f32 v22, v2;
	[tilespmem:v18+s12+$0x0] =	vst.idx.add.f32.msk $0xffff, v23;
	v18 =	vmul.f32 v26, v2  }
0x105: {  	_ =	sdelay $0x3  }
0x106: {  	[tilespmem:v16+s12+$0x0] =	vst.idx.add.f32.msk $0xffff, v20  }
0x107: {  	[tilespmem:v15+s12+$0x0] =	vst.idx.add.f32.msk $0xffff, v22  }
0x108: {  	v15 =	vmul.f32 v21, v1;
	v13 =	vld.idx.msk [tilespmem:v13+s2+$0x0], $0xffff  }
0x109: {  	[tilespmem:v17+s12+$0x0] =	vst.idx.add.f32.msk $0xffff, v18  }
0x10a: {  	v16 =	vmul.f32 v19, v1;
	[tilespmem:v14+s12+$0x0] =	vst.idx.add.f32.msk $0xffff, v15  }
0x10b: {  	v11 =	vld.idx.msk [tilespmem:v11+s2+$0x0], $0xffff  }
0x10c: {  	[tilespmem:v12+s12+$0x0] =	vst.idx.add.f32.msk $0xffff, v16  }
0x10d: {  	v10 =	vld.idx.msk [tilespmem:v10+s2+$0x0], $0xffff  }
0x10e: {  	v12 =	vunpack.i.l.bf16.f32 v13  }
0x10f: {  	v13 =	vunpack.i.u.bf16.f32 v13;
	v12 =	vmul.f32 v12, v3  }
0x110: {  	v3 =	vmul.f32 v13, v3;
	v14 =	vunpack.i.l.bf16.f32 v11  }
0x111: {  	p0 =	seq.s32 s16, $0x31;
	v11 =	vunpack.i.u.bf16.f32 v11;
	v13 =	vmul.f32 v14, v2;
	[tilespmem:v8+s12+$0x0] =	vst.idx.add.f32.msk $0xffff, v12  }
0x112: {  	s17 =	smul.u32 @!p0 $0x1900, s16;
	v2 =	vmul.f32 v11, v2;
	[tilespmem:v9+s12+$0x0] =	vst.idx.add.f32.msk $0xffff, v3;
	v3 =	vunpack.i.l.bf16.f32 v10  }
0x113: {  	v8 =	vunpack.i.u.bf16.f32 v10;
	v3 =	vmul.f32 v3, v1;
	[tilespmem:v6+s12+$0x0] =	vst.idx.add.f32.msk $0xffff, v13  }
0x114: {  	s17 =	sshrl.u32 @!p0 s17, $0x3;
	v1 =	vmul.f32 v8, v1;
	[tilespmem:v4+s12+$0x0] =	vst.idx.add.f32.msk $0xffff, v2  }
0x115: {  	s17 =	sadd.s32 @!p0 s3, s17;
	[tilespmem:v5+s12+$0x0] =	vst.idx.add.f32.msk $0xffff, v3  }
0x116: {  	s18 =	simm.s32 @!p0 $0x0;
	s19 =	simm.s32 @!p0 $0x1E000;
	s17 =	sadd.s32 @!p0 $0x320, s17;
	[tilespmem:v7+s12+$0x0] =	vst.idx.add.f32.msk $0xffff, v1  }
0x117: {  	[tilespmem:s19], [sflag:$0x1] =	stream.linear.gather @!p0 [hbm4b:s17+s18], $0xC80, $0x38;
	[tilespmem:$0x1F900] =	vst v63  }
0x118: {  	_ =	swait.ge [sflag:s13], $0xC80  }
0x119: {  	[sflag:s13] =	ssyncset.done $0x0  }
0x11a: {  	s31 =	simm.s32 $0x1F2F0;
	[sflag:s13] =	ssyncadd.s32 $0xFFFFF380  }
0x11b: {  	v1 =	vld [tilespmem:s31+$0xFFFFF9C0];
	_ =	sdelay $0x3  }
0x11c: {  	v4 =	vld [tilespmem:s31+$0xFFFFF990]  }
0x11d: {  	v5 =	vand.u32 $0x3FFF, v1  }
0x11e: {  	v6 =	vld [tilespmem:s31+$0xFFFFF9A0]  }
0x11f: {  	v7 =	vld [tilespmem:s31+$0xFFFFF9B0];
	_ =	sdelay $0x1  }
0x120: {  	v8 =	vand.u32 $0x3FFF, v4  }
0x121: {  	v9 =	vld.idx.msk [tilespmem:v5+s2+$0x0], $0xffff  }
0x122: {  	v18 =	vld [tilespmem:s31+$0x0];
	v10 =	vand.u32 $0x3FFF, v6  }
0x123: {  	v1 =	vshrl.u32 v1, $0xE;
	v20 =	vand.u32 $0x3FFF, v7  }
0x124: {  	v2 =	vld [tilespmem:s31+$0xFFFFFFD0];
	v19 =	vand.u32 $0x3FFF, v1  }
0x125: {  	v12 =	vadd.s32 $0x2800, v19;
	v11 =	vld.idx.msk [tilespmem:v8+s2+$0x0], $0xffff  }
0x126: {  	v3 =	vld [tilespmem:s31+$0xFFFFFFE0];
	v13 =	vadd.s32 $0x2800, v5;
	v1 =	vunpack.i.l.bf16.f32 v9  }
0x127: {  	v4 =	vshrl.u32 v4, $0xE;
	v14 =	vld.idx.msk [tilespmem:v10+s2+$0x0], $0xffff;
	v9 =	vunpack.i.u.bf16.f32 v9;
	v15 =	vmul.f32 v1, v18  }
0x128: {  	v4 =	vand.u32 $0x3FFF, v4;
	v17 =	vld.idx.msk [tilespmem:v20+s2+$0x0], $0xffff;
	v9 =	vmul.f32 v9, v18  }
0x129: {  	v6 =	vshrl.u32 v6, $0xE;
	v16 =	vadd.s32 $0x2800, v4;
	[tilespmem:v19+s12+$0x0] =	vst.idx.add.f32.msk $0xffff, v15  }
0x12a: {  	v6 =	vand.u32 $0x3FFF, v6;
	v15 =	vunpack.i.l.bf16.f32 v11;
	[tilespmem:v12+s12+$0x0] =	vst.idx.add.f32.msk $0xffff, v9  }
0x12b: {  	v11 =	vunpack.i.u.bf16.f32 v11;
	v9 =	vadd.s32 $0x2800, v6;
	v12 =	vmul.f32 v15, v2;
	v13 =	vld.idx.msk [tilespmem:v13+s2+$0x0], $0xffff  }
0x12c: {  	v21 =	vunpack.i.l.bf16.f32 v14;
	v1 =	vld [tilespmem:s31+$0xFFFFFFF0];
	v15 =	vadd.s32 $0x2800, v8;
	v11 =	vmul.f32 v11, v2  }
0x12d: {  	v22 =	vadd.s32 $0x2800, v10;
	v14 =	vunpack.i.u.bf16.f32 v14;
	v21 =	vmul.f32 v21, v3;
	[tilespmem:v4+s12+$0x0] =	vst.idx.add.f32.msk $0xffff, v12  }
0x12e: {  	v12 =	vmul.f32 v14, v3;
	[tilespmem:v16+s12+$0x0] =	vst.idx.add.f32.msk $0xffff, v11;
	v11 =	vadd.s32 $0x5000, v19  }
0x12f: {  	[tilespmem:v6+s12+$0x0] =	vst.idx.add.f32.msk $0xffff, v21;
	v14 =	vadd.s32 $0x7800, v19  }
0x130: {  	v7 =	vshrl.u32 v7, $0xE;
	[tilespmem:v9+s12+$0x0] =	vst.idx.add.f32.msk $0xffff, v12;
	v12 =	vadd.s32 $0x5000, v5;
	v9 =	vunpack.i.l.bf16.f32 v13  }
0x131: {  	v21 =	vand.u32 $0x3FFF, v7;
	v7 =	vld.idx.msk [tilespmem:v15+s2+$0x0], $0xffff;
	v13 =	vunpack.i.u.bf16.f32 v13;
	v9 =	vmul.f32 v9, v18  }
0x132: {  	v15 =	vadd.s32 $0x2800, v21;
	v16 =	vld.idx.msk [tilespmem:v22+s2+$0x0], $0xffff;
	v13 =	vmul.f32 v13, v18  }
0x133: {  	v23 =	vunpack.i.l.bf16.f32 v17;
	v22 =	vadd.s32 $0x2800, v20;
	[tilespmem:v11+s12+$0x0] =	vst.idx.add.f32.msk $0xffff, v9  }
0x134: {  	v9 =	vadd.s32 $0x5000, v4;
	v11 =	vunpack.i.u.bf16.f32 v17;
	v17 =	vmul.f32 v23, v1;
	[tilespmem:v14+s12+$0x0] =	vst.idx.add.f32.msk $0xffff, v13  }
0x135: {  	v13 =	vadd.s32 $0x7800, v4;
	v11 =	vmul.f32 v11, v1;
	v12 =	vld.idx.msk [tilespmem:v12+s2+$0x0], $0xffff  }
0x136: {  	v14 =	vadd.s32 $0x5000, v6;
	[tilespmem:v21+s12+$0x0] =	vst.idx.add.f32.msk $0xffff, v17;
	v17 =	vunpack.i.l.bf16.f32 v7  }
0x137: {  	v23 =	vadd.s32 $0x7800, v6;
	v7 =	vunpack.i.u.bf16.f32 v7;
	[tilespmem:v15+s12+$0x0] =	vst.idx.add.f32.msk $0xffff, v11;
	v11 =	vmul.f32 v17, v2  }
0x138: {  	v17 =	vunpack.i.l.bf16.f32 v16;
	v7 =	vmul.f32 v7, v2;
	v15 =	vld.idx.msk [tilespmem:v22+s2+$0x0], $0xffff;
	v22 =	vadd.s32 $0xA000, v19  }
0x139: {  	v16 =	vunpack.i.u.bf16.f32 v16;
	v17 =	vmul.f32 v17, v3;
	[tilespmem:v9+s12+$0x0] =	vst.idx.add.f32.msk $0xffff, v11;
	v9 =	vadd.s32 $0xC800, v19  }
0x13a: {  	v5 =	vadd.s32 $0x7800, v5;
	v11 =	vmul.f32 v16, v3;
	[tilespmem:v13+s12+$0x0] =	vst.idx.add.f32.msk $0xffff, v7;
	v7 =	vunpack.i.l.bf16.f32 v12  }
0x13b: {  	v13 =	vadd.s32 $0x5000, v21;
	[tilespmem:v14+s12+$0x0] =	vst.idx.add.f32.msk $0xffff, v17;
	v12 =	vunpack.i.u.bf16.f32 v12;
	v7 =	vmul.f32 v7, v18  }
0x13c: {  	[tilespmem:v23+s12+$0x0] =	vst.idx.add.f32.msk $0xffff, v11;
	v23 =	vadd.s32 $0x5000, v8;
	v11 =	vmul.f32 v12, v18  }
0x13d: {  	v14 =	vadd.s32 $0x7800, v21;
	v12 =	vunpack.i.l.bf16.f32 v15;
	[tilespmem:v22+s12+$0x0] =	vst.idx.add.f32.msk $0xffff, v7  }
0x13e: {  	v7 =	vadd.s32 $0x5000, v10;
	v12 =	vmul.f32 v12, v1;
	[tilespmem:v9+s12+$0x0] =	vst.idx.add.f32.msk $0xffff, v11  }
0x13f: {  	v15 =	vunpack.i.u.bf16.f32 v15;
	v22 =	vadd.s32 $0x5000, v20;
	v24 =	vld.idx.msk [tilespmem:v5+s2+$0x0], $0xffff  }
0x140: {  	v25 =	vadd.s32 $0xA000, v4;
	v9 =	vmul.f32 v15, v1;
	[tilespmem:v13+s12+$0x0] =	vst.idx.add.f32.msk $0xffff, v12  }
0x141: {  	v26 =	vadd.s32 $0xF000, v19;
	v16 =	vadd.s32 $0xC800, v4;
	v19 =	vadd.s32 $0x11800, v19;
	v23 =	vld.idx.msk [tilespmem:v23+s2+$0x0], $0xffff  }
0x142: {  	v17 =	vadd.s32 $0xC800, v6;
	v15 =	vadd.s32 $0xA000, v6;
	v11 =	vadd.s32 $0x7800, v10;
	[tilespmem:v14+s12+$0x0] =	vst.idx.add.f32.msk $0xffff, v9  }
0x143: {  	v10 =	vadd.s32 $0x7800, v20;
	v12 =	vadd.s32 $0xC800, v21;
	v13 =	vadd.s32 $0x7800, v8;
	v20 =	vld.idx.msk [tilespmem:v7+s2+$0x0], $0xffff  }
0x144: {  	v5 =	vadd.s32 $0xF000, v6;
	v14 =	vadd.s32 $0xA000, v21;
	v9 =	vadd.s32 $0x11800, v4;
	v22 =	vld.idx.msk [tilespmem:v22+s2+$0x0], $0xffff  }
0x145: {  	v7 =	vadd.s32 $0xF000, v4;
	v4 =	vadd.s32 $0x11800, v6;
	v8 =	vunpack.i.l.bf16.f32 v24  }
0x146: {  	v6 =	vadd.s32 $0xF000, v21;
	v24 =	vunpack.i.u.bf16.f32 v24;
	v27 =	vmul.f32 v8, v18  }
0x147: {  	v8 =	vadd.s32 $0x11800, v21;
	v18 =	vmul.f32 v24, v18;
	v21 =	vunpack.i.l.bf16.f32 v23  }
0x148: {  	v23 =	vunpack.i.u.bf16.f32 v23;
	v61 =	vmul.f32 v21, v2;
	[tilespmem:v26+s12+$0x0] =	vst.idx.add.f32.msk $0xffff, v27;
	v62 =	vunpack.i.u.bf16.f32 v20  }
0x149: {  	v63 =	vunpack.i.l.bf16.f32 v20;
	v20 =	vmul.f32 v23, v2;
	v21 =	vunpack.i.l.bf16.f32 v22;
	[tilespmem:v19+s12+$0x0] =	vst.idx.add.f32.msk $0xffff, v18  }
0x14a: {  	s17 =	simm.s32 $0x0;
	s18 =	simm.s32 $0x1F330;
	v19 =	vunpack.i.u.bf16.f32 v22;
	[tilespmem:v25+s12+$0x0] =	vst.idx.add.f32.msk $0xffff, v61;
	v22 =	vmul.f32 v63, v3;
	v18 =	vmul.f32 v62, v3  }
.LBB2_7:
0x14b: {  	v24 =	vld [tilespmem:s18+$0xFFFFF9C0];
	v29 =	vmul.f32 v21, v1;
	v30 =	vmul.f32 v19, v1  }
0x14c: {  	v19 =	vld [tilespmem:s18+$0xFFFFF9A0]  }
0x14d: {  	v23 =	vld [tilespmem:s18+$0xFFFFF9B0]  }
0x14e: {  	v25 =	vld [tilespmem:s18+$0xFFFFF990]  }
0x14f: {  	s17 =	sadd.s32 $0x40, s17;
	v31 =	vld [tilespmem:s18+$0xFFFFFFD0]  }
0x150: {  	p1 =	slt.u32 s17, $0x600;
	v32 =	vld [tilespmem:s18+$0xFFFFFFE0];
	v21 =	vand.u32 $0x3FFF, v24  }
0x151: {  	v26 =	vshrl.u32 v19, $0xE;
	v33 =	vand.u32 $0x3FFF, v19;
	v19 =	vld [tilespmem:s18+$0xFFFFFFF0]  }
0x152: {  	v34 =	vand.u32 $0x3FFF, v26;
	v26 =	vshrl.u32 v23, $0xE;
	v35 =	vand.u32 $0x3FFF, v23;
	[tilespmem:v16+s12+$0x0] =	vst.idx.add.f32.msk $0xffff, v20  }
0x153: {  	v16 =	vshrl.u32 v25, $0xE;
	v36 =	vand.u32 $0x3FFF, v25;
	v37 =	vand.u32 $0x3FFF, v26;
	[tilespmem:v15+s12+$0x0] =	vst.idx.add.f32.msk $0xffff, v22  }
0x154: {  	v39 =	vadd.s32 $0x2800, v34;
	v38 =	vand.u32 $0x3FFF, v16;
	v40 =	vadd.s32 $0x2800, v37;
	[tilespmem:v17+s12+$0x0] =	vst.idx.add.f32.msk $0xffff, v18  }
0x155: {  	v43 =	vadd.s32 $0x2800, v33;
	v42 =	vadd.s32 $0x2800, v36;
	v41 =	vadd.s32 $0x2800, v38;
	v17 =	vld.idx.msk [tilespmem:v21+s2+$0x0], $0xffff  }
0x156: {  	v47 =	vadd.s32 $0x2800, v35;
	v44 =	vadd.s32 $0x5000, v38;
	v45 =	vadd.s32 $0x7800, v38;
	v46 =	vld.idx.msk [tilespmem:v33+s2+$0x0], $0xffff  }
0x157: {  	v48 =	vadd.s32 $0x5000, v34;
	v28 =	vadd.s32 $0x7800, v34;
	v23 =	vadd.s32 $0x5000, v37;
	v20 =	vld [tilespmem:s18+$0x0]  }
0x158: {  	v15 =	vshrl.u32 v24, $0xE;
	v22 =	vadd.s32 $0x5000, v36;
	v27 =	vadd.s32 $0x7800, v37;
	v49 =	vld.idx.msk [tilespmem:v36+s2+$0x0], $0xffff  }
0x159: {  	v26 =	vadd.s32 $0x5000, v33;
	v24 =	vadd.s32 $0x5000, v35;
	v25 =	vand.u32 $0x3FFF, v15;
	v50 =	vld.idx.msk [tilespmem:v35+s2+$0x0], $0xffff  }
0x15a: {  	v18 =	vadd.s32 $0xA000, v38;
	v16 =	vadd.s32 $0xC800, v38;
	v51 =	vadd.s32 $0x2800, v25;
	[tilespmem:v14+s12+$0x0] =	vst.idx.add.f32.msk $0xffff, v29  }
0x15b: {  	v15 =	vadd.s32 $0xA000, v34;
	v14 =	vunpack.i.l.bf16.f32 v17;
	v29 =	vadd.s32 $0x2800, v21;
	[tilespmem:v12+s12+$0x0] =	vst.idx.add.f32.msk $0xffff, v30  }
0x15c: {  	v17 =	vunpack.i.u.bf16.f32 v17;
	v12 =	vunpack.i.u.bf16.f32 v46;
	v14 =	vmul.f32 v14, v20;
	v30 =	vld.idx.msk [tilespmem:v13+s2+$0x0], $0xffff  }
0x15d: {  	v13 =	vunpack.i.l.bf16.f32 v46;
	v46 =	vmul.f32 v12, v32;
	v12 =	vmul.f32 v17, v20;
	v52 =	vld.idx.msk [tilespmem:v11+s2+$0x0], $0xffff  }
0x15e: {  	v11 =	vunpack.i.u.bf16.f32 v49;
	v17 =	vunpack.i.l.bf16.f32 v49;
	v49 =	vmul.f32 v13, v32;
	[tilespmem:v25+s12+$0x0] =	vst.idx.add.f32.msk $0xffff, v14  }
0x15f: {  	v13 =	vmul.f32 v17, v31;
	v14 =	vunpack.i.u.bf16.f32 v50;
	v50 =	vunpack.i.l.bf16.f32 v50;
	[tilespmem:v51+s12+$0x0] =	vst.idx.add.f32.msk $0xffff, v12  }
0x160: {  	v11 =	vmul.f32 v11, v31;
	v17 =	vadd.s32 $0xC800, v34;
	v50 =	vmul.f32 v50, v19;
	v29 =	vld.idx.msk [tilespmem:v29+s2+$0x0], $0xffff  }
0x161: {  	v51 =	vmul.f32 v14, v19;
	v14 =	vadd.s32 $0xA000, v37;
	v12 =	vadd.s32 $0xC800, v37;
	[tilespmem:v38+s12+$0x0] =	vst.idx.add.f32.msk $0xffff, v13  }
0x162: {  	v13 =	vadd.s32 $0x7800, v36;
	[tilespmem:v41+s12+$0x0] =	vst.idx.add.f32.msk $0xffff, v11;
	v11 =	vadd.s32 $0x7800, v33;
	v33 =	vadd.s32 $0x7800, v35  }
0x163: {  	v35 =	vunpack.i.u.bf16.f32 v30;
	v30 =	vunpack.i.l.bf16.f32 v30;
	v36 =	vunpack.i.u.bf16.f32 v52;
	[tilespmem:v34+s12+$0x0] =	vst.idx.add.f32.msk $0xffff, v49  }
0x164: {  	v41 =	vunpack.i.l.bf16.f32 v52;
	v30 =	vmul.f32 v30, v2;
	[tilespmem:v39+s12+$0x0] =	vst.idx.add.f32.msk $0xffff, v46;
	v39 =	vadd.s32 $0x5000, v25  }
0x165: {  	v35 =	vmul.f32 v35, v2;
	v41 =	vmul.f32 v41, v3;
	v46 =	vadd.s32 $0x7800, v25;
	[tilespmem:v37+s12+$0x0] =	vst.idx.add.f32.msk $0xffff, v50  }
0x166: {  	v49 =	vadd.s32 $0x5000, v21;
	v36 =	vmul.f32 v36, v3;
	v2 =	vmovc v31;
	[tilespmem:v40+s12+$0x0] =	vst.idx.add.f32.msk $0xffff, v51;
	v40 =	vunpack.i.l.bf16.f32 v29  }
0x167: {  	v3 =	vmovc v32;
	v29 =	vunpack.i.u.bf16.f32 v29;
	v31 =	vld.idx.msk [tilespmem:v42+s2+$0x0], $0xffff;
	v42 =	vadd.s32 $0xF000, v38;
	v40 =	vmul.f32 v40, v20  }
0x168: {  	v32 =	vadd.s32 $0x11800, v38;
	v29 =	vmul.f32 v29, v20;
	v38 =	vld.idx.msk [tilespmem:v43+s2+$0x0], $0xffff;
	v43 =	vadd.s32 $0xF000, v34  }
0x169: {  	v50 =	vadd.s32 $0xF000, v37;
	v37 =	vadd.s32 $0x11800, v37;
	v34 =	vadd.s32 $0x11800, v34;
	[tilespmem:v39+s12+$0x0] =	vst.idx.add.f32.msk $0xffff, v40  }
0x16a: {  	[tilespmem:v46+s12+$0x0] =	vst.idx.add.f32.msk $0xffff, v29  }
0x16b: {  	v29 =	vld.idx.msk [tilespmem:v49+s2+$0x0], $0xffff  }
0x16c: {  	v39 =	vld.idx.msk [tilespmem:v47+s2+$0x0], $0xffff  }
0x16d: {  	v40 =	vunpack.i.u.bf16.f32 v31;
	v31 =	vunpack.i.l.bf16.f32 v31;
	v46 =	vld.idx.msk [tilespmem:v10+s2+$0x0], $0xffff;
	v10 =	vmov v33  }
0x16e: {  	v31 =	vmul.f32 v31, v2;
	v33 =	vunpack.i.u.bf16.f32 v38;
	v38 =	vunpack.i.l.bf16.f32 v38;
	[tilespmem:v7+s12+$0x0] =	vst.idx.add.f32.msk $0xffff, v30;
	v7 =	vmovc v42  }
0x16f: {  	v30 =	vmul.f32 v40, v2;
	v38 =	vmul.f32 v38, v3;
	v40 =	vadd.s32 $0xA000, v25;
	[tilespmem:v9+s12+$0x0] =	vst.idx.add.f32.msk $0xffff, v35  }
0x170: {  	v9 =	vmov v32;
	[tilespmem:v44+s12+$0x0] =	vst.idx.add.f32.msk $0xffff, v31;
	v31 =	vmul.f32 v33, v3;
	v33 =	vadd.s32 $0xC800, v25  }
0x171: {  	v21 =	vadd.s32 $0x7800, v21;
	[tilespmem:v45+s12+$0x0] =	vst.idx.add.f32.msk $0xffff, v30;
	v30 =	vunpack.i.l.bf16.f32 v29  }
0x172: {  	v32 =	vunpack.i.u.bf16.f32 v39;
	v29 =	vunpack.i.u.bf16.f32 v29;
	[tilespmem:v48+s12+$0x0] =	vst.idx.add.f32.msk $0xffff, v38;
	v30 =	vmul.f32 v30, v20  }
0x173: {  	v29 =	vmul.f32 v29, v20;
	[tilespmem:v28+s12+$0x0] =	vst.idx.add.f32.msk $0xffff, v31;
	v28 =	vunpack.i.l.bf16.f32 v39;
	v31 =	vmul.f32 v32, v19  }
0x174: {  	v32 =	vunpack.i.l.bf16.f32 v46;
	v28 =	vmul.f32 v28, v19;
	[tilespmem:v40+s12+$0x0] =	vst.idx.add.f32.msk $0xffff, v30;
	v30 =	vunpack.i.u.bf16.f32 v46  }
0x175: {  	[tilespmem:v33+s12+$0x0] =	vst.idx.add.f32.msk $0xffff, v29;
	v29 =	vmul.f32 v32, v1;
	v30 =	vmul.f32 v30, v1;
	v1 =	vmov v19  }
0x176: {  	v19 =	vld.idx.msk [tilespmem:v21+s2+$0x0], $0xffff  }
0x177: {  	[tilespmem:v23+s12+$0x0] =	vst.idx.add.f32.msk $0xffff, v28  }
0x178: {  	[tilespmem:v27+s12+$0x0] =	vst.idx.add.f32.msk $0xffff, v31  }
0x179: {  	v21 =	vld.idx.msk [tilespmem:v22+s2+$0x0], $0xffff  }
0x17a: {  	v23 =	vadd.s32 $0xF000, v25;
	v22 =	vld.idx.msk [tilespmem:v26+s2+$0x0], $0xffff  }
0x17b: {  	v25 =	vadd.s32 $0x11800, v25;
	v24 =	vld.idx.msk [tilespmem:v24+s2+$0x0], $0xffff  }
0x17c: {  	v26 =	vunpack.i.l.bf16.f32 v19;
	[tilespmem:v5+s12+$0x0] =	vst.idx.add.f32.msk $0xffff, v41;
	v5 =	vmov v43  }
0x17d: {  	v19 =	vunpack.i.u.bf16.f32 v19;
	v26 =	vmul.f32 v26, v20;
	[tilespmem:v4+s12+$0x0] =	vst.idx.add.f32.msk $0xffff, v36;
	v4 =	vmov v34  }
.Ltmp4:
0x17e: {  	v19 =	vmul.f32 v19, v20;
	[tilespmem:v6+s12+$0x0] =	vst.idx.add.f32.msk $0xffff, v29;
	v6 =	vmov v50;
	(pc) =	sbr.rel @p1 .LBB2_7-.Ltmp4, $4  }
0x17f: {  	v20 =	vunpack.i.u.bf16.f32 v21;
	v21 =	vunpack.i.l.bf16.f32 v21;
	[tilespmem:v23+s12+$0x0] =	vst.idx.add.f32.msk $0xffff, v26  }
0x180: {  	v23 =	vmul.f32 v21, v2;
	v26 =	vunpack.i.u.bf16.f32 v22;
	v22 =	vunpack.i.l.bf16.f32 v22;
	[tilespmem:v25+s12+$0x0] =	vst.idx.add.f32.msk $0xffff, v19  }
0x181: {  	v20 =	vmul.f32 v20, v2;
	v19 =	vunpack.i.u.bf16.f32 v24;
	v21 =	vunpack.i.l.bf16.f32 v24;
	[tilespmem:v8+s12+$0x0] =	vst.idx.add.f32.msk $0xffff, v30;
	v8 =	vmovc v37  }
0x182: {  	s18 =	sadd.s32 $0x40, s18;
	v22 =	vmul.f32 v22, v3;
	[tilespmem:v18+s12+$0x0] =	vst.idx.add.f32.msk $0xffff, v23;
	v18 =	vmul.f32 v26, v3  }
0x183: {  	_ =	sdelay $0x3  }
0x184: {  	[tilespmem:v16+s12+$0x0] =	vst.idx.add.f32.msk $0xffff, v20  }
0x185: {  	[tilespmem:v15+s12+$0x0] =	vst.idx.add.f32.msk $0xffff, v22  }
0x186: {  	v58 =	vmul.f32 v21, v1;
	v13 =	vld.idx.msk [tilespmem:v13+s2+$0x0], $0xffff  }
0x187: {  	[tilespmem:v17+s12+$0x0] =	vst.idx.add.f32.msk $0xffff, v18  }
0x188: {  	v59 =	vmul.f32 v19, v1;
	[tilespmem:v14+s12+$0x0] =	vst.idx.add.f32.msk $0xffff, v58  }
0x189: {  	v11 =	vld.idx.msk [tilespmem:v11+s2+$0x0], $0xffff  }
0x18a: {  	[tilespmem:v12+s12+$0x0] =	vst.idx.add.f32.msk $0xffff, v59  }
0x18b: {  	v10 =	vld.idx.msk [tilespmem:v10+s2+$0x0], $0xffff  }
0x18c: {  	v60 =	vunpack.i.l.bf16.f32 v13  }
0x18d: {  	v13 =	vunpack.i.u.bf16.f32 v13;
	v12 =	vmul.f32 v60, v2  }
0x18e: {  	v2 =	vmul.f32 v13, v2;
	v61 =	vunpack.i.l.bf16.f32 v11  }
0x18f: {  	v11 =	vunpack.i.u.bf16.f32 v11;
	v62 =	vmul.f32 v61, v3;
	[tilespmem:v7+s12+$0x0] =	vst.idx.add.f32.msk $0xffff, v12  }
.Ltmp5:
0x190: {  	v3 =	vmul.f32 v11, v3;
	[tilespmem:v9+s12+$0x0] =	vst.idx.add.f32.msk $0xffff, v2;
	v2 =	vunpack.i.l.bf16.f32 v10;
	(pc) =	sbr.rel @p0 .LBB2_10-.Ltmp5, $4  }
0x191: {  	v63 =	vunpack.i.u.bf16.f32 v10;
	v2 =	vmul.f32 v2, v1;
	[tilespmem:v5+s12+$0x0] =	vst.idx.add.f32.msk $0xffff, v62  }
0x192: {  	v1 =	vmul.f32 v63, v1;
	[tilespmem:v4+s12+$0x0] =	vst.idx.add.f32.msk $0xffff, v3  }
0x193: {  	[tilespmem:v6+s12+$0x0] =	vst.idx.add.f32.msk $0xffff, v2  }
0x194: {  	[tilespmem:v8+s12+$0x0] =	vst.idx.add.f32.msk $0xffff, v1  }
0x195: {  	s17 =	smul.u32 $0x1900, s16  }
.Ltmp6:
0x196: {  	_ = 	snop;
	(pc) =	sbr.rel .LBB2_4-.Ltmp6, $4  }
0x197: {  	s17 =	sshrl.u32 s17, $0x3  }
0x198: {  	s17 =	sadd.s32 s3, s17  }
0x199: {  	s16 =	sadd.s32 $0x1, s16;
	s17 =	sadd.s32 $0x4B0, s17  }
0x19a: {  	[tilespmem:s10], [sflag:$0x2] =	stream.linear.gather [hbm4b:s17+s2], $0xC80, $0x38;
	[tilespmem:$0x1F900] =	vst v63  }
.LBB2_11:
0x19b: {  	_ =	sfence.sel $0x180000  }
0x19c: {  	[bflag:$0x0] =	sbarrier.arrive $0xFFFF  }
0x19d: {  	p0 =	sne.s32 s0, $0x0;
	_ =	strace $0x90000047  }
0x19e: {  	s0 =	sadd.s32 @!p0 $0x100000, s1;
	[bflag:$0x2] =	sbarrier.arrive $0xFFFF  }
0x19f: {  	[sflag:s0] =	ssyncadd.tile.s32 @!p0 $0x1;
	_ =	shalt  }
.Lfunc_end2:
_tile_overlayer_lowered:
.L_overlay_start_2:
0x1a0: {  	(tag) =	ssettag $0x2  }
0x1a1: {  	s0 =	rddreg [dreg:$0x0];
	s2 =	stileid.u32  }
0x1a2: {  	s1 =	rddreg [dreg:$0x1];
	p0 =	sne.s32 s2, $0x0  }
0x1a3: {  	s3 =	rddreg [dreg:$0x2];
	[bflag:$0x3] =	sbarrier.arrive $0xFFFF;
	s2 =	simm.s32 @!p0 $0x1C04  }
0x1a4: {  	[timem:s3], [sflag:s2] =	dma.local @!p0 [hbm:s0], s1  }
0x1a5: {  	s0 =	simm.s32 @!p0 $0x4  }
0x1a6: {  	_ =	swait.ge @!p0 [sflag:s0], s1  }
0x1a7: {  	s1 =	ssub.s32 @!p0 $0x0, s1;
	[sflag:s0] =	ssyncset.done @!p0 $0x0  }
0x1a8: {  	[sflag:s0] =	ssyncadd.s32 @!p0 s1  }
0x1a9: {  	[bflag:$0x3] =	sbarrier.arrive $0xFFFF  }
0x1aa: {  	_ =	shalt  }

</sc_bundles>
